<compile_context>
chip_gen: v7x
topology: tpu7x:2x2x1
jax: 0.10.2.dev20260603
libtpu: 0.0.44.dev20260713+nightly
codegen_flags: <defaults>
</compile_context>

<pallas_src>
import functools

import jax
import jax.numpy as jnp
from jax import lax
from jax.experimental import pallas as pl
from jax.experimental.pallas import tpu as pltpu
from jax.experimental.pallas import tpu_sc as plsc

B = 16384
D_IN = 256
K = 64
NL = 8192
NC = 2
NS = 16
NW = NC * NS
BPW = B // NW
NCHUNK = 4


def _mm_body(x_ref, w_ref, o_ref):
    o_ref[...] = jnp.dot(x_ref[...], w_ref[...],
                         preferred_element_type=jnp.float32)


_matmul = pl.pallas_call(
    _mm_body,
    grid=(8,),
    in_specs=[
        pl.BlockSpec((B // 8, D_IN), lambda i: (i, 0)),
        pl.BlockSpec((D_IN, K), lambda i: (0, 0)),
    ],
    out_specs=pl.BlockSpec((B // 8, K), lambda i: (i, 0)),
    out_shape=jax.ShapeDtypeStruct((B, K), jnp.float32),
)


_sc_mesh = plsc.VectorSubcoreMesh(core_axis_name="c", subcore_axis_name="s")


@functools.partial(
    pl.kernel,
    out_type=[
        jax.ShapeDtypeStruct((NC * NL, K), jnp.float32),
        jax.ShapeDtypeStruct((B, 16), jnp.float32),
    ],
    mesh=_sc_mesh,
    scratch_types=[
        pltpu.VMEM((BPW, K), jnp.float32),
        pltpu.VMEM((BPW, K), jnp.float32),
        pltpu.VMEM((NCHUNK, 128), jnp.int32),
        pltpu.VMEM((BPW, 16), jnp.float32),
        pltpu.VMEM((64, K), jnp.float32),
        pltpu.VMEM_SHARED((NL, K), jnp.float32),
        pltpu.SemaphoreType.DMA,
        pltpu.SemaphoreType.DMA,
        pltpu.SemaphoreType.DMA,
        pltpu.SemaphoreType.DMA,
        pltpu.SemaphoreType.DMA,
    ],
    compiler_params=pltpu.CompilerParams(use_tc_tiling_on_sc=False),
)
def _sc_update(emb_hbm, lab_hbm, grid_hbm, dparts_hbm, ss_hbm,
               emb_v, rows_v, idx_v, ss_v, zeros_v, delta_sp,
               sem_e, sem_i, sem_g, sem_s, sem_z):
    cid = lax.axis_index("c")
    sid = lax.axis_index("s")
    wid = cid * NS + sid
    base = pl.multiple_of(wid * BPW, BPW)

    cp_e = pltpu.async_copy(emb_hbm.at[pl.ds(base, BPW)], emb_v, sem_e)
    cp_i = pltpu.async_copy(
        lab_hbm.at[pl.ds(pl.multiple_of(wid * NCHUNK, NCHUNK), NCHUNK)],
        idx_v, sem_i)

    zero16 = jnp.zeros((16,), jnp.float32)

    def _zero_body(i, carry):
        for j in range(K // 16):
            zeros_v[i, pl.ds(16 * j, 16)] = zero16
        return carry

    lax.fori_loop(0, 64, _zero_body, 0)
    zcps = []
    for t in range(BPW // 64):
        off = pl.multiple_of(sid * BPW + t * 64, 64)
        zcps.append(pltpu.async_copy(zeros_v, delta_sp.at[pl.ds(off, 64)],
                                     sem_z))

    cp_i.wait()
    one16 = jnp.full((16,), 1, jnp.int32)
    for j in range(NCHUNK):
        for q in range(128 // 16):
            sl = pl.ds(16 * q, 16)
            idx_v[j, sl] = idx_v[j, sl] - one16

    gcps = [
        pltpu.async_copy(grid_hbm.at[idx_v.at[j]],
                         rows_v.at[pl.ds(128 * j, 128)], sem_g)
        for j in range(NCHUNK)
    ]
    for cp in zcps:
        cp.wait()
    plsc.subcore_barrier()
    cp_e.wait()

    scps = []
    for j in range(NCHUNK):
        gcps[j].wait()

        def _sub_body(i, carry, j=j):
            for m in range(4):
                r = 4 * i + 128 * j + m
                acc = zero16
                for q in range(K // 16):
                    sl = pl.ds(16 * q, 16)
                    d = emb_v[r, sl] - rows_v[r, sl]
                    rows_v[r, sl] = d
                    acc = acc + d * d
                ss_v[r] = acc
            return carry

        lax.fori_loop(0, 32, _sub_body, 0)
        scps.append(pltpu.async_copy(rows_v.at[pl.ds(128 * j, 128)],
                                     delta_sp.at[idx_v.at[j]], sem_s,
                                     add=True))

    cp_ss = pltpu.async_copy(ss_v, ss_hbm.at[pl.ds(base, BPW)], sem_e)
    for cp in scps:
        cp.wait()
    plsc.subcore_barrier()

    src_off = pl.multiple_of(sid * BPW, BPW)
    dst_off = pl.multiple_of(cid * NL + sid * BPW, BPW)
    pltpu.sync_copy(delta_sp.at[pl.ds(src_off, BPW)],
                    dparts_hbm.at[pl.ds(dst_off, BPW)])
    cp_ss.wait()


_FSTEPS = 4


def _fin_body(grid_ref, d0_ref, d1_ref, ss_ref, sel_ref, out_ref, loss_ref):
    i = pl.program_id(0)
    dsum = d0_ref[...] + d1_ref[...]
    out_ref[0::2, :] = grid_ref[0::2, :] + 1e-3 * dsum[:, :K]
    out_ref[1::2, :] = grid_ref[1::2, :] + 1e-3 * dsum[:, K:]
    d2 = jnp.dot(ss_ref[...], sel_ref[...],
                 preferred_element_type=jnp.float32)
    d = jnp.sqrt(d2)
    part = jnp.sum(jnp.maximum(d - 0.2, 0.0)) * (1.0 / B)

    @pl.when(i == 0)
    def _():
        loss_ref[0, 0] = part

    @pl.when(i != 0)
    def _():
        loss_ref[0, 0] += part


_finish = pl.pallas_call(
    _fin_body,
    grid=(_FSTEPS,),
    in_specs=[
        pl.BlockSpec((NL // _FSTEPS, K), lambda i: (i, 0)),
        pl.BlockSpec((NL // _FSTEPS // 2, 128), lambda i: (i, 0)),
        pl.BlockSpec((NL // _FSTEPS // 2, 128), lambda i: (i + _FSTEPS, 0)),
        pl.BlockSpec((B // 8 // _FSTEPS, 128), lambda i: (i, 0)),
        pl.BlockSpec((128, 8), lambda i: (0, 0)),
    ],
    out_specs=(
        pl.BlockSpec((NL // _FSTEPS, K), lambda i: (i, 0)),
        pl.BlockSpec(memory_space=pltpu.SMEM),
    ),
    out_shape=(
        jax.ShapeDtypeStruct((NL, K), jnp.float32),
        jax.ShapeDtypeStruct((1, 1), jnp.float32),
    ),
)


def kernel(images, labels, W, grid):
    emb = _matmul(images, W)
    lab2d = labels.reshape(NW * NCHUNK, 128)
    dparts, ss = _sc_update(emb, lab2d, grid)
    dp2 = dparts.reshape(NC * NL * K // 128, 128)
    sel = (jnp.arange(128, dtype=jnp.int32)[:, None] // 16
           == jnp.arange(8, dtype=jnp.int32)[None, :]).astype(jnp.float32)
    new_grid, loss = _finish(grid, dp2, dp2, ss.reshape(B // 8, 128), sel)
    return loss.reshape(()), new_grid

# --- scband reference (transcript-rebuilt; emitter-appended) ---
"""Pipeline reference for scband-grid-model-6863357739382 (READ-ONLY COPY).

The authoritative reference and input builder live on the scoring server;
editing this copy changes nothing except your own understanding.
"""

import jax, jax.numpy as jnp
import numpy as np

B = 16384
D_IN = 256
K_DIM = 64
NUM_LABELS = 8192


def setup_inputs(seed: int = 0) -> dict:
    key = jax.random.key(seed)
    k1, k2, k3, k4 = jax.random.split(key, 4)
    images = jax.random.normal(k1, (B, D_IN), dtype=jnp.float32)
    # labels are 1-based in the original module (grid[labels - 1])
    labels = jax.random.randint(k2, (B,), 1, NUM_LABELS + 1, dtype=jnp.int32)
    # child_model approximated as a single linear projection to k-dim embeddings
    W = jax.random.normal(k3, (D_IN, K_DIM), dtype=jnp.float32) * (1.0 / np.sqrt(D_IN))
    # grid initialized uniform in [-1, 1] as in the original numpy init
    grid = jax.random.uniform(k4, (NUM_LABELS, K_DIM), dtype=jnp.float32) * 2.0 - 1.0
    return {"images": images, "labels": labels, "W": W, "grid": grid}


def reference(images, labels, W, grid):
    # child model forward -> embeddings
    embeddings = images @ W
    idx = labels - 1
    # gather grid points for each label (codebook lookup)
    grid_points_for_labels = jnp.take(grid, idx, axis=0)
    # tf.unique + unsorted_segment_sum over unique labels, then grid[unique-1] += delta*1e-3
    # is mathematically identical to a segment_sum over the full label space
    # (absent labels contribute zero delta).
    delta = jax.ops.segment_sum(embeddings - grid_points_for_labels, idx, num_segments=NUM_LABELS)
    new_grid = grid + delta * 0.001
    d = jnp.linalg.norm(embeddings - grid_points_for_labels, axis=1)
    loss = jnp.mean(jnp.maximum(0.0, d - 0.2))
    return loss, new_grid

if __name__ == "__main__":
    import jax
    _d = setup_inputs()
    print(jax.jit(kernel)(*tuple(_d.values())))

</pallas_src>

<mosaic_0001>
#map = affine_map<(d0, d1) -> (0, 0)>
module attributes {stable_mosaic.version = 14 : i64} {
  func.func @_sc_update(%arg0: i32, %arg1: i32, %arg2: memref<16384x64xf32, #tpu.memory_space<hbm>>, %arg3: memref<128x128xi32, #tpu.memory_space<hbm>>, %arg4: memref<8192x64xf32, #tpu.memory_space<hbm>>, %arg5: memref<16384x64xf32, #tpu.memory_space<hbm>>, %arg6: memref<16384x16xf32, #tpu.memory_space<hbm>>, %arg7: memref<512x64xf32, #tpu.memory_space<vmem>>, %arg8: memref<512x64xf32, #tpu.memory_space<vmem>>, %arg9: memref<4x128xi32, #tpu.memory_space<vmem>>, %arg10: memref<512x16xf32, #tpu.memory_space<vmem>>, %arg11: memref<64x64xf32, #tpu.memory_space<vmem>>, %arg12: memref<8192x64xf32, #tpu.memory_space<vmem_shared>>, %arg13: memref<!tpu.dma_semaphore, #tpu.memory_space<semaphore_mem>>, %arg14: memref<!tpu.dma_semaphore, #tpu.memory_space<semaphore_mem>>, %arg15: memref<!tpu.dma_semaphore, #tpu.memory_space<semaphore_mem>>, %arg16: memref<!tpu.dma_semaphore, #tpu.memory_space<semaphore_mem>>, %arg17: memref<!tpu.dma_semaphore, #tpu.memory_space<semaphore_mem>>) attributes {dimension_semantics = [#tpu.dimension_semantics<core_parallel>, #tpu.dimension_semantics<subcore_parallel>], iteration_bounds = array<i64: 2, 16>, scalar_prefetch = 0 : i64, scratch_operands = 11 : i64, tpu.core_type = #tpu.core_type<sc_vector_subcore>, window_params = [{transform_indices = #map}, {transform_indices = #map}, {transform_indices = #map}, {transform_indices = #map}, {transform_indices = #map}]} {
    %mul3A = arith.constant 16 : i32
    %mul3A_0 = arith.muli %arg0, %mul3A : i32
    %add3A = arith.addi %mul3A_0, %arg1 : i32
    %mul3A_1 = arith.constant 512 : i32
    %mul3A_2 = arith.muli %add3A, %mul3A_1 : i32
    %multiple_of3A = tpu.assume_multiple %mul3A_2, 512 : i32
    %dma_start3A = arith.constant 0 : i32
    %dma_start3A_3 = tpu.memref_slice %arg2[%multiple_of3A, %dma_start3A] : memref<16384x64xf32, #tpu.memory_space<hbm>> -> memref<512x64xf32, #tpu.memory_space<hbm>>
    %dma_start3A_4 = arith.constant 0 : i32
    %dma_start3A_5 = tpu.memref_slice %arg2[%multiple_of3A, %dma_start3A_4] : memref<16384x64xf32, #tpu.memory_space<hbm>> -> memref<512x64xf32, #tpu.memory_space<hbm>>
    tpu.enqueue_dma source(%dma_start3A_5 : memref<512x64xf32, #tpu.memory_space<hbm>>) target(%arg7 : memref<512x64xf32, #tpu.memory_space<vmem>>) target_semaphore(%arg13 : memref<!tpu.dma_semaphore, #tpu.memory_space<semaphore_mem>>)
    %mul3A_6 = arith.constant 4 : i32
    %mul3A_7 = arith.muli %add3A, %mul3A_6 : i32
    %multiple_of3A_8 = tpu.assume_multiple %mul3A_7, 4 : i32
    %dma_start3A_9 = arith.constant 0 : i32
    %dma_start3A_10 = tpu.memref_slice %arg3[%multiple_of3A_8, %dma_start3A_9] : memref<128x128xi32, #tpu.memory_space<hbm>> -> memref<4x128xi32, #tpu.memory_space<hbm>>
    %dma_start3A_11 = arith.constant 0 : i32
    %dma_start3A_12 = tpu.memref_slice %arg3[%multiple_of3A_8, %dma_start3A_11] : memref<128x128xi32, #tpu.memory_space<hbm>> -> memref<4x128xi32, #tpu.memory_space<hbm>>
    tpu.enqueue_dma source(%dma_start3A_12 : memref<4x128xi32, #tpu.memory_space<hbm>>) target(%arg9 : memref<4x128xi32, #tpu.memory_space<vmem>>) target_semaphore(%arg14 : memref<!tpu.dma_semaphore, #tpu.memory_space<semaphore_mem>>)
    %broadcast_in_dim3A = arith.constant 0.000000e+00 : f32
    %broadcast_in_dim3A_13 = vector.broadcast %broadcast_in_dim3A : f32 to vector<16xf32>
    %scan3A = arith.constant 0 : i32
    %scan3A_14 = arith.constant 0 : i32
    %scan3A_15 = arith.constant 64 : i32
    %scan3A_16 = arith.addi %scan3A_14, %scan3A_15 : i32
    %scan3A_17 = arith.constant 1 : i32
    scf.for %scan3A_715 = %scan3A_14 to %scan3A_16 step %scan3A_17  : i32 {
      %swap3A_716 = arith.index_cast %scan3A_715 : i32 to index
      %swap3A_717 = arith.constant 0 : index
      %swap3A_718 = tpu.vector_load %arg11[%swap3A_716, %swap3A_717] {strides = array<i32>} : memref<64x64xf32, #tpu.memory_space<vmem>>, vector<1x16xf32>,
      %swap3A_719 = vector.shape_cast %swap3A_718 : vector<1x16xf32> to vector<16xf32>
      %swap3A_720 = vector.shape_cast %broadcast_in_dim3A_13 : vector<16xf32> to vector<1x16xf32>
      tpu.vector_store %arg11[%swap3A_716, %swap3A_717], %swap3A_720 {strides = array<i32>} : memref<64x64xf32, #tpu.memory_space<vmem>>, vector<1x16xf32>,
      %swap3A_721 = arith.index_cast %scan3A_715 : i32 to index
      %swap3A_722 = arith.constant 16 : index
      %swap3A_723 = tpu.vector_load %arg11[%swap3A_721, %swap3A_722] {strides = array<i32>} : memref<64x64xf32, #tpu.memory_space<vmem>>, vector<1x16xf32>,
      %swap3A_724 = vector.shape_cast %swap3A_723 : vector<1x16xf32> to vector<16xf32>
      %swap3A_725 = vector.shape_cast %broadcast_in_dim3A_13 : vector<16xf32> to vector<1x16xf32>
      tpu.vector_store %arg11[%swap3A_721, %swap3A_722], %swap3A_725 {strides = array<i32>} : memref<64x64xf32, #tpu.memory_space<vmem>>, vector<1x16xf32>,
      %swap3A_726 = arith.index_cast %scan3A_715 : i32 to index
      %swap3A_727 = arith.constant 32 : index
      %swap3A_728 = tpu.vector_load %arg11[%swap3A_726, %swap3A_727] {strides = array<i32>} : memref<64x64xf32, #tpu.memory_space<vmem>>, vector<1x16xf32>,
      %swap3A_729 = vector.shape_cast %swap3A_728 : vector<1x16xf32> to vector<16xf32>
      %swap3A_730 = vector.shape_cast %broadcast_in_dim3A_13 : vector<16xf32> to vector<1x16xf32>
      tpu.vector_store %arg11[%swap3A_726, %swap3A_727], %swap3A_730 {strides = array<i32>} : memref<64x64xf32, #tpu.memory_space<vmem>>, vector<1x16xf32>,
      %swap3A_731 = arith.index_cast %scan3A_715 : i32 to index
      %swap3A_732 = arith.constant 48 : index
      %swap3A_733 = tpu.vector_load %arg11[%swap3A_731, %swap3A_732] {strides = array<i32>} : memref<64x64xf32, #tpu.memory_space<vmem>>, vector<1x16xf32>,
      %swap3A_734 = vector.shape_cast %swap3A_733 : vector<1x16xf32> to vector<16xf32>
      %swap3A_735 = vector.shape_cast %broadcast_in_dim3A_13 : vector<16xf32> to vector<1x16xf32>
      tpu.vector_store %arg11[%swap3A_731, %swap3A_732], %swap3A_735 {strides = array<i32>} : memref<64x64xf32, #tpu.memory_space<vmem>>, vector<1x16xf32>,
    }
    %scan3A_18 = arith.constant 64 : i32
    %mul3A_19 = arith.constant 512 : i32
    %mul3A_20 = arith.muli %arg1, %mul3A_19 : i32
    %add3A_21 = arith.constant 0 : i32
    %add3A_22 = arith.addi %mul3A_20, %add3A_21 : i32
    %multiple_of3A_23 = tpu.assume_multiple %add3A_22, 64 : i32
    %dma_start3A_24 = arith.constant 0 : i32
    %dma_start3A_25 = tpu.memref_slice %arg12[%multiple_of3A_23, %dma_start3A_24] : memref<8192x64xf32, #tpu.memory_space<vmem_shared>> -> memref<64x64xf32, #tpu.memory_space<vmem_shared>>
    %dma_start3A_26 = arith.constant 0 : i32
    %dma_start3A_27 = tpu.memref_slice %arg12[%multiple_of3A_23, %dma_start3A_26] : memref<8192x64xf32, #tpu.memory_space<vmem_shared>> -> memref<64x64xf32, #tpu.memory_space<vmem_shared>>
    tpu.enqueue_dma source(%arg11 : memref<64x64xf32, #tpu.memory_space<vmem>>) target(%dma_start3A_27 : memref<64x64xf32, #tpu.memory_space<vmem_shared>>) target_semaphore(%arg17 : memref<!tpu.dma_semaphore, #tpu.memory_space<semaphore_mem>>)
    %mul3A_28 = arith.constant 512 : i32
    %mul3A_29 = arith.muli %arg1, %mul3A_28 : i32
    %add3A_30 = arith.constant 64 : i32
    %add3A_31 = arith.addi %mul3A_29, %add3A_30 : i32
    %multiple_of3A_32 = tpu.assume_multiple %add3A_31, 64 : i32
    %dma_start3A_33 = arith.constant 0 : i32
    %dma_start3A_34 = tpu.memref_slice %arg12[%multiple_of3A_32, %dma_start3A_33] : memref<8192x64xf32, #tpu.memory_space<vmem_shared>> -> memref<64x64xf32, #tpu.memory_space<vmem_shared>>
    %dma_start3A_35 = arith.constant 0 : i32
    %dma_start3A_36 = tpu.memref_slice %arg12[%multiple_of3A_32, %dma_start3A_35] : memref<8192x64xf32, #tpu.memory_space<vmem_shared>> -> memref<64x64xf32, #tpu.memory_space<vmem_shared>>
    tpu.enqueue_dma source(%arg11 : memref<64x64xf32, #tpu.memory_space<vmem>>) target(%dma_start3A_36 : memref<64x64xf32, #tpu.memory_space<vmem_shared>>) target_semaphore(%arg17 : memref<!tpu.dma_semaphore, #tpu.memory_space<semaphore_mem>>)
    %mul3A_37 = arith.constant 512 : i32
    %mul3A_38 = arith.muli %arg1, %mul3A_37 : i32
    %add3A_39 = arith.constant 128 : i32
    %add3A_40 = arith.addi %mul3A_38, %add3A_39 : i32
    %multiple_of3A_41 = tpu.assume_multiple %add3A_40, 64 : i32
    %dma_start3A_42 = arith.constant 0 : i32
    %dma_start3A_43 = tpu.memref_slice %arg12[%multiple_of3A_41, %dma_start3A_42] : memref<8192x64xf32, #tpu.memory_space<vmem_shared>> -> memref<64x64xf32, #tpu.memory_space<vmem_shared>>
    %dma_start3A_44 = arith.constant 0 : i32
    %dma_start3A_45 = tpu.memref_slice %arg12[%multiple_of3A_41, %dma_start3A_44] : memref<8192x64xf32, #tpu.memory_space<vmem_shared>> -> memref<64x64xf32, #tpu.memory_space<vmem_shared>>
    tpu.enqueue_dma source(%arg11 : memref<64x64xf32, #tpu.memory_space<vmem>>) target(%dma_start3A_45 : memref<64x64xf32, #tpu.memory_space<vmem_shared>>) target_semaphore(%arg17 : memref<!tpu.dma_semaphore, #tpu.memory_space<semaphore_mem>>)
    %mul3A_46 = arith.constant 512 : i32
    %mul3A_47 = arith.muli %arg1, %mul3A_46 : i32
    %add3A_48 = arith.constant 192 : i32
    %add3A_49 = arith.addi %mul3A_47, %add3A_48 : i32
    %multiple_of3A_50 = tpu.assume_multiple %add3A_49, 64 : i32
    %dma_start3A_51 = arith.constant 0 : i32
    %dma_start3A_52 = tpu.memref_slice %arg12[%multiple_of3A_50, %dma_start3A_51] : memref<8192x64xf32, #tpu.memory_space<vmem_shared>> -> memref<64x64xf32, #tpu.memory_space<vmem_shared>>
    %dma_start3A_53 = arith.constant 0 : i32
    %dma_start3A_54 = tpu.memref_slice %arg12[%multiple_of3A_50, %dma_start3A_53] : memref<8192x64xf32, #tpu.memory_space<vmem_shared>> -> memref<64x64xf32, #tpu.memory_space<vmem_shared>>
    tpu.enqueue_dma source(%arg11 : memref<64x64xf32, #tpu.memory_space<vmem>>) target(%dma_start3A_54 : memref<64x64xf32, #tpu.memory_space<vmem_shared>>) target_semaphore(%arg17 : memref<!tpu.dma_semaphore, #tpu.memory_space<semaphore_mem>>)
    %mul3A_55 = arith.constant 512 : i32
    %mul3A_56 = arith.muli %arg1, %mul3A_55 : i32
    %add3A_57 = arith.constant 256 : i32
    %add3A_58 = arith.addi %mul3A_56, %add3A_57 : i32
    %multiple_of3A_59 = tpu.assume_multiple %add3A_58, 64 : i32
    %dma_start3A_60 = arith.constant 0 : i32
    %dma_start3A_61 = tpu.memref_slice %arg12[%multiple_of3A_59, %dma_start3A_60] : memref<8192x64xf32, #tpu.memory_space<vmem_shared>> -> memref<64x64xf32, #tpu.memory_space<vmem_shared>>
    %dma_start3A_62 = arith.constant 0 : i32
    %dma_start3A_63 = tpu.memref_slice %arg12[%multiple_of3A_59, %dma_start3A_62] : memref<8192x64xf32, #tpu.memory_space<vmem_shared>> -> memref<64x64xf32, #tpu.memory_space<vmem_shared>>
    tpu.enqueue_dma source(%arg11 : memref<64x64xf32, #tpu.memory_space<vmem>>) target(%dma_start3A_63 : memref<64x64xf32, #tpu.memory_space<vmem_shared>>) target_semaphore(%arg17 : memref<!tpu.dma_semaphore, #tpu.memory_space<semaphore_mem>>)
    %mul3A_64 = arith.constant 512 : i32
    %mul3A_65 = arith.muli %arg1, %mul3A_64 : i32
    %add3A_66 = arith.constant 320 : i32
    %add3A_67 = arith.addi %mul3A_65, %add3A_66 : i32
    %multiple_of3A_68 = tpu.assume_multiple %add3A_67, 64 : i32
    %dma_start3A_69 = arith.constant 0 : i32
    %dma_start3A_70 = tpu.memref_slice %arg12[%multiple_of3A_68, %dma_start3A_69] : memref<8192x64xf32, #tpu.memory_space<vmem_shared>> -> memref<64x64xf32, #tpu.memory_space<vmem_shared>>
    %dma_start3A_71 = arith.constant 0 : i32
    %dma_start3A_72 = tpu.memref_slice %arg12[%multiple_of3A_68, %dma_start3A_71] : memref<8192x64xf32, #tpu.memory_space<vmem_shared>> -> memref<64x64xf32, #tpu.memory_space<vmem_shared>>
    tpu.enqueue_dma source(%arg11 : memref<64x64xf32, #tpu.memory_space<vmem>>) target(%dma_start3A_72 : memref<64x64xf32, #tpu.memory_space<vmem_shared>>) target_semaphore(%arg17 : memref<!tpu.dma_semaphore, #tpu.memory_space<semaphore_mem>>)
    %mul3A_73 = arith.constant 512 : i32
    %mul3A_74 = arith.muli %arg1, %mul3A_73 : i32
    %add3A_75 = arith.constant 384 : i32
    %add3A_76 = arith.addi %mul3A_74, %add3A_75 : i32
    %multiple_of3A_77 = tpu.assume_multiple %add3A_76, 64 : i32
    %dma_start3A_78 = arith.constant 0 : i32
    %dma_start3A_79 = tpu.memref_slice %arg12[%multiple_of3A_77, %dma_start3A_78] : memref<8192x64xf32, #tpu.memory_space<vmem_shared>> -> memref<64x64xf32, #tpu.memory_space<vmem_shared>>
    %dma_start3A_80 = arith.constant 0 : i32
    %dma_start3A_81 = tpu.memref_slice %arg12[%multiple_of3A_77, %dma_start3A_80] : memref<8192x64xf32, #tpu.memory_space<vmem_shared>> -> memref<64x64xf32, #tpu.memory_space<vmem_shared>>
    tpu.enqueue_dma source(%arg11 : memref<64x64xf32, #tpu.memory_space<vmem>>) target(%dma_start3A_81 : memref<64x64xf32, #tpu.memory_space<vmem_shared>>) target_semaphore(%arg17 : memref<!tpu.dma_semaphore, #tpu.memory_space<semaphore_mem>>)
    %mul3A_82 = arith.constant 512 : i32
    %mul3A_83 = arith.muli %arg1, %mul3A_82 : i32
    %add3A_84 = arith.constant 448 : i32
    %add3A_85 = arith.addi %mul3A_83, %add3A_84 : i32
    %multiple_of3A_86 = tpu.assume_multiple %add3A_85, 64 : i32
    %dma_start3A_87 = arith.constant 0 : i32
    %dma_start3A_88 = tpu.memref_slice %arg12[%multiple_of3A_86, %dma_start3A_87] : memref<8192x64xf32, #tpu.memory_space<vmem_shared>> -> memref<64x64xf32, #tpu.memory_space<vmem_shared>>
    %dma_start3A_89 = arith.constant 0 : i32
    %dma_start3A_90 = tpu.memref_slice %arg12[%multiple_of3A_86, %dma_start3A_89] : memref<8192x64xf32, #tpu.memory_space<vmem_shared>> -> memref<64x64xf32, #tpu.memory_space<vmem_shared>>
    tpu.enqueue_dma source(%arg11 : memref<64x64xf32, #tpu.memory_space<vmem>>) target(%dma_start3A_90 : memref<64x64xf32, #tpu.memory_space<vmem_shared>>) target_semaphore(%arg17 : memref<!tpu.dma_semaphore, #tpu.memory_space<semaphore_mem>>)
    %dma_wait3A = arith.constant 0 : i32
    %dma_wait3A_91 = tpu.memref_slice %arg3[%multiple_of3A_8, %dma_wait3A] : memref<128x128xi32, #tpu.memory_space<hbm>> -> memref<4x128xi32, #tpu.memory_space<hbm>>
    %dma_wait3A_92 = arith.constant 0 : i32
    %dma_wait3A_93 = tpu.memref_slice %arg3[%multiple_of3A_8, %dma_wait3A_92] : memref<128x128xi32, #tpu.memory_space<hbm>> -> memref<4x128xi32, #tpu.memory_space<hbm>>
    tpu.wait_dma2 semaphore(%arg14 : memref<!tpu.dma_semaphore, #tpu.memory_space<semaphore_mem>>) src(%dma_wait3A_93 : memref<4x128xi32, #tpu.memory_space<hbm>>) dst(%arg9 : memref<4x128xi32, #tpu.memory_space<vmem>>)
    %broadcast_in_dim3A_94 = arith.constant 1 : i32
    %broadcast_in_dim3A_95 = vector.broadcast %broadcast_in_dim3A_94 : i32 to vector<16xi32>
    %get3A = arith.constant 0 : i32
    %get3A_96 = arith.index_cast %get3A : i32 to index
    %get3A_97 = arith.constant 0 : index
    %get3A_98 = tpu.vector_load %arg9[%get3A_96, %get3A_97] {strides = array<i32>} : memref<4x128xi32, #tpu.memory_space<vmem>>, vector<1x16xi32>,
    %get3A_99 = vector.shape_cast %get3A_98 : vector<1x16xi32> to vector<16xi32>
    %sub3A = arith.subi %get3A_99, %broadcast_in_dim3A_95 : vector<16xi32>
    %swap3A = arith.constant 0 : i32
    %swap3A_100 = arith.index_cast %swap3A : i32 to index
    %swap3A_101 = arith.constant 0 : index
    %swap3A_102 = tpu.vector_load %arg9[%swap3A_100, %swap3A_101] {strides = array<i32>} : memref<4x128xi32, #tpu.memory_space<vmem>>, vector<1x16xi32>,
    %swap3A_103 = vector.shape_cast %swap3A_102 : vector<1x16xi32> to vector<16xi32>
    %swap3A_104 = vector.shape_cast %sub3A : vector<16xi32> to vector<1x16xi32>
    tpu.vector_store %arg9[%swap3A_100, %swap3A_101], %swap3A_104 {strides = array<i32>} : memref<4x128xi32, #tpu.memory_space<vmem>>, vector<1x16xi32>,
    %get3A_105 = arith.constant 0 : i32
    %get3A_106 = arith.index_cast %get3A_105 : i32 to index
    %get3A_107 = arith.constant 16 : index
    %get3A_108 = tpu.vector_load %arg9[%get3A_106, %get3A_107] {strides = array<i32>} : memref<4x128xi32, #tpu.memory_space<vmem>>, vector<1x16xi32>,
    %get3A_109 = vector.shape_cast %get3A_108 : vector<1x16xi32> to vector<16xi32>
    %sub3A_110 = arith.subi %get3A_109, %broadcast_in_dim3A_95 : vector<16xi32>
    %swap3A_111 = arith.constant 0 : i32
    %swap3A_112 = arith.index_cast %swap3A_111 : i32 to index
    %swap3A_113 = arith.constant 16 : index
    %swap3A_114 = tpu.vector_load %arg9[%swap3A_112, %swap3A_113] {strides = array<i32>} : memref<4x128xi32, #tpu.memory_space<vmem>>, vector<1x16xi32>,
    %swap3A_115 = vector.shape_cast %swap3A_114 : vector<1x16xi32> to vector<16xi32>
    %swap3A_116 = vector.shape_cast %sub3A_110 : vector<16xi32> to vector<1x16xi32>
    tpu.vector_store %arg9[%swap3A_112, %swap3A_113], %swap3A_116 {strides = array<i32>} : memref<4x128xi32, #tpu.memory_space<vmem>>, vector<1x16xi32>,
    %get3A_117 = arith.constant 0 : i32
    %get3A_118 = arith.index_cast %get3A_117 : i32 to index
    %get3A_119 = arith.constant 32 : index
    %get3A_120 = tpu.vector_load %arg9[%get3A_118, %get3A_119] {strides = array<i32>} : memref<4x128xi32, #tpu.memory_space<vmem>>, vector<1x16xi32>,
    %get3A_121 = vector.shape_cast %get3A_120 : vector<1x16xi32> to vector<16xi32>
    %sub3A_122 = arith.subi %get3A_121, %broadcast_in_dim3A_95 : vector<16xi32>
    %swap3A_123 = arith.constant 0 : i32
    %swap3A_124 = arith.index_cast %swap3A_123 : i32 to index
    %swap3A_125 = arith.constant 32 : index
    %swap3A_126 = tpu.vector_load %arg9[%swap3A_124, %swap3A_125] {strides = array<i32>} : memref<4x128xi32, #tpu.memory_space<vmem>>, vector<1x16xi32>,
    %swap3A_127 = vector.shape_cast %swap3A_126 : vector<1x16xi32> to vector<16xi32>
    %swap3A_128 = vector.shape_cast %sub3A_122 : vector<16xi32> to vector<1x16xi32>
    tpu.vector_store %arg9[%swap3A_124, %swap3A_125], %swap3A_128 {strides = array<i32>} : memref<4x128xi32, #tpu.memory_space<vmem>>, vector<1x16xi32>,
    %get3A_129 = arith.constant 0 : i32
    %get3A_130 = arith.index_cast %get3A_129 : i32 to index
    %get3A_131 = arith.constant 48 : index
    %get3A_132 = tpu.vector_load %arg9[%get3A_130, %get3A_131] {strides = array<i32>} : memref<4x128xi32, #tpu.memory_space<vmem>>, vector<1x16xi32>,
    %get3A_133 = vector.shape_cast %get3A_132 : vector<1x16xi32> to vector<16xi32>
    %sub3A_134 = arith.subi %get3A_133, %broadcast_in_dim3A_95 : vector<16xi32>
    %swap3A_135 = arith.constant 0 : i32
    %swap3A_136 = arith.index_cast %swap3A_135 : i32 to index
    %swap3A_137 = arith.constant 48 : index
    %swap3A_138 = tpu.vector_load %arg9[%swap3A_136, %swap3A_137] {strides = array<i32>} : memref<4x128xi32, #tpu.memory_space<vmem>>, vector<1x16xi32>,
    %swap3A_139 = vector.shape_cast %swap3A_138 : vector<1x16xi32> to vector<16xi32>
    %swap3A_140 = vector.shape_cast %sub3A_134 : vector<16xi32> to vector<1x16xi32>
    tpu.vector_store %arg9[%swap3A_136, %swap3A_137], %swap3A_140 {strides = array<i32>} : memref<4x128xi32, #tpu.memory_space<vmem>>, vector<1x16xi32>,
    %get3A_141 = arith.constant 0 : i32
    %get3A_142 = arith.index_cast %get3A_141 : i32 to index
    %get3A_143 = arith.constant 64 : index
    %get3A_144 = tpu.vector_load %arg9[%get3A_142, %get3A_143] {strides = array<i32>} : memref<4x128xi32, #tpu.memory_space<vmem>>, vector<1x16xi32>,
    %get3A_145 = vector.shape_cast %get3A_144 : vector<1x16xi32> to vector<16xi32>
    %sub3A_146 = arith.subi %get3A_145, %broadcast_in_dim3A_95 : vector<16xi32>
    %swap3A_147 = arith.constant 0 : i32
    %swap3A_148 = arith.index_cast %swap3A_147 : i32 to index
    %swap3A_149 = arith.constant 64 : index
    %swap3A_150 = tpu.vector_load %arg9[%swap3A_148, %swap3A_149] {strides = array<i32>} : memref<4x128xi32, #tpu.memory_space<vmem>>, vector<1x16xi32>,
    %swap3A_151 = vector.shape_cast %swap3A_150 : vector<1x16xi32> to vector<16xi32>
    %swap3A_152 = vector.shape_cast %sub3A_146 : vector<16xi32> to vector<1x16xi32>
    tpu.vector_store %arg9[%swap3A_148, %swap3A_149], %swap3A_152 {strides = array<i32>} : memref<4x128xi32, #tpu.memory_space<vmem>>, vector<1x16xi32>,
    %get3A_153 = arith.constant 0 : i32
    %get3A_154 = arith.index_cast %get3A_153 : i32 to index
    %get3A_155 = arith.constant 80 : index
    %get3A_156 = tpu.vector_load %arg9[%get3A_154, %get3A_155] {strides = array<i32>} : memref<4x128xi32, #tpu.memory_space<vmem>>, vector<1x16xi32>,
    %get3A_157 = vector.shape_cast %get3A_156 : vector<1x16xi32> to vector<16xi32>
    %sub3A_158 = arith.subi %get3A_157, %broadcast_in_dim3A_95 : vector<16xi32>
    %swap3A_159 = arith.constant 0 : i32
    %swap3A_160 = arith.index_cast %swap3A_159 : i32 to index
    %swap3A_161 = arith.constant 80 : index
    %swap3A_162 = tpu.vector_load %arg9[%swap3A_160, %swap3A_161] {strides = array<i32>} : memref<4x128xi32, #tpu.memory_space<vmem>>, vector<1x16xi32>,
    %swap3A_163 = vector.shape_cast %swap3A_162 : vector<1x16xi32> to vector<16xi32>
    %swap3A_164 = vector.shape_cast %sub3A_158 : vector<16xi32> to vector<1x16xi32>
    tpu.vector_store %arg9[%swap3A_160, %swap3A_161], %swap3A_164 {strides = array<i32>} : memref<4x128xi32, #tpu.memory_space<vmem>>, vector<1x16xi32>,
    %get3A_165 = arith.constant 0 : i32
    %get3A_166 = arith.index_cast %get3A_165 : i32 to index
    %get3A_167 = arith.constant 96 : index
    %get3A_168 = tpu.vector_load %arg9[%get3A_166, %get3A_167] {strides = array<i32>} : memref<4x128xi32, #tpu.memory_space<vmem>>, vector<1x16xi32>,
    %get3A_169 = vector.shape_cast %get3A_168 : vector<1x16xi32> to vector<16xi32>
    %sub3A_170 = arith.subi %get3A_169, %broadcast_in_dim3A_95 : vector<16xi32>
    %swap3A_171 = arith.constant 0 : i32
    %swap3A_172 = arith.index_cast %swap3A_171 : i32 to index
    %swap3A_173 = arith.constant 96 : index
    %swap3A_174 = tpu.vector_load %arg9[%swap3A_172, %swap3A_173] {strides = array<i32>} : memref<4x128xi32, #tpu.memory_space<vmem>>, vector<1x16xi32>,
    %swap3A_175 = vector.shape_cast %swap3A_174 : vector<1x16xi32> to vector<16xi32>
    %swap3A_176 = vector.shape_cast %sub3A_170 : vector<16xi32> to vector<1x16xi32>
    tpu.vector_store %arg9[%swap3A_172, %swap3A_173], %swap3A_176 {strides = array<i32>} : memref<4x128xi32, #tpu.memory_space<vmem>>, vector<1x16xi32>,
    %get3A_177 = arith.constant 0 : i32
    %get3A_178 = arith.index_cast %get3A_177 : i32 to index
    %get3A_179 = arith.constant 112 : index
    %get3A_180 = tpu.vector_load %arg9[%get3A_178, %get3A_179] {strides = array<i32>} : memref<4x128xi32, #tpu.memory_space<vmem>>, vector<1x16xi32>,
    %get3A_181 = vector.shape_cast %get3A_180 : vector<1x16xi32> to vector<16xi32>
    %sub3A_182 = arith.subi %get3A_181, %broadcast_in_dim3A_95 : vector<16xi32>
    %swap3A_183 = arith.constant 0 : i32
    %swap3A_184 = arith.index_cast %swap3A_183 : i32 to index
    %swap3A_185 = arith.constant 112 : index
    %swap3A_186 = tpu.vector_load %arg9[%swap3A_184, %swap3A_185] {strides = array<i32>} : memref<4x128xi32, #tpu.memory_space<vmem>>, vector<1x16xi32>,
    %swap3A_187 = vector.shape_cast %swap3A_186 : vector<1x16xi32> to vector<16xi32>
    %swap3A_188 = vector.shape_cast %sub3A_182 : vector<16xi32> to vector<1x16xi32>
    tpu.vector_store %arg9[%swap3A_184, %swap3A_185], %swap3A_188 {strides = array<i32>} : memref<4x128xi32, #tpu.memory_space<vmem>>, vector<1x16xi32>,
    %get3A_189 = arith.constant 1 : i32
    %get3A_190 = arith.index_cast %get3A_189 : i32 to index
    %get3A_191 = arith.constant 0 : index
    %get3A_192 = tpu.vector_load %arg9[%get3A_190, %get3A_191] {strides = array<i32>} : memref<4x128xi32, #tpu.memory_space<vmem>>, vector<1x16xi32>,
    %get3A_193 = vector.shape_cast %get3A_192 : vector<1x16xi32> to vector<16xi32>
    %sub3A_194 = arith.subi %get3A_193, %broadcast_in_dim3A_95 : vector<16xi32>
    %swap3A_195 = arith.constant 1 : i32
    %swap3A_196 = arith.index_cast %swap3A_195 : i32 to index
    %swap3A_197 = arith.constant 0 : index
    %swap3A_198 = tpu.vector_load %arg9[%swap3A_196, %swap3A_197] {strides = array<i32>} : memref<4x128xi32, #tpu.memory_space<vmem>>, vector<1x16xi32>,
    %swap3A_199 = vector.shape_cast %swap3A_198 : vector<1x16xi32> to vector<16xi32>
    %swap3A_200 = vector.shape_cast %sub3A_194 : vector<16xi32> to vector<1x16xi32>
    tpu.vector_store %arg9[%swap3A_196, %swap3A_197], %swap3A_200 {strides = array<i32>} : memref<4x128xi32, #tpu.memory_space<vmem>>, vector<1x16xi32>,
    %get3A_201 = arith.constant 1 : i32
    %get3A_202 = arith.index_cast %get3A_201 : i32 to index
    %get3A_203 = arith.constant 16 : index
    %get3A_204 = tpu.vector_load %arg9[%get3A_202, %get3A_203] {strides = array<i32>} : memref<4x128xi32, #tpu.memory_space<vmem>>, vector<1x16xi32>,
    %get3A_205 = vector.shape_cast %get3A_204 : vector<1x16xi32> to vector<16xi32>
    %sub3A_206 = arith.subi %get3A_205, %broadcast_in_dim3A_95 : vector<16xi32>
    %swap3A_207 = arith.constant 1 : i32
    %swap3A_208 = arith.index_cast %swap3A_207 : i32 to index
    %swap3A_209 = arith.constant 16 : index
    %swap3A_210 = tpu.vector_load %arg9[%swap3A_208, %swap3A_209] {strides = array<i32>} : memref<4x128xi32, #tpu.memory_space<vmem>>, vector<1x16xi32>,
    %swap3A_211 = vector.shape_cast %swap3A_210 : vector<1x16xi32> to vector<16xi32>
    %swap3A_212 = vector.shape_cast %sub3A_206 : vector<16xi32> to vector<1x16xi32>
    tpu.vector_store %arg9[%swap3A_208, %swap3A_209], %swap3A_212 {strides = array<i32>} : memref<4x128xi32, #tpu.memory_space<vmem>>, vector<1x16xi32>,
    %get3A_213 = arith.constant 1 : i32
    %get3A_214 = arith.index_cast %get3A_213 : i32 to index
    %get3A_215 = arith.constant 32 : index
    %get3A_216 = tpu.vector_load %arg9[%get3A_214, %get3A_215] {strides = array<i32>} : memref<4x128xi32, #tpu.memory_space<vmem>>, vector<1x16xi32>,
    %get3A_217 = vector.shape_cast %get3A_216 : vector<1x16xi32> to vector<16xi32>
    %sub3A_218 = arith.subi %get3A_217, %broadcast_in_dim3A_95 : vector<16xi32>
    %swap3A_219 = arith.constant 1 : i32
    %swap3A_220 = arith.index_cast %swap3A_219 : i32 to index
    %swap3A_221 = arith.constant 32 : index
    %swap3A_222 = tpu.vector_load %arg9[%swap3A_220, %swap3A_221] {strides = array<i32>} : memref<4x128xi32, #tpu.memory_space<vmem>>, vector<1x16xi32>,
    %swap3A_223 = vector.shape_cast %swap3A_222 : vector<1x16xi32> to vector<16xi32>
    %swap3A_224 = vector.shape_cast %sub3A_218 : vector<16xi32> to vector<1x16xi32>
    tpu.vector_store %arg9[%swap3A_220, %swap3A_221], %swap3A_224 {strides = array<i32>} : memref<4x128xi32, #tpu.memory_space<vmem>>, vector<1x16xi32>,
    %get3A_225 = arith.constant 1 : i32
    %get3A_226 = arith.index_cast %get3A_225 : i32 to index
    %get3A_227 = arith.constant 48 : index
    %get3A_228 = tpu.vector_load %arg9[%get3A_226, %get3A_227] {strides = array<i32>} : memref<4x128xi32, #tpu.memory_space<vmem>>, vector<1x16xi32>,
    %get3A_229 = vector.shape_cast %get3A_228 : vector<1x16xi32> to vector<16xi32>
    %sub3A_230 = arith.subi %get3A_229, %broadcast_in_dim3A_95 : vector<16xi32>
    %swap3A_231 = arith.constant 1 : i32
    %swap3A_232 = arith.index_cast %swap3A_231 : i32 to index
    %swap3A_233 = arith.constant 48 : index
    %swap3A_234 = tpu.vector_load %arg9[%swap3A_232, %swap3A_233] {strides = array<i32>} : memref<4x128xi32, #tpu.memory_space<vmem>>, vector<1x16xi32>,
    %swap3A_235 = vector.shape_cast %swap3A_234 : vector<1x16xi32> to vector<16xi32>
    %swap3A_236 = vector.shape_cast %sub3A_230 : vector<16xi32> to vector<1x16xi32>
    tpu.vector_store %arg9[%swap3A_232, %swap3A_233], %swap3A_236 {strides = array<i32>} : memref<4x128xi32, #tpu.memory_space<vmem>>, vector<1x16xi32>,
    %get3A_237 = arith.constant 1 : i32
    %get3A_238 = arith.index_cast %get3A_237 : i32 to index
    %get3A_239 = arith.constant 64 : index
    %get3A_240 = tpu.vector_load %arg9[%get3A_238, %get3A_239] {strides = array<i32>} : memref<4x128xi32, #tpu.memory_space<vmem>>, vector<1x16xi32>,
    %get3A_241 = vector.shape_cast %get3A_240 : vector<1x16xi32> to vector<16xi32>
    %sub3A_242 = arith.subi %get3A_241, %broadcast_in_dim3A_95 : vector<16xi32>
    %swap3A_243 = arith.constant 1 : i32
    %swap3A_244 = arith.index_cast %swap3A_243 : i32 to index
    %swap3A_245 = arith.constant 64 : index
    %swap3A_246 = tpu.vector_load %arg9[%swap3A_244, %swap3A_245] {strides = array<i32>} : memref<4x128xi32, #tpu.memory_space<vmem>>, vector<1x16xi32>,
    %swap3A_247 = vector.shape_cast %swap3A_246 : vector<1x16xi32> to vector<16xi32>
    %swap3A_248 = vector.shape_cast %sub3A_242 : vector<16xi32> to vector<1x16xi32>
    tpu.vector_store %arg9[%swap3A_244, %swap3A_245], %swap3A_248 {strides = array<i32>} : memref<4x128xi32, #tpu.memory_space<vmem>>, vector<1x16xi32>,
    %get3A_249 = arith.constant 1 : i32
    %get3A_250 = arith.index_cast %get3A_249 : i32 to index
    %get3A_251 = arith.constant 80 : index
    %get3A_252 = tpu.vector_load %arg9[%get3A_250, %get3A_251] {strides = array<i32>} : memref<4x128xi32, #tpu.memory_space<vmem>>, vector<1x16xi32>,
    %get3A_253 = vector.shape_cast %get3A_252 : vector<1x16xi32> to vector<16xi32>
    %sub3A_254 = arith.subi %get3A_253, %broadcast_in_dim3A_95 : vector<16xi32>
    %swap3A_255 = arith.constant 1 : i32
    %swap3A_256 = arith.index_cast %swap3A_255 : i32 to index
    %swap3A_257 = arith.constant 80 : index
    %swap3A_258 = tpu.vector_load %arg9[%swap3A_256, %swap3A_257] {strides = array<i32>} : memref<4x128xi32, #tpu.memory_space<vmem>>, vector<1x16xi32>,
    %swap3A_259 = vector.shape_cast %swap3A_258 : vector<1x16xi32> to vector<16xi32>
    %swap3A_260 = vector.shape_cast %sub3A_254 : vector<16xi32> to vector<1x16xi32>
    tpu.vector_store %arg9[%swap3A_256, %swap3A_257], %swap3A_260 {strides = array<i32>} : memref<4x128xi32, #tpu.memory_space<vmem>>, vector<1x16xi32>,
    %get3A_261 = arith.constant 1 : i32
    %get3A_262 = arith.index_cast %get3A_261 : i32 to index
    %get3A_263 = arith.constant 96 : index
    %get3A_264 = tpu.vector_load %arg9[%get3A_262, %get3A_263] {strides = array<i32>} : memref<4x128xi32, #tpu.memory_space<vmem>>, vector<1x16xi32>,
    %get3A_265 = vector.shape_cast %get3A_264 : vector<1x16xi32> to vector<16xi32>
    %sub3A_266 = arith.subi %get3A_265, %broadcast_in_dim3A_95 : vector<16xi32>
    %swap3A_267 = arith.constant 1 : i32
    %swap3A_268 = arith.index_cast %swap3A_267 : i32 to index
    %swap3A_269 = arith.constant 96 : index
    %swap3A_270 = tpu.vector_load %arg9[%swap3A_268, %swap3A_269] {strides = array<i32>} : memref<4x128xi32, #tpu.memory_space<vmem>>, vector<1x16xi32>,
    %swap3A_271 = vector.shape_cast %swap3A_270 : vector<1x16xi32> to vector<16xi32>
    %swap3A_272 = vector.shape_cast %sub3A_266 : vector<16xi32> to vector<1x16xi32>
    tpu.vector_store %arg9[%swap3A_268, %swap3A_269], %swap3A_272 {strides = array<i32>} : memref<4x128xi32, #tpu.memory_space<vmem>>, vector<1x16xi32>,
    %get3A_273 = arith.constant 1 : i32
    %get3A_274 = arith.index_cast %get3A_273 : i32 to index
    %get3A_275 = arith.constant 112 : index
    %get3A_276 = tpu.vector_load %arg9[%get3A_274, %get3A_275] {strides = array<i32>} : memref<4x128xi32, #tpu.memory_space<vmem>>, vector<1x16xi32>,
    %get3A_277 = vector.shape_cast %get3A_276 : vector<1x16xi32> to vector<16xi32>
    %sub3A_278 = arith.subi %get3A_277, %broadcast_in_dim3A_95 : vector<16xi32>
    %swap3A_279 = arith.constant 1 : i32
    %swap3A_280 = arith.index_cast %swap3A_279 : i32 to index
    %swap3A_281 = arith.constant 112 : index
    %swap3A_282 = tpu.vector_load %arg9[%swap3A_280, %swap3A_281] {strides = array<i32>} : memref<4x128xi32, #tpu.memory_space<vmem>>, vector<1x16xi32>,
    %swap3A_283 = vector.shape_cast %swap3A_282 : vector<1x16xi32> to vector<16xi32>
    %swap3A_284 = vector.shape_cast %sub3A_278 : vector<16xi32> to vector<1x16xi32>
    tpu.vector_store %arg9[%swap3A_280, %swap3A_281], %swap3A_284 {strides = array<i32>} : memref<4x128xi32, #tpu.memory_space<vmem>>, vector<1x16xi32>,
    %get3A_285 = arith.constant 2 : i32
    %get3A_286 = arith.index_cast %get3A_285 : i32 to index
    %get3A_287 = arith.constant 0 : index
    %get3A_288 = tpu.vector_load %arg9[%get3A_286, %get3A_287] {strides = array<i32>} : memref<4x128xi32, #tpu.memory_space<vmem>>, vector<1x16xi32>,
    %get3A_289 = vector.shape_cast %get3A_288 : vector<1x16xi32> to vector<16xi32>
    %sub3A_290 = arith.subi %get3A_289, %broadcast_in_dim3A_95 : vector<16xi32>
    %swap3A_291 = arith.constant 2 : i32
    %swap3A_292 = arith.index_cast %swap3A_291 : i32 to index
    %swap3A_293 = arith.constant 0 : index
    %swap3A_294 = tpu.vector_load %arg9[%swap3A_292, %swap3A_293] {strides = array<i32>} : memref<4x128xi32, #tpu.memory_space<vmem>>, vector<1x16xi32>,
    %swap3A_295 = vector.shape_cast %swap3A_294 : vector<1x16xi32> to vector<16xi32>
    %swap3A_296 = vector.shape_cast %sub3A_290 : vector<16xi32> to vector<1x16xi32>
    tpu.vector_store %arg9[%swap3A_292, %swap3A_293], %swap3A_296 {strides = array<i32>} : memref<4x128xi32, #tpu.memory_space<vmem>>, vector<1x16xi32>,
    %get3A_297 = arith.constant 2 : i32
    %get3A_298 = arith.index_cast %get3A_297 : i32 to index
    %get3A_299 = arith.constant 16 : index
    %get3A_300 = tpu.vector_load %arg9[%get3A_298, %get3A_299] {strides = array<i32>} : memref<4x128xi32, #tpu.memory_space<vmem>>, vector<1x16xi32>,
    %get3A_301 = vector.shape_cast %get3A_300 : vector<1x16xi32> to vector<16xi32>
    %sub3A_302 = arith.subi %get3A_301, %broadcast_in_dim3A_95 : vector<16xi32>
    %swap3A_303 = arith.constant 2 : i32
    %swap3A_304 = arith.index_cast %swap3A_303 : i32 to index
    %swap3A_305 = arith.constant 16 : index
    %swap3A_306 = tpu.vector_load %arg9[%swap3A_304, %swap3A_305] {strides = array<i32>} : memref<4x128xi32, #tpu.memory_space<vmem>>, vector<1x16xi32>,
    %swap3A_307 = vector.shape_cast %swap3A_306 : vector<1x16xi32> to vector<16xi32>
    %swap3A_308 = vector.shape_cast %sub3A_302 : vector<16xi32> to vector<1x16xi32>
    tpu.vector_store %arg9[%swap3A_304, %swap3A_305], %swap3A_308 {strides = array<i32>} : memref<4x128xi32, #tpu.memory_space<vmem>>, vector<1x16xi32>,
    %get3A_309 = arith.constant 2 : i32
    %get3A_310 = arith.index_cast %get3A_309 : i32 to index
    %get3A_311 = arith.constant 32 : index
    %get3A_312 = tpu.vector_load %arg9[%get3A_310, %get3A_311] {strides = array<i32>} : memref<4x128xi32, #tpu.memory_space<vmem>>, vector<1x16xi32>,
    %get3A_313 = vector.shape_cast %get3A_312 : vector<1x16xi32> to vector<16xi32>
    %sub3A_314 = arith.subi %get3A_313, %broadcast_in_dim3A_95 : vector<16xi32>
    %swap3A_315 = arith.constant 2 : i32
    %swap3A_316 = arith.index_cast %swap3A_315 : i32 to index
    %swap3A_317 = arith.constant 32 : index
    %swap3A_318 = tpu.vector_load %arg9[%swap3A_316, %swap3A_317] {strides = array<i32>} : memref<4x128xi32, #tpu.memory_space<vmem>>, vector<1x16xi32>,
    %swap3A_319 = vector.shape_cast %swap3A_318 : vector<1x16xi32> to vector<16xi32>
    %swap3A_320 = vector.shape_cast %sub3A_314 : vector<16xi32> to vector<1x16xi32>
    tpu.vector_store %arg9[%swap3A_316, %swap3A_317], %swap3A_320 {strides = array<i32>} : memref<4x128xi32, #tpu.memory_space<vmem>>, vector<1x16xi32>,
    %get3A_321 = arith.constant 2 : i32
    %get3A_322 = arith.index_cast %get3A_321 : i32 to index
    %get3A_323 = arith.constant 48 : index
    %get3A_324 = tpu.vector_load %arg9[%get3A_322, %get3A_323] {strides = array<i32>} : memref<4x128xi32, #tpu.memory_space<vmem>>, vector<1x16xi32>,
    %get3A_325 = vector.shape_cast %get3A_324 : vector<1x16xi32> to vector<16xi32>
    %sub3A_326 = arith.subi %get3A_325, %broadcast_in_dim3A_95 : vector<16xi32>
    %swap3A_327 = arith.constant 2 : i32
    %swap3A_328 = arith.index_cast %swap3A_327 : i32 to index
    %swap3A_329 = arith.constant 48 : index
    %swap3A_330 = tpu.vector_load %arg9[%swap3A_328, %swap3A_329] {strides = array<i32>} : memref<4x128xi32, #tpu.memory_space<vmem>>, vector<1x16xi32>,
    %swap3A_331 = vector.shape_cast %swap3A_330 : vector<1x16xi32> to vector<16xi32>
    %swap3A_332 = vector.shape_cast %sub3A_326 : vector<16xi32> to vector<1x16xi32>
    tpu.vector_store %arg9[%swap3A_328, %swap3A_329], %swap3A_332 {strides = array<i32>} : memref<4x128xi32, #tpu.memory_space<vmem>>, vector<1x16xi32>,
    %get3A_333 = arith.constant 2 : i32
    %get3A_334 = arith.index_cast %get3A_333 : i32 to index
    %get3A_335 = arith.constant 64 : index
    %get3A_336 = tpu.vector_load %arg9[%get3A_334, %get3A_335] {strides = array<i32>} : memref<4x128xi32, #tpu.memory_space<vmem>>, vector<1x16xi32>,
    %get3A_337 = vector.shape_cast %get3A_336 : vector<1x16xi32> to vector<16xi32>
    %sub3A_338 = arith.subi %get3A_337, %broadcast_in_dim3A_95 : vector<16xi32>
    %swap3A_339 = arith.constant 2 : i32
    %swap3A_340 = arith.index_cast %swap3A_339 : i32 to index
    %swap3A_341 = arith.constant 64 : index
    %swap3A_342 = tpu.vector_load %arg9[%swap3A_340, %swap3A_341] {strides = array<i32>} : memref<4x128xi32, #tpu.memory_space<vmem>>, vector<1x16xi32>,
    %swap3A_343 = vector.shape_cast %swap3A_342 : vector<1x16xi32> to vector<16xi32>
    %swap3A_344 = vector.shape_cast %sub3A_338 : vector<16xi32> to vector<1x16xi32>
    tpu.vector_store %arg9[%swap3A_340, %swap3A_341], %swap3A_344 {strides = array<i32>} : memref<4x128xi32, #tpu.memory_space<vmem>>, vector<1x16xi32>,
    %get3A_345 = arith.constant 2 : i32
    %get3A_346 = arith.index_cast %get3A_345 : i32 to index
    %get3A_347 = arith.constant 80 : index
    %get3A_348 = tpu.vector_load %arg9[%get3A_346, %get3A_347] {strides = array<i32>} : memref<4x128xi32, #tpu.memory_space<vmem>>, vector<1x16xi32>,
    %get3A_349 = vector.shape_cast %get3A_348 : vector<1x16xi32> to vector<16xi32>
    %sub3A_350 = arith.subi %get3A_349, %broadcast_in_dim3A_95 : vector<16xi32>
    %swap3A_351 = arith.constant 2 : i32
    %swap3A_352 = arith.index_cast %swap3A_351 : i32 to index
    %swap3A_353 = arith.constant 80 : index
    %swap3A_354 = tpu.vector_load %arg9[%swap3A_352, %swap3A_353] {strides = array<i32>} : memref<4x128xi32, #tpu.memory_space<vmem>>, vector<1x16xi32>,
    %swap3A_355 = vector.shape_cast %swap3A_354 : vector<1x16xi32> to vector<16xi32>
    %swap3A_356 = vector.shape_cast %sub3A_350 : vector<16xi32> to vector<1x16xi32>
    tpu.vector_store %arg9[%swap3A_352, %swap3A_353], %swap3A_356 {strides = array<i32>} : memref<4x128xi32, #tpu.memory_space<vmem>>, vector<1x16xi32>,
    %get3A_357 = arith.constant 2 : i32
    %get3A_358 = arith.index_cast %get3A_357 : i32 to index
    %get3A_359 = arith.constant 96 : index
    %get3A_360 = tpu.vector_load %arg9[%get3A_358, %get3A_359] {strides = array<i32>} : memref<4x128xi32, #tpu.memory_space<vmem>>, vector<1x16xi32>,
    %get3A_361 = vector.shape_cast %get3A_360 : vector<1x16xi32> to vector<16xi32>
    %sub3A_362 = arith.subi %get3A_361, %broadcast_in_dim3A_95 : vector<16xi32>
    %swap3A_363 = arith.constant 2 : i32
    %swap3A_364 = arith.index_cast %swap3A_363 : i32 to index
    %swap3A_365 = arith.constant 96 : index
    %swap3A_366 = tpu.vector_load %arg9[%swap3A_364, %swap3A_365] {strides = array<i32>} : memref<4x128xi32, #tpu.memory_space<vmem>>, vector<1x16xi32>,
    %swap3A_367 = vector.shape_cast %swap3A_366 : vector<1x16xi32> to vector<16xi32>
    %swap3A_368 = vector.shape_cast %sub3A_362 : vector<16xi32> to vector<1x16xi32>
    tpu.vector_store %arg9[%swap3A_364, %swap3A_365], %swap3A_368 {strides = array<i32>} : memref<4x128xi32, #tpu.memory_space<vmem>>, vector<1x16xi32>,
    %get3A_369 = arith.constant 2 : i32
    %get3A_370 = arith.index_cast %get3A_369 : i32 to index
    %get3A_371 = arith.constant 112 : index
    %get3A_372 = tpu.vector_load %arg9[%get3A_370, %get3A_371] {strides = array<i32>} : memref<4x128xi32, #tpu.memory_space<vmem>>, vector<1x16xi32>,
    %get3A_373 = vector.shape_cast %get3A_372 : vector<1x16xi32> to vector<16xi32>
    %sub3A_374 = arith.subi %get3A_373, %broadcast_in_dim3A_95 : vector<16xi32>
    %swap3A_375 = arith.constant 2 : i32
    %swap3A_376 = arith.index_cast %swap3A_375 : i32 to index
    %swap3A_377 = arith.constant 112 : index
    %swap3A_378 = tpu.vector_load %arg9[%swap3A_376, %swap3A_377] {strides = array<i32>} : memref<4x128xi32, #tpu.memory_space<vmem>>, vector<1x16xi32>,
    %swap3A_379 = vector.shape_cast %swap3A_378 : vector<1x16xi32> to vector<16xi32>
    %swap3A_380 = vector.shape_cast %sub3A_374 : vector<16xi32> to vector<1x16xi32>
    tpu.vector_store %arg9[%swap3A_376, %swap3A_377], %swap3A_380 {strides = array<i32>} : memref<4x128xi32, #tpu.memory_space<vmem>>, vector<1x16xi32>,
    %get3A_381 = arith.constant 3 : i32
    %get3A_382 = arith.index_cast %get3A_381 : i32 to index
    %get3A_383 = arith.constant 0 : index
    %get3A_384 = tpu.vector_load %arg9[%get3A_382, %get3A_383] {strides = array<i32>} : memref<4x128xi32, #tpu.memory_space<vmem>>, vector<1x16xi32>,
    %get3A_385 = vector.shape_cast %get3A_384 : vector<1x16xi32> to vector<16xi32>
    %sub3A_386 = arith.subi %get3A_385, %broadcast_in_dim3A_95 : vector<16xi32>
    %swap3A_387 = arith.constant 3 : i32
    %swap3A_388 = arith.index_cast %swap3A_387 : i32 to index
    %swap3A_389 = arith.constant 0 : index
    %swap3A_390 = tpu.vector_load %arg9[%swap3A_388, %swap3A_389] {strides = array<i32>} : memref<4x128xi32, #tpu.memory_space<vmem>>, vector<1x16xi32>,
    %swap3A_391 = vector.shape_cast %swap3A_390 : vector<1x16xi32> to vector<16xi32>
    %swap3A_392 = vector.shape_cast %sub3A_386 : vector<16xi32> to vector<1x16xi32>
    tpu.vector_store %arg9[%swap3A_388, %swap3A_389], %swap3A_392 {strides = array<i32>} : memref<4x128xi32, #tpu.memory_space<vmem>>, vector<1x16xi32>,
    %get3A_393 = arith.constant 3 : i32
    %get3A_394 = arith.index_cast %get3A_393 : i32 to index
    %get3A_395 = arith.constant 16 : index
    %get3A_396 = tpu.vector_load %arg9[%get3A_394, %get3A_395] {strides = array<i32>} : memref<4x128xi32, #tpu.memory_space<vmem>>, vector<1x16xi32>,
    %get3A_397 = vector.shape_cast %get3A_396 : vector<1x16xi32> to vector<16xi32>
    %sub3A_398 = arith.subi %get3A_397, %broadcast_in_dim3A_95 : vector<16xi32>
    %swap3A_399 = arith.constant 3 : i32
    %swap3A_400 = arith.index_cast %swap3A_399 : i32 to index
    %swap3A_401 = arith.constant 16 : index
    %swap3A_402 = tpu.vector_load %arg9[%swap3A_400, %swap3A_401] {strides = array<i32>} : memref<4x128xi32, #tpu.memory_space<vmem>>, vector<1x16xi32>,
    %swap3A_403 = vector.shape_cast %swap3A_402 : vector<1x16xi32> to vector<16xi32>
    %swap3A_404 = vector.shape_cast %sub3A_398 : vector<16xi32> to vector<1x16xi32>
    tpu.vector_store %arg9[%swap3A_400, %swap3A_401], %swap3A_404 {strides = array<i32>} : memref<4x128xi32, #tpu.memory_space<vmem>>, vector<1x16xi32>,
    %get3A_405 = arith.constant 3 : i32
    %get3A_406 = arith.index_cast %get3A_405 : i32 to index
    %get3A_407 = arith.constant 32 : index
    %get3A_408 = tpu.vector_load %arg9[%get3A_406, %get3A_407] {strides = array<i32>} : memref<4x128xi32, #tpu.memory_space<vmem>>, vector<1x16xi32>,
    %get3A_409 = vector.shape_cast %get3A_408 : vector<1x16xi32> to vector<16xi32>
    %sub3A_410 = arith.subi %get3A_409, %broadcast_in_dim3A_95 : vector<16xi32>
    %swap3A_411 = arith.constant 3 : i32
    %swap3A_412 = arith.index_cast %swap3A_411 : i32 to index
    %swap3A_413 = arith.constant 32 : index
    %swap3A_414 = tpu.vector_load %arg9[%swap3A_412, %swap3A_413] {strides = array<i32>} : memref<4x128xi32, #tpu.memory_space<vmem>>, vector<1x16xi32>,
    %swap3A_415 = vector.shape_cast %swap3A_414 : vector<1x16xi32> to vector<16xi32>
    %swap3A_416 = vector.shape_cast %sub3A_410 : vector<16xi32> to vector<1x16xi32>
    tpu.vector_store %arg9[%swap3A_412, %swap3A_413], %swap3A_416 {strides = array<i32>} : memref<4x128xi32, #tpu.memory_space<vmem>>, vector<1x16xi32>,
    %get3A_417 = arith.constant 3 : i32
    %get3A_418 = arith.index_cast %get3A_417 : i32 to index
    %get3A_419 = arith.constant 48 : index
    %get3A_420 = tpu.vector_load %arg9[%get3A_418, %get3A_419] {strides = array<i32>} : memref<4x128xi32, #tpu.memory_space<vmem>>, vector<1x16xi32>,
    %get3A_421 = vector.shape_cast %get3A_420 : vector<1x16xi32> to vector<16xi32>
    %sub3A_422 = arith.subi %get3A_421, %broadcast_in_dim3A_95 : vector<16xi32>
    %swap3A_423 = arith.constant 3 : i32
    %swap3A_424 = arith.index_cast %swap3A_423 : i32 to index
    %swap3A_425 = arith.constant 48 : index
    %swap3A_426 = tpu.vector_load %arg9[%swap3A_424, %swap3A_425] {strides = array<i32>} : memref<4x128xi32, #tpu.memory_space<vmem>>, vector<1x16xi32>,
    %swap3A_427 = vector.shape_cast %swap3A_426 : vector<1x16xi32> to vector<16xi32>
    %swap3A_428 = vector.shape_cast %sub3A_422 : vector<16xi32> to vector<1x16xi32>
    tpu.vector_store %arg9[%swap3A_424, %swap3A_425], %swap3A_428 {strides = array<i32>} : memref<4x128xi32, #tpu.memory_space<vmem>>, vector<1x16xi32>,
    %get3A_429 = arith.constant 3 : i32
    %get3A_430 = arith.index_cast %get3A_429 : i32 to index
    %get3A_431 = arith.constant 64 : index
    %get3A_432 = tpu.vector_load %arg9[%get3A_430, %get3A_431] {strides = array<i32>} : memref<4x128xi32, #tpu.memory_space<vmem>>, vector<1x16xi32>,
    %get3A_433 = vector.shape_cast %get3A_432 : vector<1x16xi32> to vector<16xi32>
    %sub3A_434 = arith.subi %get3A_433, %broadcast_in_dim3A_95 : vector<16xi32>
    %swap3A_435 = arith.constant 3 : i32
    %swap3A_436 = arith.index_cast %swap3A_435 : i32 to index
    %swap3A_437 = arith.constant 64 : index
    %swap3A_438 = tpu.vector_load %arg9[%swap3A_436, %swap3A_437] {strides = array<i32>} : memref<4x128xi32, #tpu.memory_space<vmem>>, vector<1x16xi32>,
    %swap3A_439 = vector.shape_cast %swap3A_438 : vector<1x16xi32> to vector<16xi32>
    %swap3A_440 = vector.shape_cast %sub3A_434 : vector<16xi32> to vector<1x16xi32>
    tpu.vector_store %arg9[%swap3A_436, %swap3A_437], %swap3A_440 {strides = array<i32>} : memref<4x128xi32, #tpu.memory_space<vmem>>, vector<1x16xi32>,
    %get3A_441 = arith.constant 3 : i32
    %get3A_442 = arith.index_cast %get3A_441 : i32 to index
    %get3A_443 = arith.constant 80 : index
    %get3A_444 = tpu.vector_load %arg9[%get3A_442, %get3A_443] {strides = array<i32>} : memref<4x128xi32, #tpu.memory_space<vmem>>, vector<1x16xi32>,
    %get3A_445 = vector.shape_cast %get3A_444 : vector<1x16xi32> to vector<16xi32>
    %sub3A_446 = arith.subi %get3A_445, %broadcast_in_dim3A_95 : vector<16xi32>
    %swap3A_447 = arith.constant 3 : i32
    %swap3A_448 = arith.index_cast %swap3A_447 : i32 to index
    %swap3A_449 = arith.constant 80 : index
    %swap3A_450 = tpu.vector_load %arg9[%swap3A_448, %swap3A_449] {strides = array<i32>} : memref<4x128xi32, #tpu.memory_space<vmem>>, vector<1x16xi32>,
    %swap3A_451 = vector.shape_cast %swap3A_450 : vector<1x16xi32> to vector<16xi32>
    %swap3A_452 = vector.shape_cast %sub3A_446 : vector<16xi32> to vector<1x16xi32>
    tpu.vector_store %arg9[%swap3A_448, %swap3A_449], %swap3A_452 {strides = array<i32>} : memref<4x128xi32, #tpu.memory_space<vmem>>, vector<1x16xi32>,
    %get3A_453 = arith.constant 3 : i32
    %get3A_454 = arith.index_cast %get3A_453 : i32 to index
    %get3A_455 = arith.constant 96 : index
    %get3A_456 = tpu.vector_load %arg9[%get3A_454, %get3A_455] {strides = array<i32>} : memref<4x128xi32, #tpu.memory_space<vmem>>, vector<1x16xi32>,
    %get3A_457 = vector.shape_cast %get3A_456 : vector<1x16xi32> to vector<16xi32>
    %sub3A_458 = arith.subi %get3A_457, %broadcast_in_dim3A_95 : vector<16xi32>
    %swap3A_459 = arith.constant 3 : i32
    %swap3A_460 = arith.index_cast %swap3A_459 : i32 to index
    %swap3A_461 = arith.constant 96 : index
    %swap3A_462 = tpu.vector_load %arg9[%swap3A_460, %swap3A_461] {strides = array<i32>} : memref<4x128xi32, #tpu.memory_space<vmem>>, vector<1x16xi32>,
    %swap3A_463 = vector.shape_cast %swap3A_462 : vector<1x16xi32> to vector<16xi32>
    %swap3A_464 = vector.shape_cast %sub3A_458 : vector<16xi32> to vector<1x16xi32>
    tpu.vector_store %arg9[%swap3A_460, %swap3A_461], %swap3A_464 {strides = array<i32>} : memref<4x128xi32, #tpu.memory_space<vmem>>, vector<1x16xi32>,
    %get3A_465 = arith.constant 3 : i32
    %get3A_466 = arith.index_cast %get3A_465 : i32 to index
    %get3A_467 = arith.constant 112 : index
    %get3A_468 = tpu.vector_load %arg9[%get3A_466, %get3A_467] {strides = array<i32>} : memref<4x128xi32, #tpu.memory_space<vmem>>, vector<1x16xi32>,
    %get3A_469 = vector.shape_cast %get3A_468 : vector<1x16xi32> to vector<16xi32>
    %sub3A_470 = arith.subi %get3A_469, %broadcast_in_dim3A_95 : vector<16xi32>
    %swap3A_471 = arith.constant 3 : i32
    %swap3A_472 = arith.index_cast %swap3A_471 : i32 to index
    %swap3A_473 = arith.constant 112 : index
    %swap3A_474 = tpu.vector_load %arg9[%swap3A_472, %swap3A_473] {strides = array<i32>} : memref<4x128xi32, #tpu.memory_space<vmem>>, vector<1x16xi32>,
    %swap3A_475 = vector.shape_cast %swap3A_474 : vector<1x16xi32> to vector<16xi32>
    %swap3A_476 = vector.shape_cast %sub3A_470 : vector<16xi32> to vector<1x16xi32>
    tpu.vector_store %arg9[%swap3A_472, %swap3A_473], %swap3A_476 {strides = array<i32>} : memref<4x128xi32, #tpu.memory_space<vmem>>, vector<1x16xi32>,
    %dma_start3A_477 = arith.constant 0 : i32
    %dma_start3A_478 = arith.constant 0 : i32
    %dma_start3A_479 = arith.constant 0 : i32
    %dma_start3A_480 = tpu.memref_slice %arg8[%dma_start3A_478, %dma_start3A_479] : memref<512x64xf32, #tpu.memory_space<vmem>> -> memref<128x64xf32, #tpu.memory_space<vmem>>
    %dma_start3A_481 = arith.constant 0 : i32
    %dma_start3A_482 = tpu.memref_slice %arg9[%dma_start3A_477, %dma_start3A_481] : memref<4x128xi32, #tpu.memory_space<vmem>> -> memref<1x128xi32, #tpu.memory_space<vmem>>
    %dma_start3A_483 = tpu.memref_squeeze %dma_start3A_482 : memref<1x128xi32, #tpu.memory_space<vmem>> -> memref<128xi32, #tpu.memory_space<vmem>>
    %dma_start3A_484 = arith.constant 0 : i32
    %dma_start3A_485 = arith.constant 0 : i32
    %dma_start3A_486 = tpu.memref_slice %arg4[%dma_start3A_484, %dma_start3A_485] : memref<8192x64xf32, #tpu.memory_space<hbm>> -> memref<8192x64xf32, #tpu.memory_space<hbm>>
    tpu.enqueue_indirect_dma source(%dma_start3A_486 : memref<8192x64xf32, #tpu.memory_space<hbm>>) target(%dma_start3A_480 : memref<128x64xf32, #tpu.memory_space<vmem>>) offsets(%dma_start3A_483 : memref<128xi32, #tpu.memory_space<vmem>>) semaphore(%arg15 : memref<!tpu.dma_semaphore, #tpu.memory_space<semaphore_mem>>)
    %dma_start3A_487 = arith.constant 1 : i32
    %dma_start3A_488 = arith.constant 128 : i32
    %dma_start3A_489 = arith.constant 0 : i32
    %dma_start3A_490 = tpu.memref_slice %arg8[%dma_start3A_488, %dma_start3A_489] : memref<512x64xf32, #tpu.memory_space<vmem>> -> memref<128x64xf32, #tpu.memory_space<vmem>>
    %dma_start3A_491 = arith.constant 0 : i32
    %dma_start3A_492 = tpu.memref_slice %arg9[%dma_start3A_487, %dma_start3A_491] : memref<4x128xi32, #tpu.memory_space<vmem>> -> memref<1x128xi32, #tpu.memory_space<vmem>>
    %dma_start3A_493 = tpu.memref_squeeze %dma_start3A_492 : memref<1x128xi32, #tpu.memory_space<vmem>> -> memref<128xi32, #tpu.memory_space<vmem>>
    %dma_start3A_494 = arith.constant 0 : i32
    %dma_start3A_495 = arith.constant 0 : i32
    %dma_start3A_496 = tpu.memref_slice %arg4[%dma_start3A_494, %dma_start3A_495] : memref<8192x64xf32, #tpu.memory_space<hbm>> -> memref<8192x64xf32, #tpu.memory_space<hbm>>
    tpu.enqueue_indirect_dma source(%dma_start3A_496 : memref<8192x64xf32, #tpu.memory_space<hbm>>) target(%dma_start3A_490 : memref<128x64xf32, #tpu.memory_space<vmem>>) offsets(%dma_start3A_493 : memref<128xi32, #tpu.memory_space<vmem>>) semaphore(%arg15 : memref<!tpu.dma_semaphore, #tpu.memory_space<semaphore_mem>>)
    %dma_start3A_497 = arith.constant 2 : i32
    %dma_start3A_498 = arith.constant 256 : i32
    %dma_start3A_499 = arith.constant 0 : i32
    %dma_start3A_500 = tpu.memref_slice %arg8[%dma_start3A_498, %dma_start3A_499] : memref<512x64xf32, #tpu.memory_space<vmem>> -> memref<128x64xf32, #tpu.memory_space<vmem>>
    %dma_start3A_501 = arith.constant 0 : i32
    %dma_start3A_502 = tpu.memref_slice %arg9[%dma_start3A_497, %dma_start3A_501] : memref<4x128xi32, #tpu.memory_space<vmem>> -> memref<1x128xi32, #tpu.memory_space<vmem>>
    %dma_start3A_503 = tpu.memref_squeeze %dma_start3A_502 : memref<1x128xi32, #tpu.memory_space<vmem>> -> memref<128xi32, #tpu.memory_space<vmem>>
    %dma_start3A_504 = arith.constant 0 : i32
    %dma_start3A_505 = arith.constant 0 : i32
    %dma_start3A_506 = tpu.memref_slice %arg4[%dma_start3A_504, %dma_start3A_505] : memref<8192x64xf32, #tpu.memory_space<hbm>> -> memref<8192x64xf32, #tpu.memory_space<hbm>>
    tpu.enqueue_indirect_dma source(%dma_start3A_506 : memref<8192x64xf32, #tpu.memory_space<hbm>>) target(%dma_start3A_500 : memref<128x64xf32, #tpu.memory_space<vmem>>) offsets(%dma_start3A_503 : memref<128xi32, #tpu.memory_space<vmem>>) semaphore(%arg15 : memref<!tpu.dma_semaphore, #tpu.memory_space<semaphore_mem>>)
    %dma_start3A_507 = arith.constant 3 : i32
    %dma_start3A_508 = arith.constant 384 : i32
    %dma_start3A_509 = arith.constant 0 : i32
    %dma_start3A_510 = tpu.memref_slice %arg8[%dma_start3A_508, %dma_start3A_509] : memref<512x64xf32, #tpu.memory_space<vmem>> -> memref<128x64xf32, #tpu.memory_space<vmem>>
    %dma_start3A_511 = arith.constant 0 : i32
    %dma_start3A_512 = tpu.memref_slice %arg9[%dma_start3A_507, %dma_start3A_511] : memref<4x128xi32, #tpu.memory_space<vmem>> -> memref<1x128xi32, #tpu.memory_space<vmem>>
    %dma_start3A_513 = tpu.memref_squeeze %dma_start3A_512 : memref<1x128xi32, #tpu.memory_space<vmem>> -> memref<128xi32, #tpu.memory_space<vmem>>
    %dma_start3A_514 = arith.constant 0 : i32
    %dma_start3A_515 = arith.constant 0 : i32
    %dma_start3A_516 = tpu.memref_slice %arg4[%dma_start3A_514, %dma_start3A_515] : memref<8192x64xf32, #tpu.memory_space<hbm>> -> memref<8192x64xf32, #tpu.memory_space<hbm>>
    tpu.enqueue_indirect_dma source(%dma_start3A_516 : memref<8192x64xf32, #tpu.memory_space<hbm>>) target(%dma_start3A_510 : memref<128x64xf32, #tpu.memory_space<vmem>>) offsets(%dma_start3A_513 : memref<128xi32, #tpu.memory_space<vmem>>) semaphore(%arg15 : memref<!tpu.dma_semaphore, #tpu.memory_space<semaphore_mem>>)
    %dma_wait3A_517 = arith.constant 0 : i32
    %dma_wait3A_518 = tpu.memref_slice %arg12[%multiple_of3A_23, %dma_wait3A_517] : memref<8192x64xf32, #tpu.memory_space<vmem_shared>> -> memref<64x64xf32, #tpu.memory_space<vmem_shared>>
    %dma_wait3A_519 = arith.constant 0 : i32
    %dma_wait3A_520 = tpu.memref_slice %arg12[%multiple_of3A_23, %dma_wait3A_519] : memref<8192x64xf32, #tpu.memory_space<vmem_shared>> -> memref<64x64xf32, #tpu.memory_space<vmem_shared>>
    tpu.wait_dma2 semaphore(%arg17 : memref<!tpu.dma_semaphore, #tpu.memory_space<semaphore_mem>>) src(%arg11 : memref<64x64xf32, #tpu.memory_space<vmem>>) dst(%dma_wait3A_520 : memref<64x64xf32, #tpu.memory_space<vmem_shared>>)
    %dma_wait3A_521 = arith.constant 0 : i32
    %dma_wait3A_522 = tpu.memref_slice %arg12[%multiple_of3A_32, %dma_wait3A_521] : memref<8192x64xf32, #tpu.memory_space<vmem_shared>> -> memref<64x64xf32, #tpu.memory_space<vmem_shared>>
    %dma_wait3A_523 = arith.constant 0 : i32
    %dma_wait3A_524 = tpu.memref_slice %arg12[%multiple_of3A_32, %dma_wait3A_523] : memref<8192x64xf32, #tpu.memory_space<vmem_shared>> -> memref<64x64xf32, #tpu.memory_space<vmem_shared>>
    tpu.wait_dma2 semaphore(%arg17 : memref<!tpu.dma_semaphore, #tpu.memory_space<semaphore_mem>>) src(%arg11 : memref<64x64xf32, #tpu.memory_space<vmem>>) dst(%dma_wait3A_524 : memref<64x64xf32, #tpu.memory_space<vmem_shared>>)
    %dma_wait3A_525 = arith.constant 0 : i32
    %dma_wait3A_526 = tpu.memref_slice %arg12[%multiple_of3A_41, %dma_wait3A_525] : memref<8192x64xf32, #tpu.memory_space<vmem_shared>> -> memref<64x64xf32, #tpu.memory_space<vmem_shared>>
    %dma_wait3A_527 = arith.constant 0 : i32
    %dma_wait3A_528 = tpu.memref_slice %arg12[%multiple_of3A_41, %dma_wait3A_527] : memref<8192x64xf32, #tpu.memory_space<vmem_shared>> -> memref<64x64xf32, #tpu.memory_space<vmem_shared>>
    tpu.wait_dma2 semaphore(%arg17 : memref<!tpu.dma_semaphore, #tpu.memory_space<semaphore_mem>>) src(%arg11 : memref<64x64xf32, #tpu.memory_space<vmem>>) dst(%dma_wait3A_528 : memref<64x64xf32, #tpu.memory_space<vmem_shared>>)
    %dma_wait3A_529 = arith.constant 0 : i32
    %dma_wait3A_530 = tpu.memref_slice %arg12[%multiple_of3A_50, %dma_wait3A_529] : memref<8192x64xf32, #tpu.memory_space<vmem_shared>> -> memref<64x64xf32, #tpu.memory_space<vmem_shared>>
    %dma_wait3A_531 = arith.constant 0 : i32
    %dma_wait3A_532 = tpu.memref_slice %arg12[%multiple_of3A_50, %dma_wait3A_531] : memref<8192x64xf32, #tpu.memory_space<vmem_shared>> -> memref<64x64xf32, #tpu.memory_space<vmem_shared>>
    tpu.wait_dma2 semaphore(%arg17 : memref<!tpu.dma_semaphore, #tpu.memory_space<semaphore_mem>>) src(%arg11 : memref<64x64xf32, #tpu.memory_space<vmem>>) dst(%dma_wait3A_532 : memref<64x64xf32, #tpu.memory_space<vmem_shared>>)
    %dma_wait3A_533 = arith.constant 0 : i32
    %dma_wait3A_534 = tpu.memref_slice %arg12[%multiple_of3A_59, %dma_wait3A_533] : memref<8192x64xf32, #tpu.memory_space<vmem_shared>> -> memref<64x64xf32, #tpu.memory_space<vmem_shared>>
    %dma_wait3A_535 = arith.constant 0 : i32
    %dma_wait3A_536 = tpu.memref_slice %arg12[%multiple_of3A_59, %dma_wait3A_535] : memref<8192x64xf32, #tpu.memory_space<vmem_shared>> -> memref<64x64xf32, #tpu.memory_space<vmem_shared>>
    tpu.wait_dma2 semaphore(%arg17 : memref<!tpu.dma_semaphore, #tpu.memory_space<semaphore_mem>>) src(%arg11 : memref<64x64xf32, #tpu.memory_space<vmem>>) dst(%dma_wait3A_536 : memref<64x64xf32, #tpu.memory_space<vmem_shared>>)
    %dma_wait3A_537 = arith.constant 0 : i32
    %dma_wait3A_538 = tpu.memref_slice %arg12[%multiple_of3A_68, %dma_wait3A_537] : memref<8192x64xf32, #tpu.memory_space<vmem_shared>> -> memref<64x64xf32, #tpu.memory_space<vmem_shared>>
    %dma_wait3A_539 = arith.constant 0 : i32
    %dma_wait3A_540 = tpu.memref_slice %arg12[%multiple_of3A_68, %dma_wait3A_539] : memref<8192x64xf32, #tpu.memory_space<vmem_shared>> -> memref<64x64xf32, #tpu.memory_space<vmem_shared>>
    tpu.wait_dma2 semaphore(%arg17 : memref<!tpu.dma_semaphore, #tpu.memory_space<semaphore_mem>>) src(%arg11 : memref<64x64xf32, #tpu.memory_space<vmem>>) dst(%dma_wait3A_540 : memref<64x64xf32, #tpu.memory_space<vmem_shared>>)
    %dma_wait3A_541 = arith.constant 0 : i32
    %dma_wait3A_542 = tpu.memref_slice %arg12[%multiple_of3A_77, %dma_wait3A_541] : memref<8192x64xf32, #tpu.memory_space<vmem_shared>> -> memref<64x64xf32, #tpu.memory_space<vmem_shared>>
    %dma_wait3A_543 = arith.constant 0 : i32
    %dma_wait3A_544 = tpu.memref_slice %arg12[%multiple_of3A_77, %dma_wait3A_543] : memref<8192x64xf32, #tpu.memory_space<vmem_shared>> -> memref<64x64xf32, #tpu.memory_space<vmem_shared>>
    tpu.wait_dma2 semaphore(%arg17 : memref<!tpu.dma_semaphore, #tpu.memory_space<semaphore_mem>>) src(%arg11 : memref<64x64xf32, #tpu.memory_space<vmem>>) dst(%dma_wait3A_544 : memref<64x64xf32, #tpu.memory_space<vmem_shared>>)
    %dma_wait3A_545 = arith.constant 0 : i32
    %dma_wait3A_546 = tpu.memref_slice %arg12[%multiple_of3A_86, %dma_wait3A_545] : memref<8192x64xf32, #tpu.memory_space<vmem_shared>> -> memref<64x64xf32, #tpu.memory_space<vmem_shared>>
    %dma_wait3A_547 = arith.constant 0 : i32
    %dma_wait3A_548 = tpu.memref_slice %arg12[%multiple_of3A_86, %dma_wait3A_547] : memref<8192x64xf32, #tpu.memory_space<vmem_shared>> -> memref<64x64xf32, #tpu.memory_space<vmem_shared>>
    tpu.wait_dma2 semaphore(%arg17 : memref<!tpu.dma_semaphore, #tpu.memory_space<semaphore_mem>>) src(%arg11 : memref<64x64xf32, #tpu.memory_space<vmem>>) dst(%dma_wait3A_548 : memref<64x64xf32, #tpu.memory_space<vmem_shared>>)
    %barrier3A = arith.constant 0 : index
    tpu.barrier barrier_id(%barrier3A)
    %dma_wait3A_549 = arith.constant 0 : i32
    %dma_wait3A_550 = tpu.memref_slice %arg2[%multiple_of3A, %dma_wait3A_549] : memref<16384x64xf32, #tpu.memory_space<hbm>> -> memref<512x64xf32, #tpu.memory_space<hbm>>
    %dma_wait3A_551 = arith.constant 0 : i32
    %dma_wait3A_552 = tpu.memref_slice %arg2[%multiple_of3A, %dma_wait3A_551] : memref<16384x64xf32, #tpu.memory_space<hbm>> -> memref<512x64xf32, #tpu.memory_space<hbm>>
    tpu.wait_dma2 semaphore(%arg13 : memref<!tpu.dma_semaphore, #tpu.memory_space<semaphore_mem>>) src(%dma_wait3A_552 : memref<512x64xf32, #tpu.memory_space<hbm>>) dst(%arg7 : memref<512x64xf32, #tpu.memory_space<vmem>>)
    %dma_wait3A_553 = arith.constant 0 : i32
    %dma_wait3A_554 = arith.constant 0 : i32
    %dma_wait3A_555 = arith.constant 0 : i32
    %dma_wait3A_556 = tpu.memref_slice %arg8[%dma_wait3A_554, %dma_wait3A_555] : memref<512x64xf32, #tpu.memory_space<vmem>> -> memref<128x64xf32, #tpu.memory_space<vmem>>
    %dma_wait3A_557 = arith.constant 0 : i32
    %dma_wait3A_558 = tpu.memref_slice %arg9[%dma_wait3A_553, %dma_wait3A_557] : memref<4x128xi32, #tpu.memory_space<vmem>> -> memref<1x128xi32, #tpu.memory_space<vmem>>
    %dma_wait3A_559 = tpu.memref_squeeze %dma_wait3A_558 : memref<1x128xi32, #tpu.memory_space<vmem>> -> memref<128xi32, #tpu.memory_space<vmem>>
    %dma_wait3A_560 = arith.constant 0 : i32
    %dma_wait3A_561 = arith.constant 0 : i32
    %dma_wait3A_562 = tpu.memref_slice %arg4[%dma_wait3A_560, %dma_wait3A_561] : memref<8192x64xf32, #tpu.memory_space<hbm>> -> memref<8192x64xf32, #tpu.memory_space<hbm>>
    tpu.wait_indirect_dma semaphore(%arg15 : memref<!tpu.dma_semaphore, #tpu.memory_space<semaphore_mem>>) src(%dma_wait3A_562 : memref<8192x64xf32, #tpu.memory_space<hbm>>) dst(%dma_wait3A_556 : memref<128x64xf32, #tpu.memory_space<vmem>>)
    %scan3A_563 = arith.constant 0 : i32
    %scan3A_564 = arith.constant 0 : i32
    %scan3A_565 = arith.constant 32 : i32
    %scan3A_566 = arith.addi %scan3A_564, %scan3A_565 : i32
    %scan3A_567 = arith.constant 1 : i32
    scf.for %scan3A_715 = %scan3A_564 to %scan3A_566 step %scan3A_567  : i32 {
      %mul3A_716 = arith.constant 4 : i32
      %mul3A_717 = arith.muli %mul3A_716, %scan3A_715 : i32
      %add3A_718 = arith.constant 0 : i32
      %add3A_719 = arith.addi %mul3A_717, %add3A_718 : i32
      %add3A_720 = arith.constant 0 : i32
      %add3A_721 = arith.addi %add3A_719, %add3A_720 : i32
      %get3A_722 = arith.index_cast %add3A_721 : i32 to index
      %get3A_723 = arith.constant 0 : index
      %get3A_724 = tpu.vector_load %arg7[%get3A_722, %get3A_723] {strides = array<i32>} : memref<512x64xf32, #tpu.memory_space<vmem>>, vector<1x16xf32>,
      %get3A_725 = vector.shape_cast %get3A_724 : vector<1x16xf32> to vector<16xf32>
      %get3A_726 = arith.index_cast %add3A_721 : i32 to index
      %get3A_727 = arith.constant 0 : index
      %get3A_728 = tpu.vector_load %arg8[%get3A_726, %get3A_727] {strides = array<i32>} : memref<512x64xf32, #tpu.memory_space<vmem>>, vector<1x16xf32>,
      %get3A_729 = vector.shape_cast %get3A_728 : vector<1x16xf32> to vector<16xf32>
      %sub3A_730 = arith.subf %get3A_725, %get3A_729 : vector<16xf32>
      %swap3A_731 = arith.index_cast %add3A_721 : i32 to index
      %swap3A_732 = arith.constant 0 : index
      %swap3A_733 = tpu.vector_load %arg8[%swap3A_731, %swap3A_732] {strides = array<i32>} : memref<512x64xf32, #tpu.memory_space<vmem>>, vector<1x16xf32>,
      %swap3A_734 = vector.shape_cast %swap3A_733 : vector<1x16xf32> to vector<16xf32>
      %swap3A_735 = vector.shape_cast %sub3A_730 : vector<16xf32> to vector<1x16xf32>
      tpu.vector_store %arg8[%swap3A_731, %swap3A_732], %swap3A_735 {strides = array<i32>} : memref<512x64xf32, #tpu.memory_space<vmem>>, vector<1x16xf32>,
      %mul3A_736 = arith.mulf %sub3A_730, %sub3A_730 : vector<16xf32>
      %add3A_737 = arith.addf %broadcast_in_dim3A_13, %mul3A_736 : vector<16xf32>
      %get3A_738 = arith.index_cast %add3A_721 : i32 to index
      %get3A_739 = arith.constant 16 : index
      %get3A_740 = tpu.vector_load %arg7[%get3A_738, %get3A_739] {strides = array<i32>} : memref<512x64xf32, #tpu.memory_space<vmem>>, vector<1x16xf32>,
      %get3A_741 = vector.shape_cast %get3A_740 : vector<1x16xf32> to vector<16xf32>
      %get3A_742 = arith.index_cast %add3A_721 : i32 to index
      %get3A_743 = arith.constant 16 : index
      %get3A_744 = tpu.vector_load %arg8[%get3A_742, %get3A_743] {strides = array<i32>} : memref<512x64xf32, #tpu.memory_space<vmem>>, vector<1x16xf32>,
      %get3A_745 = vector.shape_cast %get3A_744 : vector<1x16xf32> to vector<16xf32>
      %sub3A_746 = arith.subf %get3A_741, %get3A_745 : vector<16xf32>
      %swap3A_747 = arith.index_cast %add3A_721 : i32 to index
      %swap3A_748 = arith.constant 16 : index
      %swap3A_749 = tpu.vector_load %arg8[%swap3A_747, %swap3A_748] {strides = array<i32>} : memref<512x64xf32, #tpu.memory_space<vmem>>, vector<1x16xf32>,
      %swap3A_750 = vector.shape_cast %swap3A_749 : vector<1x16xf32> to vector<16xf32>
      %swap3A_751 = vector.shape_cast %sub3A_746 : vector<16xf32> to vector<1x16xf32>
      tpu.vector_store %arg8[%swap3A_747, %swap3A_748], %swap3A_751 {strides = array<i32>} : memref<512x64xf32, #tpu.memory_space<vmem>>, vector<1x16xf32>,
      %mul3A_752 = arith.mulf %sub3A_746, %sub3A_746 : vector<16xf32>
      %add3A_753 = arith.addf %add3A_737, %mul3A_752 : vector<16xf32>
      %get3A_754 = arith.index_cast %add3A_721 : i32 to index
      %get3A_755 = arith.constant 32 : index
      %get3A_756 = tpu.vector_load %arg7[%get3A_754, %get3A_755] {strides = array<i32>} : memref<512x64xf32, #tpu.memory_space<vmem>>, vector<1x16xf32>,
      %get3A_757 = vector.shape_cast %get3A_756 : vector<1x16xf32> to vector<16xf32>
      %get3A_758 = arith.index_cast %add3A_721 : i32 to index
      %get3A_759 = arith.constant 32 : index
      %get3A_760 = tpu.vector_load %arg8[%get3A_758, %get3A_759] {strides = array<i32>} : memref<512x64xf32, #tpu.memory_space<vmem>>, vector<1x16xf32>,
      %get3A_761 = vector.shape_cast %get3A_760 : vector<1x16xf32> to vector<16xf32>
      %sub3A_762 = arith.subf %get3A_757, %get3A_761 : vector<16xf32>
      %swap3A_763 = arith.index_cast %add3A_721 : i32 to index
      %swap3A_764 = arith.constant 32 : index
      %swap3A_765 = tpu.vector_load %arg8[%swap3A_763, %swap3A_764] {strides = array<i32>} : memref<512x64xf32, #tpu.memory_space<vmem>>, vector<1x16xf32>,
      %swap3A_766 = vector.shape_cast %swap3A_765 : vector<1x16xf32> to vector<16xf32>
      %swap3A_767 = vector.shape_cast %sub3A_762 : vector<16xf32> to vector<1x16xf32>
      tpu.vector_store %arg8[%swap3A_763, %swap3A_764], %swap3A_767 {strides = array<i32>} : memref<512x64xf32, #tpu.memory_space<vmem>>, vector<1x16xf32>,
      %mul3A_768 = arith.mulf %sub3A_762, %sub3A_762 : vector<16xf32>
      %add3A_769 = arith.addf %add3A_753, %mul3A_768 : vector<16xf32>
      %get3A_770 = arith.index_cast %add3A_721 : i32 to index
      %get3A_771 = arith.constant 48 : index
      %get3A_772 = tpu.vector_load %arg7[%get3A_770, %get3A_771] {strides = array<i32>} : memref<512x64xf32, #tpu.memory_space<vmem>>, vector<1x16xf32>,
      %get3A_773 = vector.shape_cast %get3A_772 : vector<1x16xf32> to vector<16xf32>
      %get3A_774 = arith.index_cast %add3A_721 : i32 to index
      %get3A_775 = arith.constant 48 : index
      %get3A_776 = tpu.vector_load %arg8[%get3A_774, %get3A_775] {strides = array<i32>} : memref<512x64xf32, #tpu.memory_space<vmem>>, vector<1x16xf32>,
      %get3A_777 = vector.shape_cast %get3A_776 : vector<1x16xf32> to vector<16xf32>
      %sub3A_778 = arith.subf %get3A_773, %get3A_777 : vector<16xf32>
      %swap3A_779 = arith.index_cast %add3A_721 : i32 to index
      %swap3A_780 = arith.constant 48 : index
      %swap3A_781 = tpu.vector_load %arg8[%swap3A_779, %swap3A_780] {strides = array<i32>} : memref<512x64xf32, #tpu.memory_space<vmem>>, vector<1x16xf32>,
      %swap3A_782 = vector.shape_cast %swap3A_781 : vector<1x16xf32> to vector<16xf32>
      %swap3A_783 = vector.shape_cast %sub3A_778 : vector<16xf32> to vector<1x16xf32>
      tpu.vector_store %arg8[%swap3A_779, %swap3A_780], %swap3A_783 {strides = array<i32>} : memref<512x64xf32, #tpu.memory_space<vmem>>, vector<1x16xf32>,
      %mul3A_784 = arith.mulf %sub3A_778, %sub3A_778 : vector<16xf32>
      %add3A_785 = arith.addf %add3A_769, %mul3A_784 : vector<16xf32>
      %swap3A_786 = arith.index_cast %add3A_721 : i32 to index
      %swap3A_787 = arith.constant 0 : index
      %swap3A_788 = tpu.vector_load %arg10[%swap3A_786, %swap3A_787] {strides = array<i32>} : memref<512x16xf32, #tpu.memory_space<vmem>>, vector<1x16xf32>,
      %swap3A_789 = vector.shape_cast %swap3A_788 : vector<1x16xf32> to vector<16xf32>
      %swap3A_790 = vector.shape_cast %add3A_785 : vector<16xf32> to vector<1x16xf32>
      tpu.vector_store %arg10[%swap3A_786, %swap3A_787], %swap3A_790 {strides = array<i32>} : memref<512x16xf32, #tpu.memory_space<vmem>>, vector<1x16xf32>,
      %mul3A_791 = arith.constant 4 : i32
      %mul3A_792 = arith.muli %mul3A_791, %scan3A_715 : i32
      %add3A_793 = arith.constant 0 : i32
      %add3A_794 = arith.addi %mul3A_792, %add3A_793 : i32
      %add3A_795 = arith.constant 1 : i32
      %add3A_796 = arith.addi %add3A_794, %add3A_795 : i32
      %get3A_797 = arith.index_cast %add3A_796 : i32 to index
      %get3A_798 = arith.constant 0 : index
      %get3A_799 = tpu.vector_load %arg7[%get3A_797, %get3A_798] {strides = array<i32>} : memref<512x64xf32, #tpu.memory_space<vmem>>, vector<1x16xf32>,
      %get3A_800 = vector.shape_cast %get3A_799 : vector<1x16xf32> to vector<16xf32>
      %get3A_801 = arith.index_cast %add3A_796 : i32 to index
      %get3A_802 = arith.constant 0 : index
      %get3A_803 = tpu.vector_load %arg8[%get3A_801, %get3A_802] {strides = array<i32>} : memref<512x64xf32, #tpu.memory_space<vmem>>, vector<1x16xf32>,
      %get3A_804 = vector.shape_cast %get3A_803 : vector<1x16xf32> to vector<16xf32>
      %sub3A_805 = arith.subf %get3A_800, %get3A_804 : vector<16xf32>
      %swap3A_806 = arith.index_cast %add3A_796 : i32 to index
      %swap3A_807 = arith.constant 0 : index
      %swap3A_808 = tpu.vector_load %arg8[%swap3A_806, %swap3A_807] {strides = array<i32>} : memref<512x64xf32, #tpu.memory_space<vmem>>, vector<1x16xf32>,
      %swap3A_809 = vector.shape_cast %swap3A_808 : vector<1x16xf32> to vector<16xf32>
      %swap3A_810 = vector.shape_cast %sub3A_805 : vector<16xf32> to vector<1x16xf32>
      tpu.vector_store %arg8[%swap3A_806, %swap3A_807], %swap3A_810 {strides = array<i32>} : memref<512x64xf32, #tpu.memory_space<vmem>>, vector<1x16xf32>,
      %mul3A_811 = arith.mulf %sub3A_805, %sub3A_805 : vector<16xf32>
      %add3A_812 = arith.addf %broadcast_in_dim3A_13, %mul3A_811 : vector<16xf32>
      %get3A_813 = arith.index_cast %add3A_796 : i32 to index
      %get3A_814 = arith.constant 16 : index
      %get3A_815 = tpu.vector_load %arg7[%get3A_813, %get3A_814] {strides = array<i32>} : memref<512x64xf32, #tpu.memory_space<vmem>>, vector<1x16xf32>,
      %get3A_816 = vector.shape_cast %get3A_815 : vector<1x16xf32> to vector<16xf32>
      %get3A_817 = arith.index_cast %add3A_796 : i32 to index
      %get3A_818 = arith.constant 16 : index
      %get3A_819 = tpu.vector_load %arg8[%get3A_817, %get3A_818] {strides = array<i32>} : memref<512x64xf32, #tpu.memory_space<vmem>>, vector<1x16xf32>,
      %get3A_820 = vector.shape_cast %get3A_819 : vector<1x16xf32> to vector<16xf32>
      %sub3A_821 = arith.subf %get3A_816, %get3A_820 : vector<16xf32>
      %swap3A_822 = arith.index_cast %add3A_796 : i32 to index
      %swap3A_823 = arith.constant 16 : index
      %swap3A_824 = tpu.vector_load %arg8[%swap3A_822, %swap3A_823] {strides = array<i32>} : memref<512x64xf32, #tpu.memory_space<vmem>>, vector<1x16xf32>,
      %swap3A_825 = vector.shape_cast %swap3A_824 : vector<1x16xf32> to vector<16xf32>
      %swap3A_826 = vector.shape_cast %sub3A_821 : vector<16xf32> to vector<1x16xf32>
      tpu.vector_store %arg8[%swap3A_822, %swap3A_823], %swap3A_826 {strides = array<i32>} : memref<512x64xf32, #tpu.memory_space<vmem>>, vector<1x16xf32>,
      %mul3A_827 = arith.mulf %sub3A_821, %sub3A_821 : vector<16xf32>
      %add3A_828 = arith.addf %add3A_812, %mul3A_827 : vector<16xf32>
      %get3A_829 = arith.index_cast %add3A_796 : i32 to index
      %get3A_830 = arith.constant 32 : index
      %get3A_831 = tpu.vector_load %arg7[%get3A_829, %get3A_830] {strides = array<i32>} : memref<512x64xf32, #tpu.memory_space<vmem>>, vector<1x16xf32>,
      %get3A_832 = vector.shape_cast %get3A_831 : vector<1x16xf32> to vector<16xf32>
      %get3A_833 = arith.index_cast %add3A_796 : i32 to index
      %get3A_834 = arith.constant 32 : index
      %get3A_835 = tpu.vector_load %arg8[%get3A_833, %get3A_834] {strides = array<i32>} : memref<512x64xf32, #tpu.memory_space<vmem>>, vector<1x16xf32>,
      %get3A_836 = vector.shape_cast %get3A_835 : vector<1x16xf32> to vector<16xf32>
      %sub3A_837 = arith.subf %get3A_832, %get3A_836 : vector<16xf32>
      %swap3A_838 = arith.index_cast %add3A_796 : i32 to index
      %swap3A_839 = arith.constant 32 : index
      %swap3A_840 = tpu.vector_load %arg8[%swap3A_838, %swap3A_839] {strides = array<i32>} : memref<512x64xf32, #tpu.memory_space<vmem>>, vector<1x16xf32>,
      %swap3A_841 = vector.shape_cast %swap3A_840 : vector<1x16xf32> to vector<16xf32>
      %swap3A_842 = vector.shape_cast %sub3A_837 : vector<16xf32> to vector<1x16xf32>
      tpu.vector_store %arg8[%swap3A_838, %swap3A_839], %swap3A_842 {strides = array<i32>} : memref<512x64xf32, #tpu.memory_space<vmem>>, vector<1x16xf32>,
      %mul3A_843 = arith.mulf %sub3A_837, %sub3A_837 : vector<16xf32>
      %add3A_844 = arith.addf %add3A_828, %mul3A_843 : vector<16xf32>
      %get3A_845 = arith.index_cast %add3A_796 : i32 to index
      %get3A_846 = arith.constant 48 : index
      %get3A_847 = tpu.vector_load %arg7[%get3A_845, %get3A_846] {strides = array<i32>} : memref<512x64xf32, #tpu.memory_space<vmem>>, vector<1x16xf32>,
      %get3A_848 = vector.shape_cast %get3A_847 : vector<1x16xf32> to vector<16xf32>
      %get3A_849 = arith.index_cast %add3A_796 : i32 to index
      %get3A_850 = arith.constant 48 : index
      %get3A_851 = tpu.vector_load %arg8[%get3A_849, %get3A_850] {strides = array<i32>} : memref<512x64xf32, #tpu.memory_space<vmem>>, vector<1x16xf32>,
      %get3A_852 = vector.shape_cast %get3A_851 : vector<1x16xf32> to vector<16xf32>
      %sub3A_853 = arith.subf %get3A_848, %get3A_852 : vector<16xf32>
      %swap3A_854 = arith.index_cast %add3A_796 : i32 to index
      %swap3A_855 = arith.constant 48 : index
      %swap3A_856 = tpu.vector_load %arg8[%swap3A_854, %swap3A_855] {strides = array<i32>} : memref<512x64xf32, #tpu.memory_space<vmem>>, vector<1x16xf32>,
      %swap3A_857 = vector.shape_cast %swap3A_856 : vector<1x16xf32> to vector<16xf32>
      %swap3A_858 = vector.shape_cast %sub3A_853 : vector<16xf32> to vector<1x16xf32>
      tpu.vector_store %arg8[%swap3A_854, %swap3A_855], %swap3A_858 {strides = array<i32>} : memref<512x64xf32, #tpu.memory_space<vmem>>, vector<1x16xf32>,
      %mul3A_859 = arith.mulf %sub3A_853, %sub3A_853 : vector<16xf32>
      %add3A_860 = arith.addf %add3A_844, %mul3A_859 : vector<16xf32>
      %swap3A_861 = arith.index_cast %add3A_796 : i32 to index
      %swap3A_862 = arith.constant 0 : index
      %swap3A_863 = tpu.vector_load %arg10[%swap3A_861, %swap3A_862] {strides = array<i32>} : memref<512x16xf32, #tpu.memory_space<vmem>>, vector<1x16xf32>,
      %swap3A_864 = vector.shape_cast %swap3A_863 : vector<1x16xf32> to vector<16xf32>
      %swap3A_865 = vector.shape_cast %add3A_860 : vector<16xf32> to vector<1x16xf32>
      tpu.vector_store %arg10[%swap3A_861, %swap3A_862], %swap3A_865 {strides = array<i32>} : memref<512x16xf32, #tpu.memory_space<vmem>>, vector<1x16xf32>,
      %mul3A_866 = arith.constant 4 : i32
      %mul3A_867 = arith.muli %mul3A_866, %scan3A_715 : i32
      %add3A_868 = arith.constant 0 : i32
      %add3A_869 = arith.addi %mul3A_867, %add3A_868 : i32
      %add3A_870 = arith.constant 2 : i32
      %add3A_871 = arith.addi %add3A_869, %add3A_870 : i32
      %get3A_872 = arith.index_cast %add3A_871 : i32 to index
      %get3A_873 = arith.constant 0 : index
      %get3A_874 = tpu.vector_load %arg7[%get3A_872, %get3A_873] {strides = array<i32>} : memref<512x64xf32, #tpu.memory_space<vmem>>, vector<1x16xf32>,
      %get3A_875 = vector.shape_cast %get3A_874 : vector<1x16xf32> to vector<16xf32>
      %get3A_876 = arith.index_cast %add3A_871 : i32 to index
      %get3A_877 = arith.constant 0 : index
      %get3A_878 = tpu.vector_load %arg8[%get3A_876, %get3A_877] {strides = array<i32>} : memref<512x64xf32, #tpu.memory_space<vmem>>, vector<1x16xf32>,
      %get3A_879 = vector.shape_cast %get3A_878 : vector<1x16xf32> to vector<16xf32>
      %sub3A_880 = arith.subf %get3A_875, %get3A_879 : vector<16xf32>
      %swap3A_881 = arith.index_cast %add3A_871 : i32 to index
      %swap3A_882 = arith.constant 0 : index
      %swap3A_883 = tpu.vector_load %arg8[%swap3A_881, %swap3A_882] {strides = array<i32>} : memref<512x64xf32, #tpu.memory_space<vmem>>, vector<1x16xf32>,
      %swap3A_884 = vector.shape_cast %swap3A_883 : vector<1x16xf32> to vector<16xf32>
      %swap3A_885 = vector.shape_cast %sub3A_880 : vector<16xf32> to vector<1x16xf32>
      tpu.vector_store %arg8[%swap3A_881, %swap3A_882], %swap3A_885 {strides = array<i32>} : memref<512x64xf32, #tpu.memory_space<vmem>>, vector<1x16xf32>,
      %mul3A_886 = arith.mulf %sub3A_880, %sub3A_880 : vector<16xf32>
      %add3A_887 = arith.addf %broadcast_in_dim3A_13, %mul3A_886 : vector<16xf32>
      %get3A_888 = arith.index_cast %add3A_871 : i32 to index
      %get3A_889 = arith.constant 16 : index
      %get3A_890 = tpu.vector_load %arg7[%get3A_888, %get3A_889] {strides = array<i32>} : memref<512x64xf32, #tpu.memory_space<vmem>>, vector<1x16xf32>,
      %get3A_891 = vector.shape_cast %get3A_890 : vector<1x16xf32> to vector<16xf32>
      %get3A_892 = arith.index_cast %add3A_871 : i32 to index
      %get3A_893 = arith.constant 16 : index
      %get3A_894 = tpu.vector_load %arg8[%get3A_892, %get3A_893] {strides = array<i32>} : memref<512x64xf32, #tpu.memory_space<vmem>>, vector<1x16xf32>,
      %get3A_895 = vector.shape_cast %get3A_894 : vector<1x16xf32> to vector<16xf32>
      %sub3A_896 = arith.subf %get3A_891, %get3A_895 : vector<16xf32>
      %swap3A_897 = arith.index_cast %add3A_871 : i32 to index
      %swap3A_898 = arith.constant 16 : index
      %swap3A_899 = tpu.vector_load %arg8[%swap3A_897, %swap3A_898] {strides = array<i32>} : memref<512x64xf32, #tpu.memory_space<vmem>>, vector<1x16xf32>,
      %swap3A_900 = vector.shape_cast %swap3A_899 : vector<1x16xf32> to vector<16xf32>
      %swap3A_901 = vector.shape_cast %sub3A_896 : vector<16xf32> to vector<1x16xf32>
      tpu.vector_store %arg8[%swap3A_897, %swap3A_898], %swap3A_901 {strides = array<i32>} : memref<512x64xf32, #tpu.memory_space<vmem>>, vector<1x16xf32>,
      %mul3A_902 = arith.mulf %sub3A_896, %sub3A_896 : vector<16xf32>
      %add3A_903 = arith.addf %add3A_887, %mul3A_902 : vector<16xf32>
      %get3A_904 = arith.index_cast %add3A_871 : i32 to index
      %get3A_905 = arith.constant 32 : index
      %get3A_906 = tpu.vector_load %arg7[%get3A_904, %get3A_905] {strides = array<i32>} : memref<512x64xf32, #tpu.memory_space<vmem>>, vector<1x16xf32>,
      %get3A_907 = vector.shape_cast %get3A_906 : vector<1x16xf32> to vector<16xf32>
      %get3A_908 = arith.index_cast %add3A_871 : i32 to index
      %get3A_909 = arith.constant 32 : index
      %get3A_910 = tpu.vector_load %arg8[%get3A_908, %get3A_909] {strides = array<i32>} : memref<512x64xf32, #tpu.memory_space<vmem>>, vector<1x16xf32>,
      %get3A_911 = vector.shape_cast %get3A_910 : vector<1x16xf32> to vector<16xf32>
      %sub3A_912 = arith.subf %get3A_907, %get3A_911 : vector<16xf32>
      %swap3A_913 = arith.index_cast %add3A_871 : i32 to index
      %swap3A_914 = arith.constant 32 : index
      %swap3A_915 = tpu.vector_load %arg8[%swap3A_913, %swap3A_914] {strides = array<i32>} : memref<512x64xf32, #tpu.memory_space<vmem>>, vector<1x16xf32>,
      %swap3A_916 = vector.shape_cast %swap3A_915 : vector<1x16xf32> to vector<16xf32>
      %swap3A_917 = vector.shape_cast %sub3A_912 : vector<16xf32> to vector<1x16xf32>
      tpu.vector_store %arg8[%swap3A_913, %swap3A_914], %swap3A_917 {strides = array<i32>} : memref<512x64xf32, #tpu.memory_space<vmem>>, vector<1x16xf32>,
      %mul3A_918 = arith.mulf %sub3A_912, %sub3A_912 : vector<16xf32>
      %add3A_919 = arith.addf %add3A_903, %mul3A_918 : vector<16xf32>
      %get3A_920 = arith.index_cast %add3A_871 : i32 to index
      %get3A_921 = arith.constant 48 : index
      %get3A_922 = tpu.vector_load %arg7[%get3A_920, %get3A_921] {strides = array<i32>} : memref<512x64xf32, #tpu.memory_space<vmem>>, vector<1x16xf32>,
      %get3A_923 = vector.shape_cast %get3A_922 : vector<1x16xf32> to vector<16xf32>
      %get3A_924 = arith.index_cast %add3A_871 : i32 to index
      %get3A_925 = arith.constant 48 : index
      %get3A_926 = tpu.vector_load %arg8[%get3A_924, %get3A_925] {strides = array<i32>} : memref<512x64xf32, #tpu.memory_space<vmem>>, vector<1x16xf32>,
      %get3A_927 = vector.shape_cast %get3A_926 : vector<1x16xf32> to vector<16xf32>
      %sub3A_928 = arith.subf %get3A_923, %get3A_927 : vector<16xf32>
      %swap3A_929 = arith.index_cast %add3A_871 : i32 to index
      %swap3A_930 = arith.constant 48 : index
      %swap3A_931 = tpu.vector_load %arg8[%swap3A_929, %swap3A_930] {strides = array<i32>} : memref<512x64xf32, #tpu.memory_space<vmem>>, vector<1x16xf32>,
      %swap3A_932 = vector.shape_cast %swap3A_931 : vector<1x16xf32> to vector<16xf32>
      %swap3A_933 = vector.shape_cast %sub3A_928 : vector<16xf32> to vector<1x16xf32>
      tpu.vector_store %arg8[%swap3A_929, %swap3A_930], %swap3A_933 {strides = array<i32>} : memref<512x64xf32, #tpu.memory_space<vmem>>, vector<1x16xf32>,
      %mul3A_934 = arith.mulf %sub3A_928, %sub3A_928 : vector<16xf32>
      %add3A_935 = arith.addf %add3A_919, %mul3A_934 : vector<16xf32>
      %swap3A_936 = arith.index_cast %add3A_871 : i32 to index
      %swap3A_937 = arith.constant 0 : index
      %swap3A_938 = tpu.vector_load %arg10[%swap3A_936, %swap3A_937] {strides = array<i32>} : memref<512x16xf32, #tpu.memory_space<vmem>>, vector<1x16xf32>,
      %swap3A_939 = vector.shape_cast %swap3A_938 : vector<1x16xf32> to vector<16xf32>
      %swap3A_940 = vector.shape_cast %add3A_935 : vector<16xf32> to vector<1x16xf32>
      tpu.vector_store %arg10[%swap3A_936, %swap3A_937], %swap3A_940 {strides = array<i32>} : memref<512x16xf32, #tpu.memory_space<vmem>>, vector<1x16xf32>,
      %mul3A_941 = arith.constant 4 : i32
      %mul3A_942 = arith.muli %mul3A_941, %scan3A_715 : i32
      %add3A_943 = arith.constant 0 : i32
      %add3A_944 = arith.addi %mul3A_942, %add3A_943 : i32
      %add3A_945 = arith.constant 3 : i32
      %add3A_946 = arith.addi %add3A_944, %add3A_945 : i32
      %get3A_947 = arith.index_cast %add3A_946 : i32 to index
      %get3A_948 = arith.constant 0 : index
      %get3A_949 = tpu.vector_load %arg7[%get3A_947, %get3A_948] {strides = array<i32>} : memref<512x64xf32, #tpu.memory_space<vmem>>, vector<1x16xf32>,
      %get3A_950 = vector.shape_cast %get3A_949 : vector<1x16xf32> to vector<16xf32>
      %get3A_951 = arith.index_cast %add3A_946 : i32 to index
      %get3A_952 = arith.constant 0 : index
      %get3A_953 = tpu.vector_load %arg8[%get3A_951, %get3A_952] {strides = array<i32>} : memref<512x64xf32, #tpu.memory_space<vmem>>, vector<1x16xf32>,
      %get3A_954 = vector.shape_cast %get3A_953 : vector<1x16xf32> to vector<16xf32>
      %sub3A_955 = arith.subf %get3A_950, %get3A_954 : vector<16xf32>
      %swap3A_956 = arith.index_cast %add3A_946 : i32 to index
      %swap3A_957 = arith.constant 0 : index
      %swap3A_958 = tpu.vector_load %arg8[%swap3A_956, %swap3A_957] {strides = array<i32>} : memref<512x64xf32, #tpu.memory_space<vmem>>, vector<1x16xf32>,
      %swap3A_959 = vector.shape_cast %swap3A_958 : vector<1x16xf32> to vector<16xf32>
      %swap3A_960 = vector.shape_cast %sub3A_955 : vector<16xf32> to vector<1x16xf32>
      tpu.vector_store %arg8[%swap3A_956, %swap3A_957], %swap3A_960 {strides = array<i32>} : memref<512x64xf32, #tpu.memory_space<vmem>>, vector<1x16xf32>,
      %mul3A_961 = arith.mulf %sub3A_955, %sub3A_955 : vector<16xf32>
      %add3A_962 = arith.addf %broadcast_in_dim3A_13, %mul3A_961 : vector<16xf32>
      %get3A_963 = arith.index_cast %add3A_946 : i32 to index
      %get3A_964 = arith.constant 16 : index
      %get3A_965 = tpu.vector_load %arg7[%get3A_963, %get3A_964] {strides = array<i32>} : memref<512x64xf32, #tpu.memory_space<vmem>>, vector<1x16xf32>,
      %get3A_966 = vector.shape_cast %get3A_965 : vector<1x16xf32> to vector<16xf32>
      %get3A_967 = arith.index_cast %add3A_946 : i32 to index
      %get3A_968 = arith.constant 16 : index
      %get3A_969 = tpu.vector_load %arg8[%get3A_967, %get3A_968] {strides = array<i32>} : memref<512x64xf32, #tpu.memory_space<vmem>>, vector<1x16xf32>,
      %get3A_970 = vector.shape_cast %get3A_969 : vector<1x16xf32> to vector<16xf32>
      %sub3A_971 = arith.subf %get3A_966, %get3A_970 : vector<16xf32>
      %swap3A_972 = arith.index_cast %add3A_946 : i32 to index
      %swap3A_973 = arith.constant 16 : index
      %swap3A_974 = tpu.vector_load %arg8[%swap3A_972, %swap3A_973] {strides = array<i32>} : memref<512x64xf32, #tpu.memory_space<vmem>>, vector<1x16xf32>,
      %swap3A_975 = vector.shape_cast %swap3A_974 : vector<1x16xf32> to vector<16xf32>
      %swap3A_976 = vector.shape_cast %sub3A_971 : vector<16xf32> to vector<1x16xf32>
      tpu.vector_store %arg8[%swap3A_972, %swap3A_973], %swap3A_976 {strides = array<i32>} : memref<512x64xf32, #tpu.memory_space<vmem>>, vector<1x16xf32>,
      %mul3A_977 = arith.mulf %sub3A_971, %sub3A_971 : vector<16xf32>
      %add3A_978 = arith.addf %add3A_962, %mul3A_977 : vector<16xf32>
      %get3A_979 = arith.index_cast %add3A_946 : i32 to index
      %get3A_980 = arith.constant 32 : index
      %get3A_981 = tpu.vector_load %arg7[%get3A_979, %get3A_980] {strides = array<i32>} : memref<512x64xf32, #tpu.memory_space<vmem>>, vector<1x16xf32>,
      %get3A_982 = vector.shape_cast %get3A_981 : vector<1x16xf32> to vector<16xf32>
      %get3A_983 = arith.index_cast %add3A_946 : i32 to index
      %get3A_984 = arith.constant 32 : index
      %get3A_985 = tpu.vector_load %arg8[%get3A_983, %get3A_984] {strides = array<i32>} : memref<512x64xf32, #tpu.memory_space<vmem>>, vector<1x16xf32>,
      %get3A_986 = vector.shape_cast %get3A_985 : vector<1x16xf32> to vector<16xf32>
      %sub3A_987 = arith.subf %get3A_982, %get3A_986 : vector<16xf32>
      %swap3A_988 = arith.index_cast %add3A_946 : i32 to index
      %swap3A_989 = arith.constant 32 : index
      %swap3A_990 = tpu.vector_load %arg8[%swap3A_988, %swap3A_989] {strides = array<i32>} : memref<512x64xf32, #tpu.memory_space<vmem>>, vector<1x16xf32>,
      %swap3A_991 = vector.shape_cast %swap3A_990 : vector<1x16xf32> to vector<16xf32>
      %swap3A_992 = vector.shape_cast %sub3A_987 : vector<16xf32> to vector<1x16xf32>
      tpu.vector_store %arg8[%swap3A_988, %swap3A_989], %swap3A_992 {strides = array<i32>} : memref<512x64xf32, #tpu.memory_space<vmem>>, vector<1x16xf32>,
      %mul3A_993 = arith.mulf %sub3A_987, %sub3A_987 : vector<16xf32>
      %add3A_994 = arith.addf %add3A_978, %mul3A_993 : vector<16xf32>
      %get3A_995 = arith.index_cast %add3A_946 : i32 to index
      %get3A_996 = arith.constant 48 : index
      %get3A_997 = tpu.vector_load %arg7[%get3A_995, %get3A_996] {strides = array<i32>} : memref<512x64xf32, #tpu.memory_space<vmem>>, vector<1x16xf32>,
      %get3A_998 = vector.shape_cast %get3A_997 : vector<1x16xf32> to vector<16xf32>
      %get3A_999 = arith.index_cast %add3A_946 : i32 to index
      %get3A_1000 = arith.constant 48 : index
      %get3A_1001 = tpu.vector_load %arg8[%get3A_999, %get3A_1000] {strides = array<i32>} : memref<512x64xf32, #tpu.memory_space<vmem>>, vector<1x16xf32>,
      %get3A_1002 = vector.shape_cast %get3A_1001 : vector<1x16xf32> to vector<16xf32>
      %sub3A_1003 = arith.subf %get3A_998, %get3A_1002 : vector<16xf32>
      %swap3A_1004 = arith.index_cast %add3A_946 : i32 to index
      %swap3A_1005 = arith.constant 48 : index
      %swap3A_1006 = tpu.vector_load %arg8[%swap3A_1004, %swap3A_1005] {strides = array<i32>} : memref<512x64xf32, #tpu.memory_space<vmem>>, vector<1x16xf32>,
      %swap3A_1007 = vector.shape_cast %swap3A_1006 : vector<1x16xf32> to vector<16xf32>
      %swap3A_1008 = vector.shape_cast %sub3A_1003 : vector<16xf32> to vector<1x16xf32>
      tpu.vector_store %arg8[%swap3A_1004, %swap3A_1005], %swap3A_1008 {strides = array<i32>} : memref<512x64xf32, #tpu.memory_space<vmem>>, vector<1x16xf32>,
      %mul3A_1009 = arith.mulf %sub3A_1003, %sub3A_1003 : vector<16xf32>
      %add3A_1010 = arith.addf %add3A_994, %mul3A_1009 : vector<16xf32>
      %swap3A_1011 = arith.index_cast %add3A_946 : i32 to index
      %swap3A_1012 = arith.constant 0 : index
      %swap3A_1013 = tpu.vector_load %arg10[%swap3A_1011, %swap3A_1012] {strides = array<i32>} : memref<512x16xf32, #tpu.memory_space<vmem>>, vector<1x16xf32>,
      %swap3A_1014 = vector.shape_cast %swap3A_1013 : vector<1x16xf32> to vector<16xf32>
      %swap3A_1015 = vector.shape_cast %add3A_1010 : vector<16xf32> to vector<1x16xf32>
      tpu.vector_store %arg10[%swap3A_1011, %swap3A_1012], %swap3A_1015 {strides = array<i32>} : memref<512x16xf32, #tpu.memory_space<vmem>>, vector<1x16xf32>,
    }
    %scan3A_568 = arith.constant 32 : i32
    %dma_start3A_569 = arith.constant 0 : i32
    %dma_start3A_570 = arith.constant 0 : i32
    %dma_start3A_571 = arith.constant 0 : i32
    %dma_start3A_572 = tpu.memref_slice %arg8[%dma_start3A_570, %dma_start3A_571] : memref<512x64xf32, #tpu.memory_space<vmem>> -> memref<128x64xf32, #tpu.memory_space<vmem>>
    %dma_start3A_573 = arith.constant 0 : i32
    %dma_start3A_574 = tpu.memref_slice %arg9[%dma_start3A_569, %dma_start3A_573] : memref<4x128xi32, #tpu.memory_space<vmem>> -> memref<1x128xi32, #tpu.memory_space<vmem>>
    %dma_start3A_575 = tpu.memref_squeeze %dma_start3A_574 : memref<1x128xi32, #tpu.memory_space<vmem>> -> memref<128xi32, #tpu.memory_space<vmem>>
    %dma_start3A_576 = arith.constant 0 : i32
    %dma_start3A_577 = arith.constant 0 : i32
    %dma_start3A_578 = tpu.memref_slice %arg12[%dma_start3A_576, %dma_start3A_577] : memref<8192x64xf32, #tpu.memory_space<vmem_shared>> -> memref<8192x64xf32, #tpu.memory_space<vmem_shared>>
    tpu.enqueue_indirect_dma source(%dma_start3A_572 : memref<128x64xf32, #tpu.memory_space<vmem>>) target(%dma_start3A_578 : memref<8192x64xf32, #tpu.memory_space<vmem_shared>>) offsets(%dma_start3A_575 : memref<128xi32, #tpu.memory_space<vmem>>) semaphore(%arg16 : memref<!tpu.dma_semaphore, #tpu.memory_space<semaphore_mem>>) {add = true}
    %dma_wait3A_579 = arith.constant 1 : i32
    %dma_wait3A_580 = arith.constant 128 : i32
    %dma_wait3A_581 = arith.constant 0 : i32
    %dma_wait3A_582 = tpu.memref_slice %arg8[%dma_wait3A_580, %dma_wait3A_581] : memref<512x64xf32, #tpu.memory_space<vmem>> -> memref<128x64xf32, #tpu.memory_space<vmem>>
    %dma_wait3A_583 = arith.constant 0 : i32
    %dma_wait3A_584 = tpu.memref_slice %arg9[%dma_wait3A_579, %dma_wait3A_583] : memref<4x128xi32, #tpu.memory_space<vmem>> -> memref<1x128xi32, #tpu.memory_space<vmem>>
    %dma_wait3A_585 = tpu.memref_squeeze %dma_wait3A_584 : memref<1x128xi32, #tpu.memory_space<vmem>> -> memref<128xi32, #tpu.memory_space<vmem>>
    %dma_wait3A_586 = arith.constant 0 : i32
    %dma_wait3A_587 = arith.constant 0 : i32
    %dma_wait3A_588 = tpu.memref_slice %arg4[%dma_wait3A_586, %dma_wait3A_587] : memref<8192x64xf32, #tpu.memory_space<hbm>> -> memref<8192x64xf32, #tpu.memory_space<hbm>>
    tpu.wait_indirect_dma semaphore(%arg15 : memref<!tpu.dma_semaphore, #tpu.memory_space<semaphore_mem>>) src(%dma_wait3A_588 : memref<8192x64xf32, #tpu.memory_space<hbm>>) dst(%dma_wait3A_582 : memref<128x64xf32, #tpu.memory_space<vmem>>)
    %scan3A_589 = arith.constant 0 : i32
    %scan3A_590 = arith.constant 0 : i32
    %scan3A_591 = arith.constant 32 : i32
    %scan3A_592 = arith.addi %scan3A_590, %scan3A_591 : i32
    %scan3A_593 = arith.constant 1 : i32
    scf.for %scan3A_715 = %scan3A_590 to %scan3A_592 step %scan3A_593  : i32 {
      %mul3A_716 = arith.constant 4 : i32
      %mul3A_717 = arith.muli %mul3A_716, %scan3A_715 : i32
      %add3A_718 = arith.constant 128 : i32
      %add3A_719 = arith.addi %mul3A_717, %add3A_718 : i32
      %add3A_720 = arith.constant 0 : i32
      %add3A_721 = arith.addi %add3A_719, %add3A_720 : i32
      %get3A_722 = arith.index_cast %add3A_721 : i32 to index
      %get3A_723 = arith.constant 0 : index
      %get3A_724 = tpu.vector_load %arg7[%get3A_722, %get3A_723] {strides = array<i32>} : memref<512x64xf32, #tpu.memory_space<vmem>>, vector<1x16xf32>,
      %get3A_725 = vector.shape_cast %get3A_724 : vector<1x16xf32> to vector<16xf32>
      %get3A_726 = arith.index_cast %add3A_721 : i32 to index
      %get3A_727 = arith.constant 0 : index
      %get3A_728 = tpu.vector_load %arg8[%get3A_726, %get3A_727] {strides = array<i32>} : memref<512x64xf32, #tpu.memory_space<vmem>>, vector<1x16xf32>,
      %get3A_729 = vector.shape_cast %get3A_728 : vector<1x16xf32> to vector<16xf32>
      %sub3A_730 = arith.subf %get3A_725, %get3A_729 : vector<16xf32>
      %swap3A_731 = arith.index_cast %add3A_721 : i32 to index
      %swap3A_732 = arith.constant 0 : index
      %swap3A_733 = tpu.vector_load %arg8[%swap3A_731, %swap3A_732] {strides = array<i32>} : memref<512x64xf32, #tpu.memory_space<vmem>>, vector<1x16xf32>,
      %swap3A_734 = vector.shape_cast %swap3A_733 : vector<1x16xf32> to vector<16xf32>
      %swap3A_735 = vector.shape_cast %sub3A_730 : vector<16xf32> to vector<1x16xf32>
      tpu.vector_store %arg8[%swap3A_731, %swap3A_732], %swap3A_735 {strides = array<i32>} : memref<512x64xf32, #tpu.memory_space<vmem>>, vector<1x16xf32>,
      %mul3A_736 = arith.mulf %sub3A_730, %sub3A_730 : vector<16xf32>
      %add3A_737 = arith.addf %broadcast_in_dim3A_13, %mul3A_736 : vector<16xf32>
      %get3A_738 = arith.index_cast %add3A_721 : i32 to index
      %get3A_739 = arith.constant 16 : index
      %get3A_740 = tpu.vector_load %arg7[%get3A_738, %get3A_739] {strides = array<i32>} : memref<512x64xf32, #tpu.memory_space<vmem>>, vector<1x16xf32>,
      %get3A_741 = vector.shape_cast %get3A_740 : vector<1x16xf32> to vector<16xf32>
      %get3A_742 = arith.index_cast %add3A_721 : i32 to index
      %get3A_743 = arith.constant 16 : index
      %get3A_744 = tpu.vector_load %arg8[%get3A_742, %get3A_743] {strides = array<i32>} : memref<512x64xf32, #tpu.memory_space<vmem>>, vector<1x16xf32>,
      %get3A_745 = vector.shape_cast %get3A_744 : vector<1x16xf32> to vector<16xf32>
      %sub3A_746 = arith.subf %get3A_741, %get3A_745 : vector<16xf32>
      %swap3A_747 = arith.index_cast %add3A_721 : i32 to index
      %swap3A_748 = arith.constant 16 : index
      %swap3A_749 = tpu.vector_load %arg8[%swap3A_747, %swap3A_748] {strides = array<i32>} : memref<512x64xf32, #tpu.memory_space<vmem>>, vector<1x16xf32>,
      %swap3A_750 = vector.shape_cast %swap3A_749 : vector<1x16xf32> to vector<16xf32>
      %swap3A_751 = vector.shape_cast %sub3A_746 : vector<16xf32> to vector<1x16xf32>
      tpu.vector_store %arg8[%swap3A_747, %swap3A_748], %swap3A_751 {strides = array<i32>} : memref<512x64xf32, #tpu.memory_space<vmem>>, vector<1x16xf32>,
      %mul3A_752 = arith.mulf %sub3A_746, %sub3A_746 : vector<16xf32>
      %add3A_753 = arith.addf %add3A_737, %mul3A_752 : vector<16xf32>
      %get3A_754 = arith.index_cast %add3A_721 : i32 to index
      %get3A_755 = arith.constant 32 : index
      %get3A_756 = tpu.vector_load %arg7[%get3A_754, %get3A_755] {strides = array<i32>} : memref<512x64xf32, #tpu.memory_space<vmem>>, vector<1x16xf32>,
      %get3A_757 = vector.shape_cast %get3A_756 : vector<1x16xf32> to vector<16xf32>
      %get3A_758 = arith.index_cast %add3A_721 : i32 to index
      %get3A_759 = arith.constant 32 : index
      %get3A_760 = tpu.vector_load %arg8[%get3A_758, %get3A_759] {strides = array<i32>} : memref<512x64xf32, #tpu.memory_space<vmem>>, vector<1x16xf32>,
      %get3A_761 = vector.shape_cast %get3A_760 : vector<1x16xf32> to vector<16xf32>
      %sub3A_762 = arith.subf %get3A_757, %get3A_761 : vector<16xf32>
      %swap3A_763 = arith.index_cast %add3A_721 : i32 to index
      %swap3A_764 = arith.constant 32 : index
      %swap3A_765 = tpu.vector_load %arg8[%swap3A_763, %swap3A_764] {strides = array<i32>} : memref<512x64xf32, #tpu.memory_space<vmem>>, vector<1x16xf32>,
      %swap3A_766 = vector.shape_cast %swap3A_765 : vector<1x16xf32> to vector<16xf32>
      %swap3A_767 = vector.shape_cast %sub3A_762 : vector<16xf32> to vector<1x16xf32>
      tpu.vector_store %arg8[%swap3A_763, %swap3A_764], %swap3A_767 {strides = array<i32>} : memref<512x64xf32, #tpu.memory_space<vmem>>, vector<1x16xf32>,
      %mul3A_768 = arith.mulf %sub3A_762, %sub3A_762 : vector<16xf32>
      %add3A_769 = arith.addf %add3A_753, %mul3A_768 : vector<16xf32>
      %get3A_770 = arith.index_cast %add3A_721 : i32 to index
      %get3A_771 = arith.constant 48 : index
      %get3A_772 = tpu.vector_load %arg7[%get3A_770, %get3A_771] {strides = array<i32>} : memref<512x64xf32, #tpu.memory_space<vmem>>, vector<1x16xf32>,
      %get3A_773 = vector.shape_cast %get3A_772 : vector<1x16xf32> to vector<16xf32>
      %get3A_774 = arith.index_cast %add3A_721 : i32 to index
      %get3A_775 = arith.constant 48 : index
      %get3A_776 = tpu.vector_load %arg8[%get3A_774, %get3A_775] {strides = array<i32>} : memref<512x64xf32, #tpu.memory_space<vmem>>, vector<1x16xf32>,
      %get3A_777 = vector.shape_cast %get3A_776 : vector<1x16xf32> to vector<16xf32>
      %sub3A_778 = arith.subf %get3A_773, %get3A_777 : vector<16xf32>
      %swap3A_779 = arith.index_cast %add3A_721 : i32 to index
      %swap3A_780 = arith.constant 48 : index
      %swap3A_781 = tpu.vector_load %arg8[%swap3A_779, %swap3A_780] {strides = array<i32>} : memref<512x64xf32, #tpu.memory_space<vmem>>, vector<1x16xf32>,
      %swap3A_782 = vector.shape_cast %swap3A_781 : vector<1x16xf32> to vector<16xf32>
      %swap3A_783 = vector.shape_cast %sub3A_778 : vector<16xf32> to vector<1x16xf32>
      tpu.vector_store %arg8[%swap3A_779, %swap3A_780], %swap3A_783 {strides = array<i32>} : memref<512x64xf32, #tpu.memory_space<vmem>>, vector<1x16xf32>,
      %mul3A_784 = arith.mulf %sub3A_778, %sub3A_778 : vector<16xf32>
      %add3A_785 = arith.addf %add3A_769, %mul3A_784 : vector<16xf32>
      %swap3A_786 = arith.index_cast %add3A_721 : i32 to index
      %swap3A_787 = arith.constant 0 : index
      %swap3A_788 = tpu.vector_load %arg10[%swap3A_786, %swap3A_787] {strides = array<i32>} : memref<512x16xf32, #tpu.memory_space<vmem>>, vector<1x16xf32>,
      %swap3A_789 = vector.shape_cast %swap3A_788 : vector<1x16xf32> to vector<16xf32>
      %swap3A_790 = vector.shape_cast %add3A_785 : vector<16xf32> to vector<1x16xf32>
      tpu.vector_store %arg10[%swap3A_786, %swap3A_787], %swap3A_790 {strides = array<i32>} : memref<512x16xf32, #tpu.memory_space<vmem>>, vector<1x16xf32>,
      %mul3A_791 = arith.constant 4 : i32
      %mul3A_792 = arith.muli %mul3A_791, %scan3A_715 : i32
      %add3A_793 = arith.constant 128 : i32
      %add3A_794 = arith.addi %mul3A_792, %add3A_793 : i32
      %add3A_795 = arith.constant 1 : i32
      %add3A_796 = arith.addi %add3A_794, %add3A_795 : i32
      %get3A_797 = arith.index_cast %add3A_796 : i32 to index
      %get3A_798 = arith.constant 0 : index
      %get3A_799 = tpu.vector_load %arg7[%get3A_797, %get3A_798] {strides = array<i32>} : memref<512x64xf32, #tpu.memory_space<vmem>>, vector<1x16xf32>,
      %get3A_800 = vector.shape_cast %get3A_799 : vector<1x16xf32> to vector<16xf32>
      %get3A_801 = arith.index_cast %add3A_796 : i32 to index
      %get3A_802 = arith.constant 0 : index
      %get3A_803 = tpu.vector_load %arg8[%get3A_801, %get3A_802] {strides = array<i32>} : memref<512x64xf32, #tpu.memory_space<vmem>>, vector<1x16xf32>,
      %get3A_804 = vector.shape_cast %get3A_803 : vector<1x16xf32> to vector<16xf32>
      %sub3A_805 = arith.subf %get3A_800, %get3A_804 : vector<16xf32>
      %swap3A_806 = arith.index_cast %add3A_796 : i32 to index
      %swap3A_807 = arith.constant 0 : index
      %swap3A_808 = tpu.vector_load %arg8[%swap3A_806, %swap3A_807] {strides = array<i32>} : memref<512x64xf32, #tpu.memory_space<vmem>>, vector<1x16xf32>,
      %swap3A_809 = vector.shape_cast %swap3A_808 : vector<1x16xf32> to vector<16xf32>
      %swap3A_810 = vector.shape_cast %sub3A_805 : vector<16xf32> to vector<1x16xf32>
      tpu.vector_store %arg8[%swap3A_806, %swap3A_807], %swap3A_810 {strides = array<i32>} : memref<512x64xf32, #tpu.memory_space<vmem>>, vector<1x16xf32>,
      %mul3A_811 = arith.mulf %sub3A_805, %sub3A_805 : vector<16xf32>
      %add3A_812 = arith.addf %broadcast_in_dim3A_13, %mul3A_811 : vector<16xf32>
      %get3A_813 = arith.index_cast %add3A_796 : i32 to index
      %get3A_814 = arith.constant 16 : index
      %get3A_815 = tpu.vector_load %arg7[%get3A_813, %get3A_814] {strides = array<i32>} : memref<512x64xf32, #tpu.memory_space<vmem>>, vector<1x16xf32>,
      %get3A_816 = vector.shape_cast %get3A_815 : vector<1x16xf32> to vector<16xf32>
      %get3A_817 = arith.index_cast %add3A_796 : i32 to index
      %get3A_818 = arith.constant 16 : index
      %get3A_819 = tpu.vector_load %arg8[%get3A_817, %get3A_818] {strides = array<i32>} : memref<512x64xf32, #tpu.memory_space<vmem>>, vector<1x16xf32>,
      %get3A_820 = vector.shape_cast %get3A_819 : vector<1x16xf32> to vector<16xf32>
      %sub3A_821 = arith.subf %get3A_816, %get3A_820 : vector<16xf32>
      %swap3A_822 = arith.index_cast %add3A_796 : i32 to index
      %swap3A_823 = arith.constant 16 : index
      %swap3A_824 = tpu.vector_load %arg8[%swap3A_822, %swap3A_823] {strides = array<i32>} : memref<512x64xf32, #tpu.memory_space<vmem>>, vector<1x16xf32>,
      %swap3A_825 = vector.shape_cast %swap3A_824 : vector<1x16xf32> to vector<16xf32>
      %swap3A_826 = vector.shape_cast %sub3A_821 : vector<16xf32> to vector<1x16xf32>
      tpu.vector_store %arg8[%swap3A_822, %swap3A_823], %swap3A_826 {strides = array<i32>} : memref<512x64xf32, #tpu.memory_space<vmem>>, vector<1x16xf32>,
      %mul3A_827 = arith.mulf %sub3A_821, %sub3A_821 : vector<16xf32>
      %add3A_828 = arith.addf %add3A_812, %mul3A_827 : vector<16xf32>
      %get3A_829 = arith.index_cast %add3A_796 : i32 to index
      %get3A_830 = arith.constant 32 : index
      %get3A_831 = tpu.vector_load %arg7[%get3A_829, %get3A_830] {strides = array<i32>} : memref<512x64xf32, #tpu.memory_space<vmem>>, vector<1x16xf32>,
      %get3A_832 = vector.shape_cast %get3A_831 : vector<1x16xf32> to vector<16xf32>
      %get3A_833 = arith.index_cast %add3A_796 : i32 to index
      %get3A_834 = arith.constant 32 : index
      %get3A_835 = tpu.vector_load %arg8[%get3A_833, %get3A_834] {strides = array<i32>} : memref<512x64xf32, #tpu.memory_space<vmem>>, vector<1x16xf32>,
      %get3A_836 = vector.shape_cast %get3A_835 : vector<1x16xf32> to vector<16xf32>
      %sub3A_837 = arith.subf %get3A_832, %get3A_836 : vector<16xf32>
      %swap3A_838 = arith.index_cast %add3A_796 : i32 to index
      %swap3A_839 = arith.constant 32 : index
      %swap3A_840 = tpu.vector_load %arg8[%swap3A_838, %swap3A_839] {strides = array<i32>} : memref<512x64xf32, #tpu.memory_space<vmem>>, vector<1x16xf32>,
      %swap3A_841 = vector.shape_cast %swap3A_840 : vector<1x16xf32> to vector<16xf32>
      %swap3A_842 = vector.shape_cast %sub3A_837 : vector<16xf32> to vector<1x16xf32>
      tpu.vector_store %arg8[%swap3A_838, %swap3A_839], %swap3A_842 {strides = array<i32>} : memref<512x64xf32, #tpu.memory_space<vmem>>, vector<1x16xf32>,
      %mul3A_843 = arith.mulf %sub3A_837, %sub3A_837 : vector<16xf32>
      %add3A_844 = arith.addf %add3A_828, %mul3A_843 : vector<16xf32>
      %get3A_845 = arith.index_cast %add3A_796 : i32 to index
      %get3A_846 = arith.constant 48 : index
      %get3A_847 = tpu.vector_load %arg7[%get3A_845, %get3A_846] {strides = array<i32>} : memref<512x64xf32, #tpu.memory_space<vmem>>, vector<1x16xf32>,
      %get3A_848 = vector.shape_cast %get3A_847 : vector<1x16xf32> to vector<16xf32>
      %get3A_849 = arith.index_cast %add3A_796 : i32 to index
      %get3A_850 = arith.constant 48 : index
      %get3A_851 = tpu.vector_load %arg8[%get3A_849, %get3A_850] {strides = array<i32>} : memref<512x64xf32, #tpu.memory_space<vmem>>, vector<1x16xf32>,
      %get3A_852 = vector.shape_cast %get3A_851 : vector<1x16xf32> to vector<16xf32>
      %sub3A_853 = arith.subf %get3A_848, %get3A_852 : vector<16xf32>
      %swap3A_854 = arith.index_cast %add3A_796 : i32 to index
      %swap3A_855 = arith.constant 48 : index
      %swap3A_856 = tpu.vector_load %arg8[%swap3A_854, %swap3A_855] {strides = array<i32>} : memref<512x64xf32, #tpu.memory_space<vmem>>, vector<1x16xf32>,
      %swap3A_857 = vector.shape_cast %swap3A_856 : vector<1x16xf32> to vector<16xf32>
      %swap3A_858 = vector.shape_cast %sub3A_853 : vector<16xf32> to vector<1x16xf32>
      tpu.vector_store %arg8[%swap3A_854, %swap3A_855], %swap3A_858 {strides = array<i32>} : memref<512x64xf32, #tpu.memory_space<vmem>>, vector<1x16xf32>,
      %mul3A_859 = arith.mulf %sub3A_853, %sub3A_853 : vector<16xf32>
      %add3A_860 = arith.addf %add3A_844, %mul3A_859 : vector<16xf32>
      %swap3A_861 = arith.index_cast %add3A_796 : i32 to index
      %swap3A_862 = arith.constant 0 : index
      %swap3A_863 = tpu.vector_load %arg10[%swap3A_861, %swap3A_862] {strides = array<i32>} : memref<512x16xf32, #tpu.memory_space<vmem>>, vector<1x16xf32>,
      %swap3A_864 = vector.shape_cast %swap3A_863 : vector<1x16xf32> to vector<16xf32>
      %swap3A_865 = vector.shape_cast %add3A_860 : vector<16xf32> to vector<1x16xf32>
      tpu.vector_store %arg10[%swap3A_861, %swap3A_862], %swap3A_865 {strides = array<i32>} : memref<512x16xf32, #tpu.memory_space<vmem>>, vector<1x16xf32>,
      %mul3A_866 = arith.constant 4 : i32
      %mul3A_867 = arith.muli %mul3A_866, %scan3A_715 : i32
      %add3A_868 = arith.constant 128 : i32
      %add3A_869 = arith.addi %mul3A_867, %add3A_868 : i32
      %add3A_870 = arith.constant 2 : i32
      %add3A_871 = arith.addi %add3A_869, %add3A_870 : i32
      %get3A_872 = arith.index_cast %add3A_871 : i32 to index
      %get3A_873 = arith.constant 0 : index
      %get3A_874 = tpu.vector_load %arg7[%get3A_872, %get3A_873] {strides = array<i32>} : memref<512x64xf32, #tpu.memory_space<vmem>>, vector<1x16xf32>,
      %get3A_875 = vector.shape_cast %get3A_874 : vector<1x16xf32> to vector<16xf32>
      %get3A_876 = arith.index_cast %add3A_871 : i32 to index
      %get3A_877 = arith.constant 0 : index
      %get3A_878 = tpu.vector_load %arg8[%get3A_876, %get3A_877] {strides = array<i32>} : memref<512x64xf32, #tpu.memory_space<vmem>>, vector<1x16xf32>,
      %get3A_879 = vector.shape_cast %get3A_878 : vector<1x16xf32> to vector<16xf32>
      %sub3A_880 = arith.subf %get3A_875, %get3A_879 : vector<16xf32>
      %swap3A_881 = arith.index_cast %add3A_871 : i32 to index
      %swap3A_882 = arith.constant 0 : index
      %swap3A_883 = tpu.vector_load %arg8[%swap3A_881, %swap3A_882] {strides = array<i32>} : memref<512x64xf32, #tpu.memory_space<vmem>>, vector<1x16xf32>,
      %swap3A_884 = vector.shape_cast %swap3A_883 : vector<1x16xf32> to vector<16xf32>
      %swap3A_885 = vector.shape_cast %sub3A_880 : vector<16xf32> to vector<1x16xf32>
      tpu.vector_store %arg8[%swap3A_881, %swap3A_882], %swap3A_885 {strides = array<i32>} : memref<512x64xf32, #tpu.memory_space<vmem>>, vector<1x16xf32>,
      %mul3A_886 = arith.mulf %sub3A_880, %sub3A_880 : vector<16xf32>
      %add3A_887 = arith.addf %broadcast_in_dim3A_13, %mul3A_886 : vector<16xf32>
      %get3A_888 = arith.index_cast %add3A_871 : i32 to index
      %get3A_889 = arith.constant 16 : index
      %get3A_890 = tpu.vector_load %arg7[%get3A_888, %get3A_889] {strides = array<i32>} : memref<512x64xf32, #tpu.memory_space<vmem>>, vector<1x16xf32>,
      %get3A_891 = vector.shape_cast %get3A_890 : vector<1x16xf32> to vector<16xf32>
      %get3A_892 = arith.index_cast %add3A_871 : i32 to index
      %get3A_893 = arith.constant 16 : index
      %get3A_894 = tpu.vector_load %arg8[%get3A_892, %get3A_893] {strides = array<i32>} : memref<512x64xf32, #tpu.memory_space<vmem>>, vector<1x16xf32>,
      %get3A_895 = vector.shape_cast %get3A_894 : vector<1x16xf32> to vector<16xf32>
      %sub3A_896 = arith.subf %get3A_891, %get3A_895 : vector<16xf32>
      %swap3A_897 = arith.index_cast %add3A_871 : i32 to index
      %swap3A_898 = arith.constant 16 : index
      %swap3A_899 = tpu.vector_load %arg8[%swap3A_897, %swap3A_898] {strides = array<i32>} : memref<512x64xf32, #tpu.memory_space<vmem>>, vector<1x16xf32>,
      %swap3A_900 = vector.shape_cast %swap3A_899 : vector<1x16xf32> to vector<16xf32>
      %swap3A_901 = vector.shape_cast %sub3A_896 : vector<16xf32> to vector<1x16xf32>
      tpu.vector_store %arg8[%swap3A_897, %swap3A_898], %swap3A_901 {strides = array<i32>} : memref<512x64xf32, #tpu.memory_space<vmem>>, vector<1x16xf32>,
      %mul3A_902 = arith.mulf %sub3A_896, %sub3A_896 : vector<16xf32>
      %add3A_903 = arith.addf %add3A_887, %mul3A_902 : vector<16xf32>
      %get3A_904 = arith.index_cast %add3A_871 : i32 to index
      %get3A_905 = arith.constant 32 : index
      %get3A_906 = tpu.vector_load %arg7[%get3A_904, %get3A_905] {strides = array<i32>} : memref<512x64xf32, #tpu.memory_space<vmem>>, vector<1x16xf32>,
      %get3A_907 = vector.shape_cast %get3A_906 : vector<1x16xf32> to vector<16xf32>
      %get3A_908 = arith.index_cast %add3A_871 : i32 to index
      %get3A_909 = arith.constant 32 : index
      %get3A_910 = tpu.vector_load %arg8[%get3A_908, %get3A_909] {strides = array<i32>} : memref<512x64xf32, #tpu.memory_space<vmem>>, vector<1x16xf32>,
      %get3A_911 = vector.shape_cast %get3A_910 : vector<1x16xf32> to vector<16xf32>
      %sub3A_912 = arith.subf %get3A_907, %get3A_911 : vector<16xf32>
      %swap3A_913 = arith.index_cast %add3A_871 : i32 to index
      %swap3A_914 = arith.constant 32 : index
      %swap3A_915 = tpu.vector_load %arg8[%swap3A_913, %swap3A_914] {strides = array<i32>} : memref<512x64xf32, #tpu.memory_space<vmem>>, vector<1x16xf32>,
      %swap3A_916 = vector.shape_cast %swap3A_915 : vector<1x16xf32> to vector<16xf32>
      %swap3A_917 = vector.shape_cast %sub3A_912 : vector<16xf32> to vector<1x16xf32>
      tpu.vector_store %arg8[%swap3A_913, %swap3A_914], %swap3A_917 {strides = array<i32>} : memref<512x64xf32, #tpu.memory_space<vmem>>, vector<1x16xf32>,
      %mul3A_918 = arith.mulf %sub3A_912, %sub3A_912 : vector<16xf32>
      %add3A_919 = arith.addf %add3A_903, %mul3A_918 : vector<16xf32>
      %get3A_920 = arith.index_cast %add3A_871 : i32 to index
      %get3A_921 = arith.constant 48 : index
      %get3A_922 = tpu.vector_load %arg7[%get3A_920, %get3A_921] {strides = array<i32>} : memref<512x64xf32, #tpu.memory_space<vmem>>, vector<1x16xf32>,
      %get3A_923 = vector.shape_cast %get3A_922 : vector<1x16xf32> to vector<16xf32>
      %get3A_924 = arith.index_cast %add3A_871 : i32 to index
      %get3A_925 = arith.constant 48 : index
      %get3A_926 = tpu.vector_load %arg8[%get3A_924, %get3A_925] {strides = array<i32>} : memref<512x64xf32, #tpu.memory_space<vmem>>, vector<1x16xf32>,
      %get3A_927 = vector.shape_cast %get3A_926 : vector<1x16xf32> to vector<16xf32>
      %sub3A_928 = arith.subf %get3A_923, %get3A_927 : vector<16xf32>
      %swap3A_929 = arith.index_cast %add3A_871 : i32 to index
      %swap3A_930 = arith.constant 48 : index
      %swap3A_931 = tpu.vector_load %arg8[%swap3A_929, %swap3A_930] {strides = array<i32>} : memref<512x64xf32, #tpu.memory_space<vmem>>, vector<1x16xf32>,
      %swap3A_932 = vector.shape_cast %swap3A_931 : vector<1x16xf32> to vector<16xf32>
      %swap3A_933 = vector.shape_cast %sub3A_928 : vector<16xf32> to vector<1x16xf32>
      tpu.vector_store %arg8[%swap3A_929, %swap3A_930], %swap3A_933 {strides = array<i32>} : memref<512x64xf32, #tpu.memory_space<vmem>>, vector<1x16xf32>,
      %mul3A_934 = arith.mulf %sub3A_928, %sub3A_928 : vector<16xf32>
      %add3A_935 = arith.addf %add3A_919, %mul3A_934 : vector<16xf32>
      %swap3A_936 = arith.index_cast %add3A_871 : i32 to index
      %swap3A_937 = arith.constant 0 : index
      %swap3A_938 = tpu.vector_load %arg10[%swap3A_936, %swap3A_937] {strides = array<i32>} : memref<512x16xf32, #tpu.memory_space<vmem>>, vector<1x16xf32>,
      %swap3A_939 = vector.shape_cast %swap3A_938 : vector<1x16xf32> to vector<16xf32>
      %swap3A_940 = vector.shape_cast %add3A_935 : vector<16xf32> to vector<1x16xf32>
      tpu.vector_store %arg10[%swap3A_936, %swap3A_937], %swap3A_940 {strides = array<i32>} : memref<512x16xf32, #tpu.memory_space<vmem>>, vector<1x16xf32>,
      %mul3A_941 = arith.constant 4 : i32
      %mul3A_942 = arith.muli %mul3A_941, %scan3A_715 : i32
      %add3A_943 = arith.constant 128 : i32
      %add3A_944 = arith.addi %mul3A_942, %add3A_943 : i32
      %add3A_945 = arith.constant 3 : i32
      %add3A_946 = arith.addi %add3A_944, %add3A_945 : i32
      %get3A_947 = arith.index_cast %add3A_946 : i32 to index
      %get3A_948 = arith.constant 0 : index
      %get3A_949 = tpu.vector_load %arg7[%get3A_947, %get3A_948] {strides = array<i32>} : memref<512x64xf32, #tpu.memory_space<vmem>>, vector<1x16xf32>,
      %get3A_950 = vector.shape_cast %get3A_949 : vector<1x16xf32> to vector<16xf32>
      %get3A_951 = arith.index_cast %add3A_946 : i32 to index
      %get3A_952 = arith.constant 0 : index
      %get3A_953 = tpu.vector_load %arg8[%get3A_951, %get3A_952] {strides = array<i32>} : memref<512x64xf32, #tpu.memory_space<vmem>>, vector<1x16xf32>,
      %get3A_954 = vector.shape_cast %get3A_953 : vector<1x16xf32> to vector<16xf32>
      %sub3A_955 = arith.subf %get3A_950, %get3A_954 : vector<16xf32>
      %swap3A_956 = arith.index_cast %add3A_946 : i32 to index
      %swap3A_957 = arith.constant 0 : index
      %swap3A_958 = tpu.vector_load %arg8[%swap3A_956, %swap3A_957] {strides = array<i32>} : memref<512x64xf32, #tpu.memory_space<vmem>>, vector<1x16xf32>,
      %swap3A_959 = vector.shape_cast %swap3A_958 : vector<1x16xf32> to vector<16xf32>
      %swap3A_960 = vector.shape_cast %sub3A_955 : vector<16xf32> to vector<1x16xf32>
      tpu.vector_store %arg8[%swap3A_956, %swap3A_957], %swap3A_960 {strides = array<i32>} : memref<512x64xf32, #tpu.memory_space<vmem>>, vector<1x16xf32>,
      %mul3A_961 = arith.mulf %sub3A_955, %sub3A_955 : vector<16xf32>
      %add3A_962 = arith.addf %broadcast_in_dim3A_13, %mul3A_961 : vector<16xf32>
      %get3A_963 = arith.index_cast %add3A_946 : i32 to index
      %get3A_964 = arith.constant 16 : index
      %get3A_965 = tpu.vector_load %arg7[%get3A_963, %get3A_964] {strides = array<i32>} : memref<512x64xf32, #tpu.memory_space<vmem>>, vector<1x16xf32>,
      %get3A_966 = vector.shape_cast %get3A_965 : vector<1x16xf32> to vector<16xf32>
      %get3A_967 = arith.index_cast %add3A_946 : i32 to index
      %get3A_968 = arith.constant 16 : index
      %get3A_969 = tpu.vector_load %arg8[%get3A_967, %get3A_968] {strides = array<i32>} : memref<512x64xf32, #tpu.memory_space<vmem>>, vector<1x16xf32>,
      %get3A_970 = vector.shape_cast %get3A_969 : vector<1x16xf32> to vector<16xf32>
      %sub3A_971 = arith.subf %get3A_966, %get3A_970 : vector<16xf32>
      %swap3A_972 = arith.index_cast %add3A_946 : i32 to index
      %swap3A_973 = arith.constant 16 : index
      %swap3A_974 = tpu.vector_load %arg8[%swap3A_972, %swap3A_973] {strides = array<i32>} : memref<512x64xf32, #tpu.memory_space<vmem>>, vector<1x16xf32>,
      %swap3A_975 = vector.shape_cast %swap3A_974 : vector<1x16xf32> to vector<16xf32>
      %swap3A_976 = vector.shape_cast %sub3A_971 : vector<16xf32> to vector<1x16xf32>
      tpu.vector_store %arg8[%swap3A_972, %swap3A_973], %swap3A_976 {strides = array<i32>} : memref<512x64xf32, #tpu.memory_space<vmem>>, vector<1x16xf32>,
      %mul3A_977 = arith.mulf %sub3A_971, %sub3A_971 : vector<16xf32>
      %add3A_978 = arith.addf %add3A_962, %mul3A_977 : vector<16xf32>
      %get3A_979 = arith.index_cast %add3A_946 : i32 to index
      %get3A_980 = arith.constant 32 : index
      %get3A_981 = tpu.vector_load %arg7[%get3A_979, %get3A_980] {strides = array<i32>} : memref<512x64xf32, #tpu.memory_space<vmem>>, vector<1x16xf32>,
      %get3A_982 = vector.shape_cast %get3A_981 : vector<1x16xf32> to vector<16xf32>
      %get3A_983 = arith.index_cast %add3A_946 : i32 to index
      %get3A_984 = arith.constant 32 : index
      %get3A_985 = tpu.vector_load %arg8[%get3A_983, %get3A_984] {strides = array<i32>} : memref<512x64xf32, #tpu.memory_space<vmem>>, vector<1x16xf32>,
      %get3A_986 = vector.shape_cast %get3A_985 : vector<1x16xf32> to vector<16xf32>
      %sub3A_987 = arith.subf %get3A_982, %get3A_986 : vector<16xf32>
      %swap3A_988 = arith.index_cast %add3A_946 : i32 to index
      %swap3A_989 = arith.constant 32 : index
      %swap3A_990 = tpu.vector_load %arg8[%swap3A_988, %swap3A_989] {strides = array<i32>} : memref<512x64xf32, #tpu.memory_space<vmem>>, vector<1x16xf32>,
      %swap3A_991 = vector.shape_cast %swap3A_990 : vector<1x16xf32> to vector<16xf32>
      %swap3A_992 = vector.shape_cast %sub3A_987 : vector<16xf32> to vector<1x16xf32>
      tpu.vector_store %arg8[%swap3A_988, %swap3A_989], %swap3A_992 {strides = array<i32>} : memref<512x64xf32, #tpu.memory_space<vmem>>, vector<1x16xf32>,
      %mul3A_993 = arith.mulf %sub3A_987, %sub3A_987 : vector<16xf32>
      %add3A_994 = arith.addf %add3A_978, %mul3A_993 : vector<16xf32>
      %get3A_995 = arith.index_cast %add3A_946 : i32 to index
      %get3A_996 = arith.constant 48 : index
      %get3A_997 = tpu.vector_load %arg7[%get3A_995, %get3A_996] {strides = array<i32>} : memref<512x64xf32, #tpu.memory_space<vmem>>, vector<1x16xf32>,
      %get3A_998 = vector.shape_cast %get3A_997 : vector<1x16xf32> to vector<16xf32>
      %get3A_999 = arith.index_cast %add3A_946 : i32 to index
      %get3A_1000 = arith.constant 48 : index
      %get3A_1001 = tpu.vector_load %arg8[%get3A_999, %get3A_1000] {strides = array<i32>} : memref<512x64xf32, #tpu.memory_space<vmem>>, vector<1x16xf32>,
      %get3A_1002 = vector.shape_cast %get3A_1001 : vector<1x16xf32> to vector<16xf32>
      %sub3A_1003 = arith.subf %get3A_998, %get3A_1002 : vector<16xf32>
      %swap3A_1004 = arith.index_cast %add3A_946 : i32 to index
      %swap3A_1005 = arith.constant 48 : index
      %swap3A_1006 = tpu.vector_load %arg8[%swap3A_1004, %swap3A_1005] {strides = array<i32>} : memref<512x64xf32, #tpu.memory_space<vmem>>, vector<1x16xf32>,
      %swap3A_1007 = vector.shape_cast %swap3A_1006 : vector<1x16xf32> to vector<16xf32>
      %swap3A_1008 = vector.shape_cast %sub3A_1003 : vector<16xf32> to vector<1x16xf32>
      tpu.vector_store %arg8[%swap3A_1004, %swap3A_1005], %swap3A_1008 {strides = array<i32>} : memref<512x64xf32, #tpu.memory_space<vmem>>, vector<1x16xf32>,
      %mul3A_1009 = arith.mulf %sub3A_1003, %sub3A_1003 : vector<16xf32>
      %add3A_1010 = arith.addf %add3A_994, %mul3A_1009 : vector<16xf32>
      %swap3A_1011 = arith.index_cast %add3A_946 : i32 to index
      %swap3A_1012 = arith.constant 0 : index
      %swap3A_1013 = tpu.vector_load %arg10[%swap3A_1011, %swap3A_1012] {strides = array<i32>} : memref<512x16xf32, #tpu.memory_space<vmem>>, vector<1x16xf32>,
      %swap3A_1014 = vector.shape_cast %swap3A_1013 : vector<1x16xf32> to vector<16xf32>
      %swap3A_1015 = vector.shape_cast %add3A_1010 : vector<16xf32> to vector<1x16xf32>
      tpu.vector_store %arg10[%swap3A_1011, %swap3A_1012], %swap3A_1015 {strides = array<i32>} : memref<512x16xf32, #tpu.memory_space<vmem>>, vector<1x16xf32>,
    }
    %scan3A_594 = arith.constant 32 : i32
    %dma_start3A_595 = arith.constant 1 : i32
    %dma_start3A_596 = arith.constant 128 : i32
    %dma_start3A_597 = arith.constant 0 : i32
    %dma_start3A_598 = tpu.memref_slice %arg8[%dma_start3A_596, %dma_start3A_597] : memref<512x64xf32, #tpu.memory_space<vmem>> -> memref<128x64xf32, #tpu.memory_space<vmem>>
    %dma_start3A_599 = arith.constant 0 : i32
    %dma_start3A_600 = tpu.memref_slice %arg9[%dma_start3A_595, %dma_start3A_599] : memref<4x128xi32, #tpu.memory_space<vmem>> -> memref<1x128xi32, #tpu.memory_space<vmem>>
    %dma_start3A_601 = tpu.memref_squeeze %dma_start3A_600 : memref<1x128xi32, #tpu.memory_space<vmem>> -> memref<128xi32, #tpu.memory_space<vmem>>
    %dma_start3A_602 = arith.constant 0 : i32
    %dma_start3A_603 = arith.constant 0 : i32
    %dma_start3A_604 = tpu.memref_slice %arg12[%dma_start3A_602, %dma_start3A_603] : memref<8192x64xf32, #tpu.memory_space<vmem_shared>> -> memref<8192x64xf32, #tpu.memory_space<vmem_shared>>
    tpu.enqueue_indirect_dma source(%dma_start3A_598 : memref<128x64xf32, #tpu.memory_space<vmem>>) target(%dma_start3A_604 : memref<8192x64xf32, #tpu.memory_space<vmem_shared>>) offsets(%dma_start3A_601 : memref<128xi32, #tpu.memory_space<vmem>>) semaphore(%arg16 : memref<!tpu.dma_semaphore, #tpu.memory_space<semaphore_mem>>) {add = true}
    %dma_wait3A_605 = arith.constant 2 : i32
    %dma_wait3A_606 = arith.constant 256 : i32
    %dma_wait3A_607 = arith.constant 0 : i32
    %dma_wait3A_608 = tpu.memref_slice %arg8[%dma_wait3A_606, %dma_wait3A_607] : memref<512x64xf32, #tpu.memory_space<vmem>> -> memref<128x64xf32, #tpu.memory_space<vmem>>
    %dma_wait3A_609 = arith.constant 0 : i32
    %dma_wait3A_610 = tpu.memref_slice %arg9[%dma_wait3A_605, %dma_wait3A_609] : memref<4x128xi32, #tpu.memory_space<vmem>> -> memref<1x128xi32, #tpu.memory_space<vmem>>
    %dma_wait3A_611 = tpu.memref_squeeze %dma_wait3A_610 : memref<1x128xi32, #tpu.memory_space<vmem>> -> memref<128xi32, #tpu.memory_space<vmem>>
    %dma_wait3A_612 = arith.constant 0 : i32
    %dma_wait3A_613 = arith.constant 0 : i32
    %dma_wait3A_614 = tpu.memref_slice %arg4[%dma_wait3A_612, %dma_wait3A_613] : memref<8192x64xf32, #tpu.memory_space<hbm>> -> memref<8192x64xf32, #tpu.memory_space<hbm>>
    tpu.wait_indirect_dma semaphore(%arg15 : memref<!tpu.dma_semaphore, #tpu.memory_space<semaphore_mem>>) src(%dma_wait3A_614 : memref<8192x64xf32, #tpu.memory_space<hbm>>) dst(%dma_wait3A_608 : memref<128x64xf32, #tpu.memory_space<vmem>>)
    %scan3A_615 = arith.constant 0 : i32
    %scan3A_616 = arith.constant 0 : i32
    %scan3A_617 = arith.constant 32 : i32
    %scan3A_618 = arith.addi %scan3A_616, %scan3A_617 : i32
    %scan3A_619 = arith.constant 1 : i32
    scf.for %scan3A_715 = %scan3A_616 to %scan3A_618 step %scan3A_619  : i32 {
      %mul3A_716 = arith.constant 4 : i32
      %mul3A_717 = arith.muli %mul3A_716, %scan3A_715 : i32
      %add3A_718 = arith.constant 256 : i32
      %add3A_719 = arith.addi %mul3A_717, %add3A_718 : i32
      %add3A_720 = arith.constant 0 : i32
      %add3A_721 = arith.addi %add3A_719, %add3A_720 : i32
      %get3A_722 = arith.index_cast %add3A_721 : i32 to index
      %get3A_723 = arith.constant 0 : index
      %get3A_724 = tpu.vector_load %arg7[%get3A_722, %get3A_723] {strides = array<i32>} : memref<512x64xf32, #tpu.memory_space<vmem>>, vector<1x16xf32>,
      %get3A_725 = vector.shape_cast %get3A_724 : vector<1x16xf32> to vector<16xf32>
      %get3A_726 = arith.index_cast %add3A_721 : i32 to index
      %get3A_727 = arith.constant 0 : index
      %get3A_728 = tpu.vector_load %arg8[%get3A_726, %get3A_727] {strides = array<i32>} : memref<512x64xf32, #tpu.memory_space<vmem>>, vector<1x16xf32>,
      %get3A_729 = vector.shape_cast %get3A_728 : vector<1x16xf32> to vector<16xf32>
      %sub3A_730 = arith.subf %get3A_725, %get3A_729 : vector<16xf32>
      %swap3A_731 = arith.index_cast %add3A_721 : i32 to index
      %swap3A_732 = arith.constant 0 : index
      %swap3A_733 = tpu.vector_load %arg8[%swap3A_731, %swap3A_732] {strides = array<i32>} : memref<512x64xf32, #tpu.memory_space<vmem>>, vector<1x16xf32>,
      %swap3A_734 = vector.shape_cast %swap3A_733 : vector<1x16xf32> to vector<16xf32>
      %swap3A_735 = vector.shape_cast %sub3A_730 : vector<16xf32> to vector<1x16xf32>
      tpu.vector_store %arg8[%swap3A_731, %swap3A_732], %swap3A_735 {strides = array<i32>} : memref<512x64xf32, #tpu.memory_space<vmem>>, vector<1x16xf32>,
      %mul3A_736 = arith.mulf %sub3A_730, %sub3A_730 : vector<16xf32>
      %add3A_737 = arith.addf %broadcast_in_dim3A_13, %mul3A_736 : vector<16xf32>
      %get3A_738 = arith.index_cast %add3A_721 : i32 to index
      %get3A_739 = arith.constant 16 : index
      %get3A_740 = tpu.vector_load %arg7[%get3A_738, %get3A_739] {strides = array<i32>} : memref<512x64xf32, #tpu.memory_space<vmem>>, vector<1x16xf32>,
      %get3A_741 = vector.shape_cast %get3A_740 : vector<1x16xf32> to vector<16xf32>
      %get3A_742 = arith.index_cast %add3A_721 : i32 to index
      %get3A_743 = arith.constant 16 : index
      %get3A_744 = tpu.vector_load %arg8[%get3A_742, %get3A_743] {strides = array<i32>} : memref<512x64xf32, #tpu.memory_space<vmem>>, vector<1x16xf32>,
      %get3A_745 = vector.shape_cast %get3A_744 : vector<1x16xf32> to vector<16xf32>
      %sub3A_746 = arith.subf %get3A_741, %get3A_745 : vector<16xf32>
      %swap3A_747 = arith.index_cast %add3A_721 : i32 to index
      %swap3A_748 = arith.constant 16 : index
      %swap3A_749 = tpu.vector_load %arg8[%swap3A_747, %swap3A_748] {strides = array<i32>} : memref<512x64xf32, #tpu.memory_space<vmem>>, vector<1x16xf32>,
      %swap3A_750 = vector.shape_cast %swap3A_749 : vector<1x16xf32> to vector<16xf32>
      %swap3A_751 = vector.shape_cast %sub3A_746 : vector<16xf32> to vector<1x16xf32>
      tpu.vector_store %arg8[%swap3A_747, %swap3A_748], %swap3A_751 {strides = array<i32>} : memref<512x64xf32, #tpu.memory_space<vmem>>, vector<1x16xf32>,
      %mul3A_752 = arith.mulf %sub3A_746, %sub3A_746 : vector<16xf32>
      %add3A_753 = arith.addf %add3A_737, %mul3A_752 : vector<16xf32>
      %get3A_754 = arith.index_cast %add3A_721 : i32 to index
      %get3A_755 = arith.constant 32 : index
      %get3A_756 = tpu.vector_load %arg7[%get3A_754, %get3A_755] {strides = array<i32>} : memref<512x64xf32, #tpu.memory_space<vmem>>, vector<1x16xf32>,
      %get3A_757 = vector.shape_cast %get3A_756 : vector<1x16xf32> to vector<16xf32>
      %get3A_758 = arith.index_cast %add3A_721 : i32 to index
      %get3A_759 = arith.constant 32 : index
      %get3A_760 = tpu.vector_load %arg8[%get3A_758, %get3A_759] {strides = array<i32>} : memref<512x64xf32, #tpu.memory_space<vmem>>, vector<1x16xf32>,
      %get3A_761 = vector.shape_cast %get3A_760 : vector<1x16xf32> to vector<16xf32>
      %sub3A_762 = arith.subf %get3A_757, %get3A_761 : vector<16xf32>
      %swap3A_763 = arith.index_cast %add3A_721 : i32 to index
      %swap3A_764 = arith.constant 32 : index
      %swap3A_765 = tpu.vector_load %arg8[%swap3A_763, %swap3A_764] {strides = array<i32>} : memref<512x64xf32, #tpu.memory_space<vmem>>, vector<1x16xf32>,
      %swap3A_766 = vector.shape_cast %swap3A_765 : vector<1x16xf32> to vector<16xf32>
      %swap3A_767 = vector.shape_cast %sub3A_762 : vector<16xf32> to vector<1x16xf32>
      tpu.vector_store %arg8[%swap3A_763, %swap3A_764], %swap3A_767 {strides = array<i32>} : memref<512x64xf32, #tpu.memory_space<vmem>>, vector<1x16xf32>,
      %mul3A_768 = arith.mulf %sub3A_762, %sub3A_762 : vector<16xf32>
      %add3A_769 = arith.addf %add3A_753, %mul3A_768 : vector<16xf32>
      %get3A_770 = arith.index_cast %add3A_721 : i32 to index
      %get3A_771 = arith.constant 48 : index
      %get3A_772 = tpu.vector_load %arg7[%get3A_770, %get3A_771] {strides = array<i32>} : memref<512x64xf32, #tpu.memory_space<vmem>>, vector<1x16xf32>,
      %get3A_773 = vector.shape_cast %get3A_772 : vector<1x16xf32> to vector<16xf32>
      %get3A_774 = arith.index_cast %add3A_721 : i32 to index
      %get3A_775 = arith.constant 48 : index
      %get3A_776 = tpu.vector_load %arg8[%get3A_774, %get3A_775] {strides = array<i32>} : memref<512x64xf32, #tpu.memory_space<vmem>>, vector<1x16xf32>,
      %get3A_777 = vector.shape_cast %get3A_776 : vector<1x16xf32> to vector<16xf32>
      %sub3A_778 = arith.subf %get3A_773, %get3A_777 : vector<16xf32>
      %swap3A_779 = arith.index_cast %add3A_721 : i32 to index
      %swap3A_780 = arith.constant 48 : index
      %swap3A_781 = tpu.vector_load %arg8[%swap3A_779, %swap3A_780] {strides = array<i32>} : memref<512x64xf32, #tpu.memory_space<vmem>>, vector<1x16xf32>,
      %swap3A_782 = vector.shape_cast %swap3A_781 : vector<1x16xf32> to vector<16xf32>
      %swap3A_783 = vector.shape_cast %sub3A_778 : vector<16xf32> to vector<1x16xf32>
      tpu.vector_store %arg8[%swap3A_779, %swap3A_780], %swap3A_783 {strides = array<i32>} : memref<512x64xf32, #tpu.memory_space<vmem>>, vector<1x16xf32>,
      %mul3A_784 = arith.mulf %sub3A_778, %sub3A_778 : vector<16xf32>
      %add3A_785 = arith.addf %add3A_769, %mul3A_784 : vector<16xf32>
      %swap3A_786 = arith.index_cast %add3A_721 : i32 to index
      %swap3A_787 = arith.constant 0 : index
      %swap3A_788 = tpu.vector_load %arg10[%swap3A_786, %swap3A_787] {strides = array<i32>} : memref<512x16xf32, #tpu.memory_space<vmem>>, vector<1x16xf32>,
      %swap3A_789 = vector.shape_cast %swap3A_788 : vector<1x16xf32> to vector<16xf32>
      %swap3A_790 = vector.shape_cast %add3A_785 : vector<16xf32> to vector<1x16xf32>
      tpu.vector_store %arg10[%swap3A_786, %swap3A_787], %swap3A_790 {strides = array<i32>} : memref<512x16xf32, #tpu.memory_space<vmem>>, vector<1x16xf32>,
      %mul3A_791 = arith.constant 4 : i32
      %mul3A_792 = arith.muli %mul3A_791, %scan3A_715 : i32
      %add3A_793 = arith.constant 256 : i32
      %add3A_794 = arith.addi %mul3A_792, %add3A_793 : i32
      %add3A_795 = arith.constant 1 : i32
      %add3A_796 = arith.addi %add3A_794, %add3A_795 : i32
      %get3A_797 = arith.index_cast %add3A_796 : i32 to index
      %get3A_798 = arith.constant 0 : index
      %get3A_799 = tpu.vector_load %arg7[%get3A_797, %get3A_798] {strides = array<i32>} : memref<512x64xf32, #tpu.memory_space<vmem>>, vector<1x16xf32>,
      %get3A_800 = vector.shape_cast %get3A_799 : vector<1x16xf32> to vector<16xf32>
      %get3A_801 = arith.index_cast %add3A_796 : i32 to index
      %get3A_802 = arith.constant 0 : index
      %get3A_803 = tpu.vector_load %arg8[%get3A_801, %get3A_802] {strides = array<i32>} : memref<512x64xf32, #tpu.memory_space<vmem>>, vector<1x16xf32>,
      %get3A_804 = vector.shape_cast %get3A_803 : vector<1x16xf32> to vector<16xf32>
      %sub3A_805 = arith.subf %get3A_800, %get3A_804 : vector<16xf32>
      %swap3A_806 = arith.index_cast %add3A_796 : i32 to index
      %swap3A_807 = arith.constant 0 : index
      %swap3A_808 = tpu.vector_load %arg8[%swap3A_806, %swap3A_807] {strides = array<i32>} : memref<512x64xf32, #tpu.memory_space<vmem>>, vector<1x16xf32>,
      %swap3A_809 = vector.shape_cast %swap3A_808 : vector<1x16xf32> to vector<16xf32>
      %swap3A_810 = vector.shape_cast %sub3A_805 : vector<16xf32> to vector<1x16xf32>
      tpu.vector_store %arg8[%swap3A_806, %swap3A_807], %swap3A_810 {strides = array<i32>} : memref<512x64xf32, #tpu.memory_space<vmem>>, vector<1x16xf32>,
      %mul3A_811 = arith.mulf %sub3A_805, %sub3A_805 : vector<16xf32>
      %add3A_812 = arith.addf %broadcast_in_dim3A_13, %mul3A_811 : vector<16xf32>
      %get3A_813 = arith.index_cast %add3A_796 : i32 to index
      %get3A_814 = arith.constant 16 : index
      %get3A_815 = tpu.vector_load %arg7[%get3A_813, %get3A_814] {strides = array<i32>} : memref<512x64xf32, #tpu.memory_space<vmem>>, vector<1x16xf32>,
      %get3A_816 = vector.shape_cast %get3A_815 : vector<1x16xf32> to vector<16xf32>
      %get3A_817 = arith.index_cast %add3A_796 : i32 to index
      %get3A_818 = arith.constant 16 : index
      %get3A_819 = tpu.vector_load %arg8[%get3A_817, %get3A_818] {strides = array<i32>} : memref<512x64xf32, #tpu.memory_space<vmem>>, vector<1x16xf32>,
      %get3A_820 = vector.shape_cast %get3A_819 : vector<1x16xf32> to vector<16xf32>
      %sub3A_821 = arith.subf %get3A_816, %get3A_820 : vector<16xf32>
      %swap3A_822 = arith.index_cast %add3A_796 : i32 to index
      %swap3A_823 = arith.constant 16 : index
      %swap3A_824 = tpu.vector_load %arg8[%swap3A_822, %swap3A_823] {strides = array<i32>} : memref<512x64xf32, #tpu.memory_space<vmem>>, vector<1x16xf32>,
      %swap3A_825 = vector.shape_cast %swap3A_824 : vector<1x16xf32> to vector<16xf32>
      %swap3A_826 = vector.shape_cast %sub3A_821 : vector<16xf32> to vector<1x16xf32>
      tpu.vector_store %arg8[%swap3A_822, %swap3A_823], %swap3A_826 {strides = array<i32>} : memref<512x64xf32, #tpu.memory_space<vmem>>, vector<1x16xf32>,
      %mul3A_827 = arith.mulf %sub3A_821, %sub3A_821 : vector<16xf32>
      %add3A_828 = arith.addf %add3A_812, %mul3A_827 : vector<16xf32>
      %get3A_829 = arith.index_cast %add3A_796 : i32 to index
      %get3A_830 = arith.constant 32 : index
      %get3A_831 = tpu.vector_load %arg7[%get3A_829, %get3A_830] {strides = array<i32>} : memref<512x64xf32, #tpu.memory_space<vmem>>, vector<1x16xf32>,
      %get3A_832 = vector.shape_cast %get3A_831 : vector<1x16xf32> to vector<16xf32>
      %get3A_833 = arith.index_cast %add3A_796 : i32 to index
      %get3A_834 = arith.constant 32 : index
      %get3A_835 = tpu.vector_load %arg8[%get3A_833, %get3A_834] {strides = array<i32>} : memref<512x64xf32, #tpu.memory_space<vmem>>, vector<1x16xf32>,
      %get3A_836 = vector.shape_cast %get3A_835 : vector<1x16xf32> to vector<16xf32>
      %sub3A_837 = arith.subf %get3A_832, %get3A_836 : vector<16xf32>
      %swap3A_838 = arith.index_cast %add3A_796 : i32 to index
      %swap3A_839 = arith.constant 32 : index
      %swap3A_840 = tpu.vector_load %arg8[%swap3A_838, %swap3A_839] {strides = array<i32>} : memref<512x64xf32, #tpu.memory_space<vmem>>, vector<1x16xf32>,
      %swap3A_841 = vector.shape_cast %swap3A_840 : vector<1x16xf32> to vector<16xf32>
      %swap3A_842 = vector.shape_cast %sub3A_837 : vector<16xf32> to vector<1x16xf32>
      tpu.vector_store %arg8[%swap3A_838, %swap3A_839], %swap3A_842 {strides = array<i32>} : memref<512x64xf32, #tpu.memory_space<vmem>>, vector<1x16xf32>,
      %mul3A_843 = arith.mulf %sub3A_837, %sub3A_837 : vector<16xf32>
      %add3A_844 = arith.addf %add3A_828, %mul3A_843 : vector<16xf32>
      %get3A_845 = arith.index_cast %add3A_796 : i32 to index
      %get3A_846 = arith.constant 48 : index
      %get3A_847 = tpu.vector_load %arg7[%get3A_845, %get3A_846] {strides = array<i32>} : memref<512x64xf32, #tpu.memory_space<vmem>>, vector<1x16xf32>,
      %get3A_848 = vector.shape_cast %get3A_847 : vector<1x16xf32> to vector<16xf32>
      %get3A_849 = arith.index_cast %add3A_796 : i32 to index
      %get3A_850 = arith.constant 48 : index
      %get3A_851 = tpu.vector_load %arg8[%get3A_849, %get3A_850] {strides = array<i32>} : memref<512x64xf32, #tpu.memory_space<vmem>>, vector<1x16xf32>,
      %get3A_852 = vector.shape_cast %get3A_851 : vector<1x16xf32> to vector<16xf32>
      %sub3A_853 = arith.subf %get3A_848, %get3A_852 : vector<16xf32>
      %swap3A_854 = arith.index_cast %add3A_796 : i32 to index
      %swap3A_855 = arith.constant 48 : index
      %swap3A_856 = tpu.vector_load %arg8[%swap3A_854, %swap3A_855] {strides = array<i32>} : memref<512x64xf32, #tpu.memory_space<vmem>>, vector<1x16xf32>,
      %swap3A_857 = vector.shape_cast %swap3A_856 : vector<1x16xf32> to vector<16xf32>
      %swap3A_858 = vector.shape_cast %sub3A_853 : vector<16xf32> to vector<1x16xf32>
      tpu.vector_store %arg8[%swap3A_854, %swap3A_855], %swap3A_858 {strides = array<i32>} : memref<512x64xf32, #tpu.memory_space<vmem>>, vector<1x16xf32>,
      %mul3A_859 = arith.mulf %sub3A_853, %sub3A_853 : vector<16xf32>
      %add3A_860 = arith.addf %add3A_844, %mul3A_859 : vector<16xf32>
      %swap3A_861 = arith.index_cast %add3A_796 : i32 to index
      %swap3A_862 = arith.constant 0 : index
      %swap3A_863 = tpu.vector_load %arg10[%swap3A_861, %swap3A_862] {strides = array<i32>} : memref<512x16xf32, #tpu.memory_space<vmem>>, vector<1x16xf32>,
      %swap3A_864 = vector.shape_cast %swap3A_863 : vector<1x16xf32> to vector<16xf32>
      %swap3A_865 = vector.shape_cast %add3A_860 : vector<16xf32> to vector<1x16xf32>
      tpu.vector_store %arg10[%swap3A_861, %swap3A_862], %swap3A_865 {strides = array<i32>} : memref<512x16xf32, #tpu.memory_space<vmem>>, vector<1x16xf32>,
      %mul3A_866 = arith.constant 4 : i32
      %mul3A_867 = arith.muli %mul3A_866, %scan3A_715 : i32
      %add3A_868 = arith.constant 256 : i32
      %add3A_869 = arith.addi %mul3A_867, %add3A_868 : i32
      %add3A_870 = arith.constant 2 : i32
      %add3A_871 = arith.addi %add3A_869, %add3A_870 : i32
      %get3A_872 = arith.index_cast %add3A_871 : i32 to index
      %get3A_873 = arith.constant 0 : index
      %get3A_874 = tpu.vector_load %arg7[%get3A_872, %get3A_873] {strides = array<i32>} : memref<512x64xf32, #tpu.memory_space<vmem>>, vector<1x16xf32>,
      %get3A_875 = vector.shape_cast %get3A_874 : vector<1x16xf32> to vector<16xf32>
      %get3A_876 = arith.index_cast %add3A_871 : i32 to index
      %get3A_877 = arith.constant 0 : index
      %get3A_878 = tpu.vector_load %arg8[%get3A_876, %get3A_877] {strides = array<i32>} : memref<512x64xf32, #tpu.memory_space<vmem>>, vector<1x16xf32>,
      %get3A_879 = vector.shape_cast %get3A_878 : vector<1x16xf32> to vector<16xf32>
      %sub3A_880 = arith.subf %get3A_875, %get3A_879 : vector<16xf32>
      %swap3A_881 = arith.index_cast %add3A_871 : i32 to index
      %swap3A_882 = arith.constant 0 : index
      %swap3A_883 = tpu.vector_load %arg8[%swap3A_881, %swap3A_882] {strides = array<i32>} : memref<512x64xf32, #tpu.memory_space<vmem>>, vector<1x16xf32>,
      %swap3A_884 = vector.shape_cast %swap3A_883 : vector<1x16xf32> to vector<16xf32>
      %swap3A_885 = vector.shape_cast %sub3A_880 : vector<16xf32> to vector<1x16xf32>
      tpu.vector_store %arg8[%swap3A_881, %swap3A_882], %swap3A_885 {strides = array<i32>} : memref<512x64xf32, #tpu.memory_space<vmem>>, vector<1x16xf32>,
      %mul3A_886 = arith.mulf %sub3A_880, %sub3A_880 : vector<16xf32>
      %add3A_887 = arith.addf %broadcast_in_dim3A_13, %mul3A_886 : vector<16xf32>
      %get3A_888 = arith.index_cast %add3A_871 : i32 to index
      %get3A_889 = arith.constant 16 : index
      %get3A_890 = tpu.vector_load %arg7[%get3A_888, %get3A_889] {strides = array<i32>} : memref<512x64xf32, #tpu.memory_space<vmem>>, vector<1x16xf32>,
      %get3A_891 = vector.shape_cast %get3A_890 : vector<1x16xf32> to vector<16xf32>
      %get3A_892 = arith.index_cast %add3A_871 : i32 to index
      %get3A_893 = arith.constant 16 : index
      %get3A_894 = tpu.vector_load %arg8[%get3A_892, %get3A_893] {strides = array<i32>} : memref<512x64xf32, #tpu.memory_space<vmem>>, vector<1x16xf32>,
      %get3A_895 = vector.shape_cast %get3A_894 : vector<1x16xf32> to vector<16xf32>
      %sub3A_896 = arith.subf %get3A_891, %get3A_895 : vector<16xf32>
      %swap3A_897 = arith.index_cast %add3A_871 : i32 to index
      %swap3A_898 = arith.constant 16 : index
      %swap3A_899 = tpu.vector_load %arg8[%swap3A_897, %swap3A_898] {strides = array<i32>} : memref<512x64xf32, #tpu.memory_space<vmem>>, vector<1x16xf32>,
      %swap3A_900 = vector.shape_cast %swap3A_899 : vector<1x16xf32> to vector<16xf32>
      %swap3A_901 = vector.shape_cast %sub3A_896 : vector<16xf32> to vector<1x16xf32>
      tpu.vector_store %arg8[%swap3A_897, %swap3A_898], %swap3A_901 {strides = array<i32>} : memref<512x64xf32, #tpu.memory_space<vmem>>, vector<1x16xf32>,
      %mul3A_902 = arith.mulf %sub3A_896, %sub3A_896 : vector<16xf32>
      %add3A_903 = arith.addf %add3A_887, %mul3A_902 : vector<16xf32>
      %get3A_904 = arith.index_cast %add3A_871 : i32 to index
      %get3A_905 = arith.constant 32 : index
      %get3A_906 = tpu.vector_load %arg7[%get3A_904, %get3A_905] {strides = array<i32>} : memref<512x64xf32, #tpu.memory_space<vmem>>, vector<1x16xf32>,
      %get3A_907 = vector.shape_cast %get3A_906 : vector<1x16xf32> to vector<16xf32>
      %get3A_908 = arith.index_cast %add3A_871 : i32 to index
      %get3A_909 = arith.constant 32 : index
      %get3A_910 = tpu.vector_load %arg8[%get3A_908, %get3A_909] {strides = array<i32>} : memref<512x64xf32, #tpu.memory_space<vmem>>, vector<1x16xf32>,
      %get3A_911 = vector.shape_cast %get3A_910 : vector<1x16xf32> to vector<16xf32>
      %sub3A_912 = arith.subf %get3A_907, %get3A_911 : vector<16xf32>
      %swap3A_913 = arith.index_cast %add3A_871 : i32 to index
      %swap3A_914 = arith.constant 32 : index
      %swap3A_915 = tpu.vector_load %arg8[%swap3A_913, %swap3A_914] {strides = array<i32>} : memref<512x64xf32, #tpu.memory_space<vmem>>, vector<1x16xf32>,
      %swap3A_916 = vector.shape_cast %swap3A_915 : vector<1x16xf32> to vector<16xf32>
      %swap3A_917 = vector.shape_cast %sub3A_912 : vector<16xf32> to vector<1x16xf32>
      tpu.vector_store %arg8[%swap3A_913, %swap3A_914], %swap3A_917 {strides = array<i32>} : memref<512x64xf32, #tpu.memory_space<vmem>>, vector<1x16xf32>,
      %mul3A_918 = arith.mulf %sub3A_912, %sub3A_912 : vector<16xf32>
      %add3A_919 = arith.addf %add3A_903, %mul3A_918 : vector<16xf32>
      %get3A_920 = arith.index_cast %add3A_871 : i32 to index
      %get3A_921 = arith.constant 48 : index
      %get3A_922 = tpu.vector_load %arg7[%get3A_920, %get3A_921] {strides = array<i32>} : memref<512x64xf32, #tpu.memory_space<vmem>>, vector<1x16xf32>,
      %get3A_923 = vector.shape_cast %get3A_922 : vector<1x16xf32> to vector<16xf32>
      %get3A_924 = arith.index_cast %add3A_871 : i32 to index
      %get3A_925 = arith.constant 48 : index
      %get3A_926 = tpu.vector_load %arg8[%get3A_924, %get3A_925] {strides = array<i32>} : memref<512x64xf32, #tpu.memory_space<vmem>>, vector<1x16xf32>,
      %get3A_927 = vector.shape_cast %get3A_926 : vector<1x16xf32> to vector<16xf32>
      %sub3A_928 = arith.subf %get3A_923, %get3A_927 : vector<16xf32>
      %swap3A_929 = arith.index_cast %add3A_871 : i32 to index
      %swap3A_930 = arith.constant 48 : index
      %swap3A_931 = tpu.vector_load %arg8[%swap3A_929, %swap3A_930] {strides = array<i32>} : memref<512x64xf32, #tpu.memory_space<vmem>>, vector<1x16xf32>,
      %swap3A_932 = vector.shape_cast %swap3A_931 : vector<1x16xf32> to vector<16xf32>
      %swap3A_933 = vector.shape_cast %sub3A_928 : vector<16xf32> to vector<1x16xf32>
      tpu.vector_store %arg8[%swap3A_929, %swap3A_930], %swap3A_933 {strides = array<i32>} : memref<512x64xf32, #tpu.memory_space<vmem>>, vector<1x16xf32>,
      %mul3A_934 = arith.mulf %sub3A_928, %sub3A_928 : vector<16xf32>
      %add3A_935 = arith.addf %add3A_919, %mul3A_934 : vector<16xf32>
      %swap3A_936 = arith.index_cast %add3A_871 : i32 to index
      %swap3A_937 = arith.constant 0 : index
      %swap3A_938 = tpu.vector_load %arg10[%swap3A_936, %swap3A_937] {strides = array<i32>} : memref<512x16xf32, #tpu.memory_space<vmem>>, vector<1x16xf32>,
      %swap3A_939 = vector.shape_cast %swap3A_938 : vector<1x16xf32> to vector<16xf32>
      %swap3A_940 = vector.shape_cast %add3A_935 : vector<16xf32> to vector<1x16xf32>
      tpu.vector_store %arg10[%swap3A_936, %swap3A_937], %swap3A_940 {strides = array<i32>} : memref<512x16xf32, #tpu.memory_space<vmem>>, vector<1x16xf32>,
      %mul3A_941 = arith.constant 4 : i32
      %mul3A_942 = arith.muli %mul3A_941, %scan3A_715 : i32
      %add3A_943 = arith.constant 256 : i32
      %add3A_944 = arith.addi %mul3A_942, %add3A_943 : i32
      %add3A_945 = arith.constant 3 : i32
      %add3A_946 = arith.addi %add3A_944, %add3A_945 : i32
      %get3A_947 = arith.index_cast %add3A_946 : i32 to index
      %get3A_948 = arith.constant 0 : index
      %get3A_949 = tpu.vector_load %arg7[%get3A_947, %get3A_948] {strides = array<i32>} : memref<512x64xf32, #tpu.memory_space<vmem>>, vector<1x16xf32>,
      %get3A_950 = vector.shape_cast %get3A_949 : vector<1x16xf32> to vector<16xf32>
      %get3A_951 = arith.index_cast %add3A_946 : i32 to index
      %get3A_952 = arith.constant 0 : index
      %get3A_953 = tpu.vector_load %arg8[%get3A_951, %get3A_952] {strides = array<i32>} : memref<512x64xf32, #tpu.memory_space<vmem>>, vector<1x16xf32>,
      %get3A_954 = vector.shape_cast %get3A_953 : vector<1x16xf32> to vector<16xf32>
      %sub3A_955 = arith.subf %get3A_950, %get3A_954 : vector<16xf32>
      %swap3A_956 = arith.index_cast %add3A_946 : i32 to index
      %swap3A_957 = arith.constant 0 : index
      %swap3A_958 = tpu.vector_load %arg8[%swap3A_956, %swap3A_957] {strides = array<i32>} : memref<512x64xf32, #tpu.memory_space<vmem>>, vector<1x16xf32>,
      %swap3A_959 = vector.shape_cast %swap3A_958 : vector<1x16xf32> to vector<16xf32>
      %swap3A_960 = vector.shape_cast %sub3A_955 : vector<16xf32> to vector<1x16xf32>
      tpu.vector_store %arg8[%swap3A_956, %swap3A_957], %swap3A_960 {strides = array<i32>} : memref<512x64xf32, #tpu.memory_space<vmem>>, vector<1x16xf32>,
      %mul3A_961 = arith.mulf %sub3A_955, %sub3A_955 : vector<16xf32>
      %add3A_962 = arith.addf %broadcast_in_dim3A_13, %mul3A_961 : vector<16xf32>
      %get3A_963 = arith.index_cast %add3A_946 : i32 to index
      %get3A_964 = arith.constant 16 : index
      %get3A_965 = tpu.vector_load %arg7[%get3A_963, %get3A_964] {strides = array<i32>} : memref<512x64xf32, #tpu.memory_space<vmem>>, vector<1x16xf32>,
      %get3A_966 = vector.shape_cast %get3A_965 : vector<1x16xf32> to vector<16xf32>
      %get3A_967 = arith.index_cast %add3A_946 : i32 to index
      %get3A_968 = arith.constant 16 : index
      %get3A_969 = tpu.vector_load %arg8[%get3A_967, %get3A_968] {strides = array<i32>} : memref<512x64xf32, #tpu.memory_space<vmem>>, vector<1x16xf32>,
      %get3A_970 = vector.shape_cast %get3A_969 : vector<1x16xf32> to vector<16xf32>
      %sub3A_971 = arith.subf %get3A_966, %get3A_970 : vector<16xf32>
      %swap3A_972 = arith.index_cast %add3A_946 : i32 to index
      %swap3A_973 = arith.constant 16 : index
      %swap3A_974 = tpu.vector_load %arg8[%swap3A_972, %swap3A_973] {strides = array<i32>} : memref<512x64xf32, #tpu.memory_space<vmem>>, vector<1x16xf32>,
      %swap3A_975 = vector.shape_cast %swap3A_974 : vector<1x16xf32> to vector<16xf32>
      %swap3A_976 = vector.shape_cast %sub3A_971 : vector<16xf32> to vector<1x16xf32>
      tpu.vector_store %arg8[%swap3A_972, %swap3A_973], %swap3A_976 {strides = array<i32>} : memref<512x64xf32, #tpu.memory_space<vmem>>, vector<1x16xf32>,
      %mul3A_977 = arith.mulf %sub3A_971, %sub3A_971 : vector<16xf32>
      %add3A_978 = arith.addf %add3A_962, %mul3A_977 : vector<16xf32>
      %get3A_979 = arith.index_cast %add3A_946 : i32 to index
      %get3A_980 = arith.constant 32 : index
      %get3A_981 = tpu.vector_load %arg7[%get3A_979, %get3A_980] {strides = array<i32>} : memref<512x64xf32, #tpu.memory_space<vmem>>, vector<1x16xf32>,
      %get3A_982 = vector.shape_cast %get3A_981 : vector<1x16xf32> to vector<16xf32>
      %get3A_983 = arith.index_cast %add3A_946 : i32 to index
      %get3A_984 = arith.constant 32 : index
      %get3A_985 = tpu.vector_load %arg8[%get3A_983, %get3A_984] {strides = array<i32>} : memref<512x64xf32, #tpu.memory_space<vmem>>, vector<1x16xf32>,
      %get3A_986 = vector.shape_cast %get3A_985 : vector<1x16xf32> to vector<16xf32>
      %sub3A_987 = arith.subf %get3A_982, %get3A_986 : vector<16xf32>
      %swap3A_988 = arith.index_cast %add3A_946 : i32 to index
      %swap3A_989 = arith.constant 32 : index
      %swap3A_990 = tpu.vector_load %arg8[%swap3A_988, %swap3A_989] {strides = array<i32>} : memref<512x64xf32, #tpu.memory_space<vmem>>, vector<1x16xf32>,
      %swap3A_991 = vector.shape_cast %swap3A_990 : vector<1x16xf32> to vector<16xf32>
      %swap3A_992 = vector.shape_cast %sub3A_987 : vector<16xf32> to vector<1x16xf32>
      tpu.vector_store %arg8[%swap3A_988, %swap3A_989], %swap3A_992 {strides = array<i32>} : memref<512x64xf32, #tpu.memory_space<vmem>>, vector<1x16xf32>,
      %mul3A_993 = arith.mulf %sub3A_987, %sub3A_987 : vector<16xf32>
      %add3A_994 = arith.addf %add3A_978, %mul3A_993 : vector<16xf32>
      %get3A_995 = arith.index_cast %add3A_946 : i32 to index
      %get3A_996 = arith.constant 48 : index
      %get3A_997 = tpu.vector_load %arg7[%get3A_995, %get3A_996] {strides = array<i32>} : memref<512x64xf32, #tpu.memory_space<vmem>>, vector<1x16xf32>,
      %get3A_998 = vector.shape_cast %get3A_997 : vector<1x16xf32> to vector<16xf32>
      %get3A_999 = arith.index_cast %add3A_946 : i32 to index
      %get3A_1000 = arith.constant 48 : index
      %get3A_1001 = tpu.vector_load %arg8[%get3A_999, %get3A_1000] {strides = array<i32>} : memref<512x64xf32, #tpu.memory_space<vmem>>, vector<1x16xf32>,
      %get3A_1002 = vector.shape_cast %get3A_1001 : vector<1x16xf32> to vector<16xf32>
      %sub3A_1003 = arith.subf %get3A_998, %get3A_1002 : vector<16xf32>
      %swap3A_1004 = arith.index_cast %add3A_946 : i32 to index
      %swap3A_1005 = arith.constant 48 : index
      %swap3A_1006 = tpu.vector_load %arg8[%swap3A_1004, %swap3A_1005] {strides = array<i32>} : memref<512x64xf32, #tpu.memory_space<vmem>>, vector<1x16xf32>,
      %swap3A_1007 = vector.shape_cast %swap3A_1006 : vector<1x16xf32> to vector<16xf32>
      %swap3A_1008 = vector.shape_cast %sub3A_1003 : vector<16xf32> to vector<1x16xf32>
      tpu.vector_store %arg8[%swap3A_1004, %swap3A_1005], %swap3A_1008 {strides = array<i32>} : memref<512x64xf32, #tpu.memory_space<vmem>>, vector<1x16xf32>,
      %mul3A_1009 = arith.mulf %sub3A_1003, %sub3A_1003 : vector<16xf32>
      %add3A_1010 = arith.addf %add3A_994, %mul3A_1009 : vector<16xf32>
      %swap3A_1011 = arith.index_cast %add3A_946 : i32 to index
      %swap3A_1012 = arith.constant 0 : index
      %swap3A_1013 = tpu.vector_load %arg10[%swap3A_1011, %swap3A_1012] {strides = array<i32>} : memref<512x16xf32, #tpu.memory_space<vmem>>, vector<1x16xf32>,
      %swap3A_1014 = vector.shape_cast %swap3A_1013 : vector<1x16xf32> to vector<16xf32>
      %swap3A_1015 = vector.shape_cast %add3A_1010 : vector<16xf32> to vector<1x16xf32>
      tpu.vector_store %arg10[%swap3A_1011, %swap3A_1012], %swap3A_1015 {strides = array<i32>} : memref<512x16xf32, #tpu.memory_space<vmem>>, vector<1x16xf32>,
    }
    %scan3A_620 = arith.constant 32 : i32
    %dma_start3A_621 = arith.constant 2 : i32
    %dma_start3A_622 = arith.constant 256 : i32
    %dma_start3A_623 = arith.constant 0 : i32
    %dma_start3A_624 = tpu.memref_slice %arg8[%dma_start3A_622, %dma_start3A_623] : memref<512x64xf32, #tpu.memory_space<vmem>> -> memref<128x64xf32, #tpu.memory_space<vmem>>
    %dma_start3A_625 = arith.constant 0 : i32
    %dma_start3A_626 = tpu.memref_slice %arg9[%dma_start3A_621, %dma_start3A_625] : memref<4x128xi32, #tpu.memory_space<vmem>> -> memref<1x128xi32, #tpu.memory_space<vmem>>
    %dma_start3A_627 = tpu.memref_squeeze %dma_start3A_626 : memref<1x128xi32, #tpu.memory_space<vmem>> -> memref<128xi32, #tpu.memory_space<vmem>>
    %dma_start3A_628 = arith.constant 0 : i32
    %dma_start3A_629 = arith.constant 0 : i32
    %dma_start3A_630 = tpu.memref_slice %arg12[%dma_start3A_628, %dma_start3A_629] : memref<8192x64xf32, #tpu.memory_space<vmem_shared>> -> memref<8192x64xf32, #tpu.memory_space<vmem_shared>>
    tpu.enqueue_indirect_dma source(%dma_start3A_624 : memref<128x64xf32, #tpu.memory_space<vmem>>) target(%dma_start3A_630 : memref<8192x64xf32, #tpu.memory_space<vmem_shared>>) offsets(%dma_start3A_627 : memref<128xi32, #tpu.memory_space<vmem>>) semaphore(%arg16 : memref<!tpu.dma_semaphore, #tpu.memory_space<semaphore_mem>>) {add = true}
    %dma_wait3A_631 = arith.constant 3 : i32
    %dma_wait3A_632 = arith.constant 384 : i32
    %dma_wait3A_633 = arith.constant 0 : i32
    %dma_wait3A_634 = tpu.memref_slice %arg8[%dma_wait3A_632, %dma_wait3A_633] : memref<512x64xf32, #tpu.memory_space<vmem>> -> memref<128x64xf32, #tpu.memory_space<vmem>>
    %dma_wait3A_635 = arith.constant 0 : i32
    %dma_wait3A_636 = tpu.memref_slice %arg9[%dma_wait3A_631, %dma_wait3A_635] : memref<4x128xi32, #tpu.memory_space<vmem>> -> memref<1x128xi32, #tpu.memory_space<vmem>>
    %dma_wait3A_637 = tpu.memref_squeeze %dma_wait3A_636 : memref<1x128xi32, #tpu.memory_space<vmem>> -> memref<128xi32, #tpu.memory_space<vmem>>
    %dma_wait3A_638 = arith.constant 0 : i32
    %dma_wait3A_639 = arith.constant 0 : i32
    %dma_wait3A_640 = tpu.memref_slice %arg4[%dma_wait3A_638, %dma_wait3A_639] : memref<8192x64xf32, #tpu.memory_space<hbm>> -> memref<8192x64xf32, #tpu.memory_space<hbm>>
    tpu.wait_indirect_dma semaphore(%arg15 : memref<!tpu.dma_semaphore, #tpu.memory_space<semaphore_mem>>) src(%dma_wait3A_640 : memref<8192x64xf32, #tpu.memory_space<hbm>>) dst(%dma_wait3A_634 : memref<128x64xf32, #tpu.memory_space<vmem>>)
    %scan3A_641 = arith.constant 0 : i32
    %scan3A_642 = arith.constant 0 : i32
    %scan3A_643 = arith.constant 32 : i32
    %scan3A_644 = arith.addi %scan3A_642, %scan3A_643 : i32
    %scan3A_645 = arith.constant 1 : i32
    scf.for %scan3A_715 = %scan3A_642 to %scan3A_644 step %scan3A_645  : i32 {
      %mul3A_716 = arith.constant 4 : i32
      %mul3A_717 = arith.muli %mul3A_716, %scan3A_715 : i32
      %add3A_718 = arith.constant 384 : i32
      %add3A_719 = arith.addi %mul3A_717, %add3A_718 : i32
      %add3A_720 = arith.constant 0 : i32
      %add3A_721 = arith.addi %add3A_719, %add3A_720 : i32
      %get3A_722 = arith.index_cast %add3A_721 : i32 to index
      %get3A_723 = arith.constant 0 : index
      %get3A_724 = tpu.vector_load %arg7[%get3A_722, %get3A_723] {strides = array<i32>} : memref<512x64xf32, #tpu.memory_space<vmem>>, vector<1x16xf32>,
      %get3A_725 = vector.shape_cast %get3A_724 : vector<1x16xf32> to vector<16xf32>
      %get3A_726 = arith.index_cast %add3A_721 : i32 to index
      %get3A_727 = arith.constant 0 : index
      %get3A_728 = tpu.vector_load %arg8[%get3A_726, %get3A_727] {strides = array<i32>} : memref<512x64xf32, #tpu.memory_space<vmem>>, vector<1x16xf32>,
      %get3A_729 = vector.shape_cast %get3A_728 : vector<1x16xf32> to vector<16xf32>
      %sub3A_730 = arith.subf %get3A_725, %get3A_729 : vector<16xf32>
      %swap3A_731 = arith.index_cast %add3A_721 : i32 to index
      %swap3A_732 = arith.constant 0 : index
      %swap3A_733 = tpu.vector_load %arg8[%swap3A_731, %swap3A_732] {strides = array<i32>} : memref<512x64xf32, #tpu.memory_space<vmem>>, vector<1x16xf32>,
      %swap3A_734 = vector.shape_cast %swap3A_733 : vector<1x16xf32> to vector<16xf32>
      %swap3A_735 = vector.shape_cast %sub3A_730 : vector<16xf32> to vector<1x16xf32>
      tpu.vector_store %arg8[%swap3A_731, %swap3A_732], %swap3A_735 {strides = array<i32>} : memref<512x64xf32, #tpu.memory_space<vmem>>, vector<1x16xf32>,
      %mul3A_736 = arith.mulf %sub3A_730, %sub3A_730 : vector<16xf32>
      %add3A_737 = arith.addf %broadcast_in_dim3A_13, %mul3A_736 : vector<16xf32>
      %get3A_738 = arith.index_cast %add3A_721 : i32 to index
      %get3A_739 = arith.constant 16 : index
      %get3A_740 = tpu.vector_load %arg7[%get3A_738, %get3A_739] {strides = array<i32>} : memref<512x64xf32, #tpu.memory_space<vmem>>, vector<1x16xf32>,
      %get3A_741 = vector.shape_cast %get3A_740 : vector<1x16xf32> to vector<16xf32>
      %get3A_742 = arith.index_cast %add3A_721 : i32 to index
      %get3A_743 = arith.constant 16 : index
      %get3A_744 = tpu.vector_load %arg8[%get3A_742, %get3A_743] {strides = array<i32>} : memref<512x64xf32, #tpu.memory_space<vmem>>, vector<1x16xf32>,
      %get3A_745 = vector.shape_cast %get3A_744 : vector<1x16xf32> to vector<16xf32>
      %sub3A_746 = arith.subf %get3A_741, %get3A_745 : vector<16xf32>
      %swap3A_747 = arith.index_cast %add3A_721 : i32 to index
      %swap3A_748 = arith.constant 16 : index
      %swap3A_749 = tpu.vector_load %arg8[%swap3A_747, %swap3A_748] {strides = array<i32>} : memref<512x64xf32, #tpu.memory_space<vmem>>, vector<1x16xf32>,
      %swap3A_750 = vector.shape_cast %swap3A_749 : vector<1x16xf32> to vector<16xf32>
      %swap3A_751 = vector.shape_cast %sub3A_746 : vector<16xf32> to vector<1x16xf32>
      tpu.vector_store %arg8[%swap3A_747, %swap3A_748], %swap3A_751 {strides = array<i32>} : memref<512x64xf32, #tpu.memory_space<vmem>>, vector<1x16xf32>,
      %mul3A_752 = arith.mulf %sub3A_746, %sub3A_746 : vector<16xf32>
      %add3A_753 = arith.addf %add3A_737, %mul3A_752 : vector<16xf32>
      %get3A_754 = arith.index_cast %add3A_721 : i32 to index
      %get3A_755 = arith.constant 32 : index
      %get3A_756 = tpu.vector_load %arg7[%get3A_754, %get3A_755] {strides = array<i32>} : memref<512x64xf32, #tpu.memory_space<vmem>>, vector<1x16xf32>,
      %get3A_757 = vector.shape_cast %get3A_756 : vector<1x16xf32> to vector<16xf32>
      %get3A_758 = arith.index_cast %add3A_721 : i32 to index
      %get3A_759 = arith.constant 32 : index
      %get3A_760 = tpu.vector_load %arg8[%get3A_758, %get3A_759] {strides = array<i32>} : memref<512x64xf32, #tpu.memory_space<vmem>>, vector<1x16xf32>,
      %get3A_761 = vector.shape_cast %get3A_760 : vector<1x16xf32> to vector<16xf32>
      %sub3A_762 = arith.subf %get3A_757, %get3A_761 : vector<16xf32>
      %swap3A_763 = arith.index_cast %add3A_721 : i32 to index
      %swap3A_764 = arith.constant 32 : index
      %swap3A_765 = tpu.vector_load %arg8[%swap3A_763, %swap3A_764] {strides = array<i32>} : memref<512x64xf32, #tpu.memory_space<vmem>>, vector<1x16xf32>,
      %swap3A_766 = vector.shape_cast %swap3A_765 : vector<1x16xf32> to vector<16xf32>
      %swap3A_767 = vector.shape_cast %sub3A_762 : vector<16xf32> to vector<1x16xf32>
      tpu.vector_store %arg8[%swap3A_763, %swap3A_764], %swap3A_767 {strides = array<i32>} : memref<512x64xf32, #tpu.memory_space<vmem>>, vector<1x16xf32>,
      %mul3A_768 = arith.mulf %sub3A_762, %sub3A_762 : vector<16xf32>
      %add3A_769 = arith.addf %add3A_753, %mul3A_768 : vector<16xf32>
      %get3A_770 = arith.index_cast %add3A_721 : i32 to index
      %get3A_771 = arith.constant 48 : index
      %get3A_772 = tpu.vector_load %arg7[%get3A_770, %get3A_771] {strides = array<i32>} : memref<512x64xf32, #tpu.memory_space<vmem>>, vector<1x16xf32>,
      %get3A_773 = vector.shape_cast %get3A_772 : vector<1x16xf32> to vector<16xf32>
      %get3A_774 = arith.index_cast %add3A_721 : i32 to index
      %get3A_775 = arith.constant 48 : index
      %get3A_776 = tpu.vector_load %arg8[%get3A_774, %get3A_775] {strides = array<i32>} : memref<512x64xf32, #tpu.memory_space<vmem>>, vector<1x16xf32>,
      %get3A_777 = vector.shape_cast %get3A_776 : vector<1x16xf32> to vector<16xf32>
      %sub3A_778 = arith.subf %get3A_773, %get3A_777 : vector<16xf32>
      %swap3A_779 = arith.index_cast %add3A_721 : i32 to index
      %swap3A_780 = arith.constant 48 : index
      %swap3A_781 = tpu.vector_load %arg8[%swap3A_779, %swap3A_780] {strides = array<i32>} : memref<512x64xf32, #tpu.memory_space<vmem>>, vector<1x16xf32>,
      %swap3A_782 = vector.shape_cast %swap3A_781 : vector<1x16xf32> to vector<16xf32>
      %swap3A_783 = vector.shape_cast %sub3A_778 : vector<16xf32> to vector<1x16xf32>
      tpu.vector_store %arg8[%swap3A_779, %swap3A_780], %swap3A_783 {strides = array<i32>} : memref<512x64xf32, #tpu.memory_space<vmem>>, vector<1x16xf32>,
      %mul3A_784 = arith.mulf %sub3A_778, %sub3A_778 : vector<16xf32>
      %add3A_785 = arith.addf %add3A_769, %mul3A_784 : vector<16xf32>
      %swap3A_786 = arith.index_cast %add3A_721 : i32 to index
      %swap3A_787 = arith.constant 0 : index
      %swap3A_788 = tpu.vector_load %arg10[%swap3A_786, %swap3A_787] {strides = array<i32>} : memref<512x16xf32, #tpu.memory_space<vmem>>, vector<1x16xf32>,
      %swap3A_789 = vector.shape_cast %swap3A_788 : vector<1x16xf32> to vector<16xf32>
      %swap3A_790 = vector.shape_cast %add3A_785 : vector<16xf32> to vector<1x16xf32>
      tpu.vector_store %arg10[%swap3A_786, %swap3A_787], %swap3A_790 {strides = array<i32>} : memref<512x16xf32, #tpu.memory_space<vmem>>, vector<1x16xf32>,
      %mul3A_791 = arith.constant 4 : i32
      %mul3A_792 = arith.muli %mul3A_791, %scan3A_715 : i32
      %add3A_793 = arith.constant 384 : i32
      %add3A_794 = arith.addi %mul3A_792, %add3A_793 : i32
      %add3A_795 = arith.constant 1 : i32
      %add3A_796 = arith.addi %add3A_794, %add3A_795 : i32
      %get3A_797 = arith.index_cast %add3A_796 : i32 to index
      %get3A_798 = arith.constant 0 : index
      %get3A_799 = tpu.vector_load %arg7[%get3A_797, %get3A_798] {strides = array<i32>} : memref<512x64xf32, #tpu.memory_space<vmem>>, vector<1x16xf32>,
      %get3A_800 = vector.shape_cast %get3A_799 : vector<1x16xf32> to vector<16xf32>
      %get3A_801 = arith.index_cast %add3A_796 : i32 to index
      %get3A_802 = arith.constant 0 : index
      %get3A_803 = tpu.vector_load %arg8[%get3A_801, %get3A_802] {strides = array<i32>} : memref<512x64xf32, #tpu.memory_space<vmem>>, vector<1x16xf32>,
      %get3A_804 = vector.shape_cast %get3A_803 : vector<1x16xf32> to vector<16xf32>
      %sub3A_805 = arith.subf %get3A_800, %get3A_804 : vector<16xf32>
      %swap3A_806 = arith.index_cast %add3A_796 : i32 to index
      %swap3A_807 = arith.constant 0 : index
      %swap3A_808 = tpu.vector_load %arg8[%swap3A_806, %swap3A_807] {strides = array<i32>} : memref<512x64xf32, #tpu.memory_space<vmem>>, vector<1x16xf32>,
      %swap3A_809 = vector.shape_cast %swap3A_808 : vector<1x16xf32> to vector<16xf32>
      %swap3A_810 = vector.shape_cast %sub3A_805 : vector<16xf32> to vector<1x16xf32>
      tpu.vector_store %arg8[%swap3A_806, %swap3A_807], %swap3A_810 {strides = array<i32>} : memref<512x64xf32, #tpu.memory_space<vmem>>, vector<1x16xf32>,
      %mul3A_811 = arith.mulf %sub3A_805, %sub3A_805 : vector<16xf32>
      %add3A_812 = arith.addf %broadcast_in_dim3A_13, %mul3A_811 : vector<16xf32>
      %get3A_813 = arith.index_cast %add3A_796 : i32 to index
      %get3A_814 = arith.constant 16 : index
      %get3A_815 = tpu.vector_load %arg7[%get3A_813, %get3A_814] {strides = array<i32>} : memref<512x64xf32, #tpu.memory_space<vmem>>, vector<1x16xf32>,
      %get3A_816 = vector.shape_cast %get3A_815 : vector<1x16xf32> to vector<16xf32>
      %get3A_817 = arith.index_cast %add3A_796 : i32 to index
      %get3A_818 = arith.constant 16 : index
      %get3A_819 = tpu.vector_load %arg8[%get3A_817, %get3A_818] {strides = array<i32>} : memref<512x64xf32, #tpu.memory_space<vmem>>, vector<1x16xf32>,
      %get3A_820 = vector.shape_cast %get3A_819 : vector<1x16xf32> to vector<16xf32>
      %sub3A_821 = arith.subf %get3A_816, %get3A_820 : vector<16xf32>
      %swap3A_822 = arith.index_cast %add3A_796 : i32 to index
      %swap3A_823 = arith.constant 16 : index
      %swap3A_824 = tpu.vector_load %arg8[%swap3A_822, %swap3A_823] {strides = array<i32>} : memref<512x64xf32, #tpu.memory_space<vmem>>, vector<1x16xf32>,
      %swap3A_825 = vector.shape_cast %swap3A_824 : vector<1x16xf32> to vector<16xf32>
      %swap3A_826 = vector.shape_cast %sub3A_821 : vector<16xf32> to vector<1x16xf32>
      tpu.vector_store %arg8[%swap3A_822, %swap3A_823], %swap3A_826 {strides = array<i32>} : memref<512x64xf32, #tpu.memory_space<vmem>>, vector<1x16xf32>,
      %mul3A_827 = arith.mulf %sub3A_821, %sub3A_821 : vector<16xf32>
      %add3A_828 = arith.addf %add3A_812, %mul3A_827 : vector<16xf32>
      %get3A_829 = arith.index_cast %add3A_796 : i32 to index
      %get3A_830 = arith.constant 32 : index
      %get3A_831 = tpu.vector_load %arg7[%get3A_829, %get3A_830] {strides = array<i32>} : memref<512x64xf32, #tpu.memory_space<vmem>>, vector<1x16xf32>,
      %get3A_832 = vector.shape_cast %get3A_831 : vector<1x16xf32> to vector<16xf32>
      %get3A_833 = arith.index_cast %add3A_796 : i32 to index
      %get3A_834 = arith.constant 32 : index
      %get3A_835 = tpu.vector_load %arg8[%get3A_833, %get3A_834] {strides = array<i32>} : memref<512x64xf32, #tpu.memory_space<vmem>>, vector<1x16xf32>,
      %get3A_836 = vector.shape_cast %get3A_835 : vector<1x16xf32> to vector<16xf32>
      %sub3A_837 = arith.subf %get3A_832, %get3A_836 : vector<16xf32>
      %swap3A_838 = arith.index_cast %add3A_796 : i32 to index
      %swap3A_839 = arith.constant 32 : index
      %swap3A_840 = tpu.vector_load %arg8[%swap3A_838, %swap3A_839] {strides = array<i32>} : memref<512x64xf32, #tpu.memory_space<vmem>>, vector<1x16xf32>,
      %swap3A_841 = vector.shape_cast %swap3A_840 : vector<1x16xf32> to vector<16xf32>
      %swap3A_842 = vector.shape_cast %sub3A_837 : vector<16xf32> to vector<1x16xf32>
      tpu.vector_store %arg8[%swap3A_838, %swap3A_839], %swap3A_842 {strides = array<i32>} : memref<512x64xf32, #tpu.memory_space<vmem>>, vector<1x16xf32>,
      %mul3A_843 = arith.mulf %sub3A_837, %sub3A_837 : vector<16xf32>
      %add3A_844 = arith.addf %add3A_828, %mul3A_843 : vector<16xf32>
      %get3A_845 = arith.index_cast %add3A_796 : i32 to index
      %get3A_846 = arith.constant 48 : index
      %get3A_847 = tpu.vector_load %arg7[%get3A_845, %get3A_846] {strides = array<i32>} : memref<512x64xf32, #tpu.memory_space<vmem>>, vector<1x16xf32>,
      %get3A_848 = vector.shape_cast %get3A_847 : vector<1x16xf32> to vector<16xf32>
      %get3A_849 = arith.index_cast %add3A_796 : i32 to index
      %get3A_850 = arith.constant 48 : index
      %get3A_851 = tpu.vector_load %arg8[%get3A_849, %get3A_850] {strides = array<i32>} : memref<512x64xf32, #tpu.memory_space<vmem>>, vector<1x16xf32>,
      %get3A_852 = vector.shape_cast %get3A_851 : vector<1x16xf32> to vector<16xf32>
      %sub3A_853 = arith.subf %get3A_848, %get3A_852 : vector<16xf32>
      %swap3A_854 = arith.index_cast %add3A_796 : i32 to index
      %swap3A_855 = arith.constant 48 : index
      %swap3A_856 = tpu.vector_load %arg8[%swap3A_854, %swap3A_855] {strides = array<i32>} : memref<512x64xf32, #tpu.memory_space<vmem>>, vector<1x16xf32>,
      %swap3A_857 = vector.shape_cast %swap3A_856 : vector<1x16xf32> to vector<16xf32>
      %swap3A_858 = vector.shape_cast %sub3A_853 : vector<16xf32> to vector<1x16xf32>
      tpu.vector_store %arg8[%swap3A_854, %swap3A_855], %swap3A_858 {strides = array<i32>} : memref<512x64xf32, #tpu.memory_space<vmem>>, vector<1x16xf32>,
      %mul3A_859 = arith.mulf %sub3A_853, %sub3A_853 : vector<16xf32>
      %add3A_860 = arith.addf %add3A_844, %mul3A_859 : vector<16xf32>
      %swap3A_861 = arith.index_cast %add3A_796 : i32 to index
      %swap3A_862 = arith.constant 0 : index
      %swap3A_863 = tpu.vector_load %arg10[%swap3A_861, %swap3A_862] {strides = array<i32>} : memref<512x16xf32, #tpu.memory_space<vmem>>, vector<1x16xf32>,
      %swap3A_864 = vector.shape_cast %swap3A_863 : vector<1x16xf32> to vector<16xf32>
      %swap3A_865 = vector.shape_cast %add3A_860 : vector<16xf32> to vector<1x16xf32>
      tpu.vector_store %arg10[%swap3A_861, %swap3A_862], %swap3A_865 {strides = array<i32>} : memref<512x16xf32, #tpu.memory_space<vmem>>, vector<1x16xf32>,
      %mul3A_866 = arith.constant 4 : i32
      %mul3A_867 = arith.muli %mul3A_866, %scan3A_715 : i32
      %add3A_868 = arith.constant 384 : i32
      %add3A_869 = arith.addi %mul3A_867, %add3A_868 : i32
      %add3A_870 = arith.constant 2 : i32
      %add3A_871 = arith.addi %add3A_869, %add3A_870 : i32
      %get3A_872 = arith.index_cast %add3A_871 : i32 to index
      %get3A_873 = arith.constant 0 : index
      %get3A_874 = tpu.vector_load %arg7[%get3A_872, %get3A_873] {strides = array<i32>} : memref<512x64xf32, #tpu.memory_space<vmem>>, vector<1x16xf32>,
      %get3A_875 = vector.shape_cast %get3A_874 : vector<1x16xf32> to vector<16xf32>
      %get3A_876 = arith.index_cast %add3A_871 : i32 to index
      %get3A_877 = arith.constant 0 : index
      %get3A_878 = tpu.vector_load %arg8[%get3A_876, %get3A_877] {strides = array<i32>} : memref<512x64xf32, #tpu.memory_space<vmem>>, vector<1x16xf32>,
      %get3A_879 = vector.shape_cast %get3A_878 : vector<1x16xf32> to vector<16xf32>
      %sub3A_880 = arith.subf %get3A_875, %get3A_879 : vector<16xf32>
      %swap3A_881 = arith.index_cast %add3A_871 : i32 to index
      %swap3A_882 = arith.constant 0 : index
      %swap3A_883 = tpu.vector_load %arg8[%swap3A_881, %swap3A_882] {strides = array<i32>} : memref<512x64xf32, #tpu.memory_space<vmem>>, vector<1x16xf32>,
      %swap3A_884 = vector.shape_cast %swap3A_883 : vector<1x16xf32> to vector<16xf32>
      %swap3A_885 = vector.shape_cast %sub3A_880 : vector<16xf32> to vector<1x16xf32>
      tpu.vector_store %arg8[%swap3A_881, %swap3A_882], %swap3A_885 {strides = array<i32>} : memref<512x64xf32, #tpu.memory_space<vmem>>, vector<1x16xf32>,
      %mul3A_886 = arith.mulf %sub3A_880, %sub3A_880 : vector<16xf32>
      %add3A_887 = arith.addf %broadcast_in_dim3A_13, %mul3A_886 : vector<16xf32>
      %get3A_888 = arith.index_cast %add3A_871 : i32 to index
      %get3A_889 = arith.constant 16 : index
      %get3A_890 = tpu.vector_load %arg7[%get3A_888, %get3A_889] {strides = array<i32>} : memref<512x64xf32, #tpu.memory_space<vmem>>, vector<1x16xf32>,
      %get3A_891 = vector.shape_cast %get3A_890 : vector<1x16xf32> to vector<16xf32>
      %get3A_892 = arith.index_cast %add3A_871 : i32 to index
      %get3A_893 = arith.constant 16 : index
      %get3A_894 = tpu.vector_load %arg8[%get3A_892, %get3A_893] {strides = array<i32>} : memref<512x64xf32, #tpu.memory_space<vmem>>, vector<1x16xf32>,
      %get3A_895 = vector.shape_cast %get3A_894 : vector<1x16xf32> to vector<16xf32>
      %sub3A_896 = arith.subf %get3A_891, %get3A_895 : vector<16xf32>
      %swap3A_897 = arith.index_cast %add3A_871 : i32 to index
      %swap3A_898 = arith.constant 16 : index
      %swap3A_899 = tpu.vector_load %arg8[%swap3A_897, %swap3A_898] {strides = array<i32>} : memref<512x64xf32, #tpu.memory_space<vmem>>, vector<1x16xf32>,
      %swap3A_900 = vector.shape_cast %swap3A_899 : vector<1x16xf32> to vector<16xf32>
      %swap3A_901 = vector.shape_cast %sub3A_896 : vector<16xf32> to vector<1x16xf32>
      tpu.vector_store %arg8[%swap3A_897, %swap3A_898], %swap3A_901 {strides = array<i32>} : memref<512x64xf32, #tpu.memory_space<vmem>>, vector<1x16xf32>,
      %mul3A_902 = arith.mulf %sub3A_896, %sub3A_896 : vector<16xf32>
      %add3A_903 = arith.addf %add3A_887, %mul3A_902 : vector<16xf32>
      %get3A_904 = arith.index_cast %add3A_871 : i32 to index
      %get3A_905 = arith.constant 32 : index
      %get3A_906 = tpu.vector_load %arg7[%get3A_904, %get3A_905] {strides = array<i32>} : memref<512x64xf32, #tpu.memory_space<vmem>>, vector<1x16xf32>,
      %get3A_907 = vector.shape_cast %get3A_906 : vector<1x16xf32> to vector<16xf32>
      %get3A_908 = arith.index_cast %add3A_871 : i32 to index
      %get3A_909 = arith.constant 32 : index
      %get3A_910 = tpu.vector_load %arg8[%get3A_908, %get3A_909] {strides = array<i32>} : memref<512x64xf32, #tpu.memory_space<vmem>>, vector<1x16xf32>,
      %get3A_911 = vector.shape_cast %get3A_910 : vector<1x16xf32> to vector<16xf32>
      %sub3A_912 = arith.subf %get3A_907, %get3A_911 : vector<16xf32>
      %swap3A_913 = arith.index_cast %add3A_871 : i32 to index
      %swap3A_914 = arith.constant 32 : index
      %swap3A_915 = tpu.vector_load %arg8[%swap3A_913, %swap3A_914] {strides = array<i32>} : memref<512x64xf32, #tpu.memory_space<vmem>>, vector<1x16xf32>,
      %swap3A_916 = vector.shape_cast %swap3A_915 : vector<1x16xf32> to vector<16xf32>
      %swap3A_917 = vector.shape_cast %sub3A_912 : vector<16xf32> to vector<1x16xf32>
      tpu.vector_store %arg8[%swap3A_913, %swap3A_914], %swap3A_917 {strides = array<i32>} : memref<512x64xf32, #tpu.memory_space<vmem>>, vector<1x16xf32>,
      %mul3A_918 = arith.mulf %sub3A_912, %sub3A_912 : vector<16xf32>
      %add3A_919 = arith.addf %add3A_903, %mul3A_918 : vector<16xf32>
      %get3A_920 = arith.index_cast %add3A_871 : i32 to index
      %get3A_921 = arith.constant 48 : index
      %get3A_922 = tpu.vector_load %arg7[%get3A_920, %get3A_921] {strides = array<i32>} : memref<512x64xf32, #tpu.memory_space<vmem>>, vector<1x16xf32>,
      %get3A_923 = vector.shape_cast %get3A_922 : vector<1x16xf32> to vector<16xf32>
      %get3A_924 = arith.index_cast %add3A_871 : i32 to index
      %get3A_925 = arith.constant 48 : index
      %get3A_926 = tpu.vector_load %arg8[%get3A_924, %get3A_925] {strides = array<i32>} : memref<512x64xf32, #tpu.memory_space<vmem>>, vector<1x16xf32>,
      %get3A_927 = vector.shape_cast %get3A_926 : vector<1x16xf32> to vector<16xf32>
      %sub3A_928 = arith.subf %get3A_923, %get3A_927 : vector<16xf32>
      %swap3A_929 = arith.index_cast %add3A_871 : i32 to index
      %swap3A_930 = arith.constant 48 : index
      %swap3A_931 = tpu.vector_load %arg8[%swap3A_929, %swap3A_930] {strides = array<i32>} : memref<512x64xf32, #tpu.memory_space<vmem>>, vector<1x16xf32>,
      %swap3A_932 = vector.shape_cast %swap3A_931 : vector<1x16xf32> to vector<16xf32>
      %swap3A_933 = vector.shape_cast %sub3A_928 : vector<16xf32> to vector<1x16xf32>
      tpu.vector_store %arg8[%swap3A_929, %swap3A_930], %swap3A_933 {strides = array<i32>} : memref<512x64xf32, #tpu.memory_space<vmem>>, vector<1x16xf32>,
      %mul3A_934 = arith.mulf %sub3A_928, %sub3A_928 : vector<16xf32>
      %add3A_935 = arith.addf %add3A_919, %mul3A_934 : vector<16xf32>
      %swap3A_936 = arith.index_cast %add3A_871 : i32 to index
      %swap3A_937 = arith.constant 0 : index
      %swap3A_938 = tpu.vector_load %arg10[%swap3A_936, %swap3A_937] {strides = array<i32>} : memref<512x16xf32, #tpu.memory_space<vmem>>, vector<1x16xf32>,
      %swap3A_939 = vector.shape_cast %swap3A_938 : vector<1x16xf32> to vector<16xf32>
      %swap3A_940 = vector.shape_cast %add3A_935 : vector<16xf32> to vector<1x16xf32>
      tpu.vector_store %arg10[%swap3A_936, %swap3A_937], %swap3A_940 {strides = array<i32>} : memref<512x16xf32, #tpu.memory_space<vmem>>, vector<1x16xf32>,
      %mul3A_941 = arith.constant 4 : i32
      %mul3A_942 = arith.muli %mul3A_941, %scan3A_715 : i32
      %add3A_943 = arith.constant 384 : i32
      %add3A_944 = arith.addi %mul3A_942, %add3A_943 : i32
      %add3A_945 = arith.constant 3 : i32
      %add3A_946 = arith.addi %add3A_944, %add3A_945 : i32
      %get3A_947 = arith.index_cast %add3A_946 : i32 to index
      %get3A_948 = arith.constant 0 : index
      %get3A_949 = tpu.vector_load %arg7[%get3A_947, %get3A_948] {strides = array<i32>} : memref<512x64xf32, #tpu.memory_space<vmem>>, vector<1x16xf32>,
      %get3A_950 = vector.shape_cast %get3A_949 : vector<1x16xf32> to vector<16xf32>
      %get3A_951 = arith.index_cast %add3A_946 : i32 to index
      %get3A_952 = arith.constant 0 : index
      %get3A_953 = tpu.vector_load %arg8[%get3A_951, %get3A_952] {strides = array<i32>} : memref<512x64xf32, #tpu.memory_space<vmem>>, vector<1x16xf32>,
      %get3A_954 = vector.shape_cast %get3A_953 : vector<1x16xf32> to vector<16xf32>
      %sub3A_955 = arith.subf %get3A_950, %get3A_954 : vector<16xf32>
      %swap3A_956 = arith.index_cast %add3A_946 : i32 to index
      %swap3A_957 = arith.constant 0 : index
      %swap3A_958 = tpu.vector_load %arg8[%swap3A_956, %swap3A_957] {strides = array<i32>} : memref<512x64xf32, #tpu.memory_space<vmem>>, vector<1x16xf32>,
      %swap3A_959 = vector.shape_cast %swap3A_958 : vector<1x16xf32> to vector<16xf32>
      %swap3A_960 = vector.shape_cast %sub3A_955 : vector<16xf32> to vector<1x16xf32>
      tpu.vector_store %arg8[%swap3A_956, %swap3A_957], %swap3A_960 {strides = array<i32>} : memref<512x64xf32, #tpu.memory_space<vmem>>, vector<1x16xf32>,
      %mul3A_961 = arith.mulf %sub3A_955, %sub3A_955 : vector<16xf32>
      %add3A_962 = arith.addf %broadcast_in_dim3A_13, %mul3A_961 : vector<16xf32>
      %get3A_963 = arith.index_cast %add3A_946 : i32 to index
      %get3A_964 = arith.constant 16 : index
      %get3A_965 = tpu.vector_load %arg7[%get3A_963, %get3A_964] {strides = array<i32>} : memref<512x64xf32, #tpu.memory_space<vmem>>, vector<1x16xf32>,
      %get3A_966 = vector.shape_cast %get3A_965 : vector<1x16xf32> to vector<16xf32>
      %get3A_967 = arith.index_cast %add3A_946 : i32 to index
      %get3A_968 = arith.constant 16 : index
      %get3A_969 = tpu.vector_load %arg8[%get3A_967, %get3A_968] {strides = array<i32>} : memref<512x64xf32, #tpu.memory_space<vmem>>, vector<1x16xf32>,
      %get3A_970 = vector.shape_cast %get3A_969 : vector<1x16xf32> to vector<16xf32>
      %sub3A_971 = arith.subf %get3A_966, %get3A_970 : vector<16xf32>
      %swap3A_972 = arith.index_cast %add3A_946 : i32 to index
      %swap3A_973 = arith.constant 16 : index
      %swap3A_974 = tpu.vector_load %arg8[%swap3A_972, %swap3A_973] {strides = array<i32>} : memref<512x64xf32, #tpu.memory_space<vmem>>, vector<1x16xf32>,
      %swap3A_975 = vector.shape_cast %swap3A_974 : vector<1x16xf32> to vector<16xf32>
      %swap3A_976 = vector.shape_cast %sub3A_971 : vector<16xf32> to vector<1x16xf32>
      tpu.vector_store %arg8[%swap3A_972, %swap3A_973], %swap3A_976 {strides = array<i32>} : memref<512x64xf32, #tpu.memory_space<vmem>>, vector<1x16xf32>,
      %mul3A_977 = arith.mulf %sub3A_971, %sub3A_971 : vector<16xf32>
      %add3A_978 = arith.addf %add3A_962, %mul3A_977 : vector<16xf32>
      %get3A_979 = arith.index_cast %add3A_946 : i32 to index
      %get3A_980 = arith.constant 32 : index
      %get3A_981 = tpu.vector_load %arg7[%get3A_979, %get3A_980] {strides = array<i32>} : memref<512x64xf32, #tpu.memory_space<vmem>>, vector<1x16xf32>,
      %get3A_982 = vector.shape_cast %get3A_981 : vector<1x16xf32> to vector<16xf32>
      %get3A_983 = arith.index_cast %add3A_946 : i32 to index
      %get3A_984 = arith.constant 32 : index
      %get3A_985 = tpu.vector_load %arg8[%get3A_983, %get3A_984] {strides = array<i32>} : memref<512x64xf32, #tpu.memory_space<vmem>>, vector<1x16xf32>,
      %get3A_986 = vector.shape_cast %get3A_985 : vector<1x16xf32> to vector<16xf32>
      %sub3A_987 = arith.subf %get3A_982, %get3A_986 : vector<16xf32>
      %swap3A_988 = arith.index_cast %add3A_946 : i32 to index
      %swap3A_989 = arith.constant 32 : index
      %swap3A_990 = tpu.vector_load %arg8[%swap3A_988, %swap3A_989] {strides = array<i32>} : memref<512x64xf32, #tpu.memory_space<vmem>>, vector<1x16xf32>,
      %swap3A_991 = vector.shape_cast %swap3A_990 : vector<1x16xf32> to vector<16xf32>
      %swap3A_992 = vector.shape_cast %sub3A_987 : vector<16xf32> to vector<1x16xf32>
      tpu.vector_store %arg8[%swap3A_988, %swap3A_989], %swap3A_992 {strides = array<i32>} : memref<512x64xf32, #tpu.memory_space<vmem>>, vector<1x16xf32>,
      %mul3A_993 = arith.mulf %sub3A_987, %sub3A_987 : vector<16xf32>
      %add3A_994 = arith.addf %add3A_978, %mul3A_993 : vector<16xf32>
      %get3A_995 = arith.index_cast %add3A_946 : i32 to index
      %get3A_996 = arith.constant 48 : index
      %get3A_997 = tpu.vector_load %arg7[%get3A_995, %get3A_996] {strides = array<i32>} : memref<512x64xf32, #tpu.memory_space<vmem>>, vector<1x16xf32>,
      %get3A_998 = vector.shape_cast %get3A_997 : vector<1x16xf32> to vector<16xf32>
      %get3A_999 = arith.index_cast %add3A_946 : i32 to index
      %get3A_1000 = arith.constant 48 : index
      %get3A_1001 = tpu.vector_load %arg8[%get3A_999, %get3A_1000] {strides = array<i32>} : memref<512x64xf32, #tpu.memory_space<vmem>>, vector<1x16xf32>,
      %get3A_1002 = vector.shape_cast %get3A_1001 : vector<1x16xf32> to vector<16xf32>
      %sub3A_1003 = arith.subf %get3A_998, %get3A_1002 : vector<16xf32>
      %swap3A_1004 = arith.index_cast %add3A_946 : i32 to index
      %swap3A_1005 = arith.constant 48 : index
      %swap3A_1006 = tpu.vector_load %arg8[%swap3A_1004, %swap3A_1005] {strides = array<i32>} : memref<512x64xf32, #tpu.memory_space<vmem>>, vector<1x16xf32>,
      %swap3A_1007 = vector.shape_cast %swap3A_1006 : vector<1x16xf32> to vector<16xf32>
      %swap3A_1008 = vector.shape_cast %sub3A_1003 : vector<16xf32> to vector<1x16xf32>
      tpu.vector_store %arg8[%swap3A_1004, %swap3A_1005], %swap3A_1008 {strides = array<i32>} : memref<512x64xf32, #tpu.memory_space<vmem>>, vector<1x16xf32>,
      %mul3A_1009 = arith.mulf %sub3A_1003, %sub3A_1003 : vector<16xf32>
      %add3A_1010 = arith.addf %add3A_994, %mul3A_1009 : vector<16xf32>
      %swap3A_1011 = arith.index_cast %add3A_946 : i32 to index
      %swap3A_1012 = arith.constant 0 : index
      %swap3A_1013 = tpu.vector_load %arg10[%swap3A_1011, %swap3A_1012] {strides = array<i32>} : memref<512x16xf32, #tpu.memory_space<vmem>>, vector<1x16xf32>,
      %swap3A_1014 = vector.shape_cast %swap3A_1013 : vector<1x16xf32> to vector<16xf32>
      %swap3A_1015 = vector.shape_cast %add3A_1010 : vector<16xf32> to vector<1x16xf32>
      tpu.vector_store %arg10[%swap3A_1011, %swap3A_1012], %swap3A_1015 {strides = array<i32>} : memref<512x16xf32, #tpu.memory_space<vmem>>, vector<1x16xf32>,
    }
    %scan3A_646 = arith.constant 32 : i32
    %dma_start3A_647 = arith.constant 3 : i32
    %dma_start3A_648 = arith.constant 384 : i32
    %dma_start3A_649 = arith.constant 0 : i32
    %dma_start3A_650 = tpu.memref_slice %arg8[%dma_start3A_648, %dma_start3A_649] : memref<512x64xf32, #tpu.memory_space<vmem>> -> memref<128x64xf32, #tpu.memory_space<vmem>>
    %dma_start3A_651 = arith.constant 0 : i32
    %dma_start3A_652 = tpu.memref_slice %arg9[%dma_start3A_647, %dma_start3A_651] : memref<4x128xi32, #tpu.memory_space<vmem>> -> memref<1x128xi32, #tpu.memory_space<vmem>>
    %dma_start3A_653 = tpu.memref_squeeze %dma_start3A_652 : memref<1x128xi32, #tpu.memory_space<vmem>> -> memref<128xi32, #tpu.memory_space<vmem>>
    %dma_start3A_654 = arith.constant 0 : i32
    %dma_start3A_655 = arith.constant 0 : i32
    %dma_start3A_656 = tpu.memref_slice %arg12[%dma_start3A_654, %dma_start3A_655] : memref<8192x64xf32, #tpu.memory_space<vmem_shared>> -> memref<8192x64xf32, #tpu.memory_space<vmem_shared>>
    tpu.enqueue_indirect_dma source(%dma_start3A_650 : memref<128x64xf32, #tpu.memory_space<vmem>>) target(%dma_start3A_656 : memref<8192x64xf32, #tpu.memory_space<vmem_shared>>) offsets(%dma_start3A_653 : memref<128xi32, #tpu.memory_space<vmem>>) semaphore(%arg16 : memref<!tpu.dma_semaphore, #tpu.memory_space<semaphore_mem>>) {add = true}
    %dma_start3A_657 = arith.constant 0 : i32
    %dma_start3A_658 = tpu.memref_slice %arg6[%multiple_of3A, %dma_start3A_657] : memref<16384x16xf32, #tpu.memory_space<hbm>> -> memref<512x16xf32, #tpu.memory_space<hbm>>
    %dma_start3A_659 = arith.constant 0 : i32
    %dma_start3A_660 = tpu.memref_slice %arg6[%multiple_of3A, %dma_start3A_659] : memref<16384x16xf32, #tpu.memory_space<hbm>> -> memref<512x16xf32, #tpu.memory_space<hbm>>
    tpu.enqueue_dma source(%arg10 : memref<512x16xf32, #tpu.memory_space<vmem>>) target(%dma_start3A_660 : memref<512x16xf32, #tpu.memory_space<hbm>>) target_semaphore(%arg13 : memref<!tpu.dma_semaphore, #tpu.memory_space<semaphore_mem>>)
    %dma_wait3A_661 = arith.constant 0 : i32
    %dma_wait3A_662 = arith.constant 0 : i32
    %dma_wait3A_663 = arith.constant 0 : i32
    %dma_wait3A_664 = tpu.memref_slice %arg8[%dma_wait3A_662, %dma_wait3A_663] : memref<512x64xf32, #tpu.memory_space<vmem>> -> memref<128x64xf32, #tpu.memory_space<vmem>>
    %dma_wait3A_665 = arith.constant 0 : i32
    %dma_wait3A_666 = tpu.memref_slice %arg9[%dma_wait3A_661, %dma_wait3A_665] : memref<4x128xi32, #tpu.memory_space<vmem>> -> memref<1x128xi32, #tpu.memory_space<vmem>>
    %dma_wait3A_667 = tpu.memref_squeeze %dma_wait3A_666 : memref<1x128xi32, #tpu.memory_space<vmem>> -> memref<128xi32, #tpu.memory_space<vmem>>
    %dma_wait3A_668 = arith.constant 0 : i32
    %dma_wait3A_669 = arith.constant 0 : i32
    %dma_wait3A_670 = tpu.memref_slice %arg12[%dma_wait3A_668, %dma_wait3A_669] : memref<8192x64xf32, #tpu.memory_space<vmem_shared>> -> memref<8192x64xf32, #tpu.memory_space<vmem_shared>>
    tpu.wait_indirect_dma semaphore(%arg16 : memref<!tpu.dma_semaphore, #tpu.memory_space<semaphore_mem>>) src(%dma_wait3A_664 : memref<128x64xf32, #tpu.memory_space<vmem>>) dst(%dma_wait3A_670 : memref<8192x64xf32, #tpu.memory_space<vmem_shared>>)
    %dma_wait3A_671 = arith.constant 1 : i32
    %dma_wait3A_672 = arith.constant 128 : i32
    %dma_wait3A_673 = arith.constant 0 : i32
    %dma_wait3A_674 = tpu.memref_slice %arg8[%dma_wait3A_672, %dma_wait3A_673] : memref<512x64xf32, #tpu.memory_space<vmem>> -> memref<128x64xf32, #tpu.memory_space<vmem>>
    %dma_wait3A_675 = arith.constant 0 : i32
    %dma_wait3A_676 = tpu.memref_slice %arg9[%dma_wait3A_671, %dma_wait3A_675] : memref<4x128xi32, #tpu.memory_space<vmem>> -> memref<1x128xi32, #tpu.memory_space<vmem>>
    %dma_wait3A_677 = tpu.memref_squeeze %dma_wait3A_676 : memref<1x128xi32, #tpu.memory_space<vmem>> -> memref<128xi32, #tpu.memory_space<vmem>>
    %dma_wait3A_678 = arith.constant 0 : i32
    %dma_wait3A_679 = arith.constant 0 : i32
    %dma_wait3A_680 = tpu.memref_slice %arg12[%dma_wait3A_678, %dma_wait3A_679] : memref<8192x64xf32, #tpu.memory_space<vmem_shared>> -> memref<8192x64xf32, #tpu.memory_space<vmem_shared>>
    tpu.wait_indirect_dma semaphore(%arg16 : memref<!tpu.dma_semaphore, #tpu.memory_space<semaphore_mem>>) src(%dma_wait3A_674 : memref<128x64xf32, #tpu.memory_space<vmem>>) dst(%dma_wait3A_680 : memref<8192x64xf32, #tpu.memory_space<vmem_shared>>)
    %dma_wait3A_681 = arith.constant 2 : i32
    %dma_wait3A_682 = arith.constant 256 : i32
    %dma_wait3A_683 = arith.constant 0 : i32
    %dma_wait3A_684 = tpu.memref_slice %arg8[%dma_wait3A_682, %dma_wait3A_683] : memref<512x64xf32, #tpu.memory_space<vmem>> -> memref<128x64xf32, #tpu.memory_space<vmem>>
    %dma_wait3A_685 = arith.constant 0 : i32
    %dma_wait3A_686 = tpu.memref_slice %arg9[%dma_wait3A_681, %dma_wait3A_685] : memref<4x128xi32, #tpu.memory_space<vmem>> -> memref<1x128xi32, #tpu.memory_space<vmem>>
    %dma_wait3A_687 = tpu.memref_squeeze %dma_wait3A_686 : memref<1x128xi32, #tpu.memory_space<vmem>> -> memref<128xi32, #tpu.memory_space<vmem>>
    %dma_wait3A_688 = arith.constant 0 : i32
    %dma_wait3A_689 = arith.constant 0 : i32
    %dma_wait3A_690 = tpu.memref_slice %arg12[%dma_wait3A_688, %dma_wait3A_689] : memref<8192x64xf32, #tpu.memory_space<vmem_shared>> -> memref<8192x64xf32, #tpu.memory_space<vmem_shared>>
    tpu.wait_indirect_dma semaphore(%arg16 : memref<!tpu.dma_semaphore, #tpu.memory_space<semaphore_mem>>) src(%dma_wait3A_684 : memref<128x64xf32, #tpu.memory_space<vmem>>) dst(%dma_wait3A_690 : memref<8192x64xf32, #tpu.memory_space<vmem_shared>>)
    %dma_wait3A_691 = arith.constant 3 : i32
    %dma_wait3A_692 = arith.constant 384 : i32
    %dma_wait3A_693 = arith.constant 0 : i32
    %dma_wait3A_694 = tpu.memref_slice %arg8[%dma_wait3A_692, %dma_wait3A_693] : memref<512x64xf32, #tpu.memory_space<vmem>> -> memref<128x64xf32, #tpu.memory_space<vmem>>
    %dma_wait3A_695 = arith.constant 0 : i32
    %dma_wait3A_696 = tpu.memref_slice %arg9[%dma_wait3A_691, %dma_wait3A_695] : memref<4x128xi32, #tpu.memory_space<vmem>> -> memref<1x128xi32, #tpu.memory_space<vmem>>
    %dma_wait3A_697 = tpu.memref_squeeze %dma_wait3A_696 : memref<1x128xi32, #tpu.memory_space<vmem>> -> memref<128xi32, #tpu.memory_space<vmem>>
    %dma_wait3A_698 = arith.constant 0 : i32
    %dma_wait3A_699 = arith.constant 0 : i32
    %dma_wait3A_700 = tpu.memref_slice %arg12[%dma_wait3A_698, %dma_wait3A_699] : memref<8192x64xf32, #tpu.memory_space<vmem_shared>> -> memref<8192x64xf32, #tpu.memory_space<vmem_shared>>
    tpu.wait_indirect_dma semaphore(%arg16 : memref<!tpu.dma_semaphore, #tpu.memory_space<semaphore_mem>>) src(%dma_wait3A_694 : memref<128x64xf32, #tpu.memory_space<vmem>>) dst(%dma_wait3A_700 : memref<8192x64xf32, #tpu.memory_space<vmem_shared>>)
    %barrier3A_701 = arith.constant 0 : index
    tpu.barrier barrier_id(%barrier3A_701)
    %mul3A_702 = arith.constant 512 : i32
    %mul3A_703 = arith.muli %arg1, %mul3A_702 : i32
    %multiple_of3A_704 = tpu.assume_multiple %mul3A_703, 512 : i32
    %mul3A_705 = arith.constant 8192 : i32
    %mul3A_706 = arith.muli %arg0, %mul3A_705 : i32
    %mul3A_707 = arith.constant 512 : i32
    %mul3A_708 = arith.muli %arg1, %mul3A_707 : i32
    %add3A_709 = arith.addi %mul3A_706, %mul3A_708 : i32
    %multiple_of3A_710 = tpu.assume_multiple %add3A_709, 512 : i32
    "tpu.region"() ({
      %run_scoped3A = tpu.sem_alloc : memref<!tpu.dma_semaphore, #tpu.memory_space<semaphore_mem>>
      %dma_start3A_715 = arith.constant 0 : i32
      %dma_start3A_716 = tpu.memref_slice %arg5[%multiple_of3A_710, %dma_start3A_715] : memref<16384x64xf32, #tpu.memory_space<hbm>> -> memref<512x64xf32, #tpu.memory_space<hbm>>
      %dma_start3A_717 = arith.constant 0 : i32
      %dma_start3A_718 = tpu.memref_slice %arg12[%multiple_of3A_704, %dma_start3A_717] : memref<8192x64xf32, #tpu.memory_space<vmem_shared>> -> memref<512x64xf32, #tpu.memory_space<vmem_shared>>
      tpu.enqueue_dma source(%dma_start3A_718 : memref<512x64xf32, #tpu.memory_space<vmem_shared>>) target(%dma_start3A_716 : memref<512x64xf32, #tpu.memory_space<hbm>>) target_semaphore(%run_scoped3A : memref<!tpu.dma_semaphore, #tpu.memory_space<semaphore_mem>>)
      %dma_wait3A_719 = arith.constant 0 : i32
      %dma_wait3A_720 = tpu.memref_slice %arg5[%multiple_of3A_710, %dma_wait3A_719] : memref<16384x64xf32, #tpu.memory_space<hbm>> -> memref<512x64xf32, #tpu.memory_space<hbm>>
      %dma_wait3A_721 = arith.constant 0 : i32
      %dma_wait3A_722 = tpu.memref_slice %arg12[%multiple_of3A_704, %dma_wait3A_721] : memref<8192x64xf32, #tpu.memory_space<vmem_shared>> -> memref<512x64xf32, #tpu.memory_space<vmem_shared>>
      tpu.wait_dma2 semaphore(%run_scoped3A : memref<!tpu.dma_semaphore, #tpu.memory_space<semaphore_mem>>) src(%dma_wait3A_722 : memref<512x64xf32, #tpu.memory_space<vmem_shared>>) dst(%dma_wait3A_720 : memref<512x64xf32, #tpu.memory_space<hbm>>)
      tpu.yield
    }) : () -> ()
    %dma_wait3A_711 = arith.constant 0 : i32
    %dma_wait3A_712 = tpu.memref_slice %arg6[%multiple_of3A, %dma_wait3A_711] : memref<16384x16xf32, #tpu.memory_space<hbm>> -> memref<512x16xf32, #tpu.memory_space<hbm>>
    %dma_wait3A_713 = arith.constant 0 : i32
    %dma_wait3A_714 = tpu.memref_slice %arg6[%multiple_of3A, %dma_wait3A_713] : memref<16384x16xf32, #tpu.memory_space<hbm>> -> memref<512x16xf32, #tpu.memory_space<hbm>>
    tpu.wait_dma2 semaphore(%arg13 : memref<!tpu.dma_semaphore, #tpu.memory_space<semaphore_mem>>) src(%arg10 : memref<512x16xf32, #tpu.memory_space<vmem>>) dst(%dma_wait3A_714 : memref<512x16xf32, #tpu.memory_space<hbm>>)
    return
  }
}

module attributes {stable_mosaic.version = 14 : i64} {
  func.func @_mm_body(%arg0: i32, %arg1: memref<2048x256xf32, #tpu.memory_space<vmem>>, %arg2: memref<256x64xf32, #tpu.memory_space<vmem>>, %arg3: memref<2048x64xf32, #tpu.memory_space<vmem>>) attributes {dimension_semantics = [#tpu.dimension_semantics<arbitrary>], iteration_bounds = array<i64: 8>, scalar_prefetch = 0 : i64, scratch_operands = 0 : i64, tpu.core_type = #tpu.core_type<tc>, window_params = [{transform_indices = @transform_0, window_bounds = array<i64: 2048, 256>}, {pipeline_mode = #tpu.pipeline_mode<synchronous>, transform_indices = @transform_1, window_bounds = array<i64: 256, 64>}, {transform_indices = @transform_2, window_bounds = array<i64: 2048, 64>}]} {
    %get3A = arith.constant 0 : index
    %get3A_0 = arith.constant 0 : index
    %get3A_1 = vector.load %arg1[%get3A, %get3A_0] : memref<2048x256xf32, #tpu.memory_space<vmem>>, vector<2048x256xf32>
    %get3A_2 = arith.constant 0 : index
    %get3A_3 = arith.constant 0 : index
    %get3A_4 = vector.load %arg2[%get3A_2, %get3A_3] : memref<256x64xf32, #tpu.memory_space<vmem>>, vector<256x64xf32>
    %dot_general3A = arith.constant dense<0.000000e+00> : vector<2048x64xf32>
    %dot_general3A_5 = tpu.matmul %get3A_1, %get3A_4, %dot_general3A {dimension_numbers = #tpu.dot_dimension_numbers<[1], [0], [0], [1], [0, 0, 1, 1], [], []>, transpose_lhs_hint = false} : vector<2048x256xf32>, vector<256x64xf32>, vector<2048x64xf32> -> vector<2048x64xf32>
    %swap3A = arith.constant 0 : index
    %swap3A_6 = arith.constant 0 : index
    %swap3A_7 = vector.load %arg3[%swap3A, %swap3A_6] : memref<2048x64xf32, #tpu.memory_space<vmem>>, vector<2048x64xf32>
    tpu.vector_store %arg3[%swap3A, %swap3A_6], %dot_general3A_5 {strides = array<i32>} : memref<2048x64xf32, #tpu.memory_space<vmem>>, vector<2048x64xf32>,
    return
  }
  func.func @transform_0(%arg0: i32) -> (i32, i32) {
    %c0_i32 = arith.constant 0 : i32
    %c0_i32_0 = arith.constant 0 : i32
    return %arg0, %c0_i32 : i32, i32
  }
  func.func @transform_1(%arg0: i32) -> (i32, i32) {
    %c0_i32 = arith.constant 0 : i32
    %c0_i32_0 = arith.constant 0 : i32
    %c0_i32_1 = arith.constant 0 : i32
    return %c0_i32, %c0_i32_0 : i32, i32
  }
  func.func @transform_2(%arg0: i32) -> (i32, i32) {
    %c0_i32 = arith.constant 0 : i32
    %c0_i32_0 = arith.constant 0 : i32
    return %arg0, %c0_i32 : i32, i32
  }
}

module attributes {stable_mosaic.version = 14 : i64} {
  func.func @_fin_body(%arg0: i32, %arg1: memref<2048x64xf32, #tpu.memory_space<vmem>>, %arg2: memref<1024x128xf32, #tpu.memory_space<vmem>>, %arg3: memref<1024x128xf32, #tpu.memory_space<vmem>>, %arg4: memref<512x128xf32, #tpu.memory_space<vmem>>, %arg5: memref<128x8xf32, #tpu.memory_space<vmem>>, %arg6: memref<2048x64xf32, #tpu.memory_space<vmem>>, %arg7: memref<1x1xf32, #tpu.memory_space<smem>>) attributes {dimension_semantics = [#tpu.dimension_semantics<arbitrary>], iteration_bounds = array<i64: 4>, scalar_prefetch = 0 : i64, scratch_operands = 0 : i64, tpu.core_type = #tpu.core_type<tc>, window_params = [{transform_indices = @transform_0, window_bounds = array<i64: 2048, 64>}, {transform_indices = @transform_1, window_bounds = array<i64: 1024, 128>}, {transform_indices = @transform_2, window_bounds = array<i64: 1024, 128>}, {transform_indices = @transform_3, window_bounds = array<i64: 512, 128>}, {pipeline_mode = #tpu.pipeline_mode<synchronous>, transform_indices = @transform_4, window_bounds = array<i64: 128, 8>}, {transform_indices = @transform_5, window_bounds = array<i64: 2048, 64>}, {transform_indices = @transform_6, window_bounds = array<i64: 1, 1>}]} {
    %get3A = arith.constant 0 : index
    %get3A_0 = arith.constant 0 : index
    %get3A_1 = vector.load %arg2[%get3A, %get3A_0] : memref<1024x128xf32, #tpu.memory_space<vmem>>, vector<1024x128xf32>
    %get3A_2 = arith.constant 0 : index
    %get3A_3 = arith.constant 0 : index
    %get3A_4 = vector.load %arg3[%get3A_2, %get3A_3] : memref<1024x128xf32, #tpu.memory_space<vmem>>, vector<1024x128xf32>
    %add3A = arith.addf %get3A_1, %get3A_4 : vector<1024x128xf32>
    %get3A_5 = arith.constant 0 : index
    %get3A_6 = arith.constant 0 : index
    %get3A_7 = tpu.strided_load %arg1[%get3A_5, %get3A_6] {strides = array<i32: 2, 1>} : memref<2048x64xf32, #tpu.memory_space<vmem>>, vector<1024x64xf32>
    %slice3A = vector.extract_strided_slice %add3A {offsets = [0, 0], sizes = [1024, 64], strides = [1, 1]} : vector<1024x128xf32> to vector<1024x64xf32>
    %mul3A = arith.constant 1.000000e-03 : f32
    %mul3A_8 = vector.broadcast %mul3A : f32 to vector<1024x64xf32>
    %mul3A_9 = arith.mulf %mul3A_8, %slice3A : vector<1024x64xf32>
    %add3A_10 = arith.addf %get3A_7, %mul3A_9 : vector<1024x64xf32>
    %swap3A = arith.constant 0 : index
    %swap3A_11 = arith.constant 0 : index
    %swap3A_12 = tpu.strided_load %arg6[%swap3A, %swap3A_11] {strides = array<i32: 2, 1>} : memref<2048x64xf32, #tpu.memory_space<vmem>>, vector<1024x64xf32>
    tpu.strided_store %arg6[%swap3A, %swap3A_11], %add3A_10 {strides = array<i32: 2, 1>} : memref<2048x64xf32, #tpu.memory_space<vmem>>, vector<1024x64xf32>
    %get3A_13 = arith.constant 1 : index
    %get3A_14 = arith.constant 0 : index
    %get3A_15 = tpu.strided_load %arg1[%get3A_13, %get3A_14] {strides = array<i32: 2, 1>} : memref<2048x64xf32, #tpu.memory_space<vmem>>, vector<1024x64xf32>
    %slice3A_16 = vector.extract_strided_slice %add3A {offsets = [0, 64], sizes = [1024, 64], strides = [1, 1]} : vector<1024x128xf32> to vector<1024x64xf32>
    %mul3A_17 = arith.constant 1.000000e-03 : f32
    %mul3A_18 = vector.broadcast %mul3A_17 : f32 to vector<1024x64xf32>
    %mul3A_19 = arith.mulf %mul3A_18, %slice3A_16 : vector<1024x64xf32>
    %add3A_20 = arith.addf %get3A_15, %mul3A_19 : vector<1024x64xf32>
    %swap3A_21 = arith.constant 1 : index
    %swap3A_22 = arith.constant 0 : index
    %swap3A_23 = tpu.strided_load %arg6[%swap3A_21, %swap3A_22] {strides = array<i32: 2, 1>} : memref<2048x64xf32, #tpu.memory_space<vmem>>, vector<1024x64xf32>
    tpu.strided_store %arg6[%swap3A_21, %swap3A_22], %add3A_20 {strides = array<i32: 2, 1>} : memref<2048x64xf32, #tpu.memory_space<vmem>>, vector<1024x64xf32>
    %get3A_24 = arith.constant 0 : index
    %get3A_25 = arith.constant 0 : index
    %get3A_26 = vector.load %arg4[%get3A_24, %get3A_25] : memref<512x128xf32, #tpu.memory_space<vmem>>, vector<512x128xf32>
    %get3A_27 = arith.constant 0 : index
    %get3A_28 = arith.constant 0 : index
    %get3A_29 = vector.load %arg5[%get3A_27, %get3A_28] : memref<128x8xf32, #tpu.memory_space<vmem>>, vector<128x8xf32>
    %dot_general3A = arith.constant dense<0.000000e+00> : vector<512x8xf32>
    %dot_general3A_30 = tpu.matmul %get3A_26, %get3A_29, %dot_general3A {dimension_numbers = #tpu.dot_dimension_numbers<[1], [0], [0], [1], [0, 0, 1, 1], [], []>, transpose_lhs_hint = false} : vector<512x128xf32>, vector<128x8xf32>, vector<512x8xf32> -> vector<512x8xf32>
    %sqrt3A = math.sqrt %dot_general3A_30 : vector<512x8xf32>
    %sub3A = arith.constant 2.000000e-01 : f32
    %sub3A_31 = vector.broadcast %sub3A : f32 to vector<512x8xf32>
    %sub3A_32 = arith.subf %sqrt3A, %sub3A_31 : vector<512x8xf32>
    %max3A = arith.constant 0.000000e+00 : f32
    %max3A_33 = vector.broadcast %max3A : f32 to vector<512x8xf32>
    %max3A_34 = arith.maximumf %sub3A_32, %max3A_33 : vector<512x8xf32>
    %reduce_sum3A = vector.shape_cast %max3A_34 : vector<512x8xf32> to vector<1x512x8xf32>
    %reduce_sum3A_35 = arith.constant dense<0.000000e+00> : vector<1xf32>
    %reduce_sum3A_36 = vector.multi_reduction <add>, %reduce_sum3A, %reduce_sum3A_35 [1, 2] : vector<1x512x8xf32> to vector<1xf32>
    %reduce_sum3A_37 = vector.shape_cast %reduce_sum3A_36 : vector<1xf32> to vector<1x1x1xf32>
    %reduce_sum3A_38 = vector.extract %reduce_sum3A_37[0, 0, 0] : f32 from vector<1x1x1xf32>
    %mul3A_39 = arith.constant 6.10351563E-5 : f32
    %mul3A_40 = arith.mulf %reduce_sum3A_38, %mul3A_39 : f32
    %eq3A = arith.constant 0 : i32
    %eq3A_41 = arith.cmpi eq, %arg0, %eq3A : i32
    %convert_element_type3A = arith.extui %eq3A_41 : i1 to i32
    %cond3A = arith.constant 0 : i32
    %cond3A_42 = arith.cmpi ne, %convert_element_type3A, %cond3A : i32
    scf.if %cond3A_42 {
      %swap3A_47 = arith.constant 0 : index
      %swap3A_48 = arith.constant 0 : index
      %swap3A_49 = memref.load %arg7[%swap3A_47, %swap3A_48] : memref<1x1xf32, #tpu.memory_space<smem>>
      memref.store %mul3A_40, %arg7[%swap3A_47, %swap3A_48] : memref<1x1xf32, #tpu.memory_space<smem>>
    } else {
    }
    %ne3A = arith.constant 0 : i32
    %ne3A_43 = arith.cmpi ne, %arg0, %ne3A : i32
    %convert_element_type3A_44 = arith.extui %ne3A_43 : i1 to i32
    %cond3A_45 = arith.constant 0 : i32
    %cond3A_46 = arith.cmpi ne, %convert_element_type3A_44, %cond3A_45 : i32
    scf.if %cond3A_46 {
      %get3A_47 = arith.constant 0 : index
      %get3A_48 = arith.constant 0 : index
      %get3A_49 = memref.load %arg7[%get3A_47, %get3A_48] : memref<1x1xf32, #tpu.memory_space<smem>>
      %add3A_50 = arith.addf %get3A_49, %mul3A_40 : f32
      %swap3A_51 = arith.constant 0 : index
      %swap3A_52 = arith.constant 0 : index
      %swap3A_53 = memref.load %arg7[%swap3A_51, %swap3A_52] : memref<1x1xf32, #tpu.memory_space<smem>>
      memref.store %add3A_50, %arg7[%swap3A_51, %swap3A_52] : memref<1x1xf32, #tpu.memory_space<smem>>
    } else {
    }
    return
  }
  func.func @transform_0(%arg0: i32) -> (i32, i32) {
    %c0_i32 = arith.constant 0 : i32
    %c0_i32_0 = arith.constant 0 : i32
    return %arg0, %c0_i32 : i32, i32
  }
  func.func @transform_1(%arg0: i32) -> (i32, i32) {
    %c0_i32 = arith.constant 0 : i32
    %c0_i32_0 = arith.constant 0 : i32
    return %arg0, %c0_i32 : i32, i32
  }
  func.func @transform_2(%arg0: i32) -> (i32, i32) {
    %add3A = arith.constant 4 : i32
    %add3A_0 = arith.addi %arg0, %add3A : i32
    %c0_i32 = arith.constant 0 : i32
    %c0_i32_1 = arith.constant 0 : i32
    return %add3A_0, %c0_i32 : i32, i32
  }
  func.func @transform_3(%arg0: i32) -> (i32, i32) {
    %c0_i32 = arith.constant 0 : i32
    %c0_i32_0 = arith.constant 0 : i32
    return %arg0, %c0_i32 : i32, i32
  }
  func.func @transform_4(%arg0: i32) -> (i32, i32) {
    %c0_i32 = arith.constant 0 : i32
    %c0_i32_0 = arith.constant 0 : i32
    %c0_i32_1 = arith.constant 0 : i32
    return %c0_i32, %c0_i32_0 : i32, i32
  }
  func.func @transform_5(%arg0: i32) -> (i32, i32) {
    %c0_i32 = arith.constant 0 : i32
    %c0_i32_0 = arith.constant 0 : i32
    return %arg0, %c0_i32 : i32, i32
  }
  func.func @transform_6(%arg0: i32) -> (i32, i32) {
    %c0_i32 = arith.constant 0 : i32
    %c0_i32_0 = arith.constant 0 : i32
    %c0_i32_1 = arith.constant 0 : i32
    return %c0_i32, %c0_i32_0 : i32, i32
  }
}

</mosaic_0001>

<sc_bundles>
// kernel: kernel.5.cloned.1.call-start
scs
__scs_entry_jumppad:
0x0: {  	(pc) =	sbr.rel $0x88, $3  }
0x1: {  	(tag) =	ssettag $0x0;
	lr =	simm.s32 $0x1  }
0x2: {  	[smem:$0x3F9D] =	sst lr;
	_ =	strace $0xD0000000  }
0x3: {  	_ = 	snop  }
0x4: {  	_ = 	snop  }
0x5: {  	_ = 	snop  }
0x6: {  	_ = 	snop  }
0x7: {  	_ = 	snop  }
__scs_overlays_trampoline_lowered:
0x8: {  	[smem:$0x3FAC] =	sst s0  }
0x9: {  	[smem:$0x3FAD] =	sst s1  }
0xa: {  	[smem:$0x3FAE] =	sst s2  }
0xb: {  	[smem:$0x3FAF] =	sst s3  }
0xc: {  	[smem:$0x3FB0] =	sst s4  }
0xd: {  	[smem:$0x3FB1] =	sst s5  }
0xe: {  	[smem:$0x3FB2] =	sst s6  }
0xf: {  	[smem:$0x3FB3] =	sst s7  }
0x10: {  	[smem:$0x3FB4] =	sst s8  }
0x11: {  	[smem:$0x3FB5] =	sst s9;
	s0 =	simm.s32 @!p0 $0x0  }
0x12: {  	s1 =	sld [smem:$0x3F9B];
	s0 =	simm.s32 @p0 $0x1  }
0x13: {  	[smem:$0x3FB6] =	sst s0;
	s0 =	simm.s32 @!p1 $0x0  }
0x14: {  	s2 =	sld [smem:$0x3F9A];
	s0 =	simm.s32 @p1 $0x1  }
0x15: {  	[smem:$0x3FB7] =	sst s0;
	s0 =	simm.s32 @!p2 $0x0  }
0x16: {  	s3 =	sld [smem:$0x3FDB];
	s0 =	simm.s32 @p2 $0x1  }
0x17: {  	s4 =	simm.s32 $0x1BF5;
	[smem:$0x3FB9] =	sst s0  }
0x18: {  	s0 =	sld [smem:$0x3F9C];
	_ =	swait.ge [sflag:s4], $0x0  }
0x19: {  	s7 =	sld [smem:$0x3F9D]  }
0x1a: {  	s8 =	sadd.s32 $0xFFFFE003, lr  }
0x1b: {  	s9 =	sadd.s32 $0xFFFFFEF7, lr;
	s5 =	simm.s32 $0xFFFFFFFF;
	p2 =	slt.u32 s8, $0xFFFFF086  }
0x1c: {  	p1 =	slt.u32 s9, $0xF7A;
	s5 =	simm.s32 @!p2 $0x0  }
0x1d: {  	s5 =	simm.s32 @p1 $0x1;
	p0 =	seq.s32 s7, s2  }
0x1e: {  	s7 =	smul.u32 @!p0 $0xF7A, s2;
	p2 =	seq.s32 @!p0 s5, $0x0  }
0x1f: {  	s9 =	smul.u32 $0xF7A, s1;
	s8 =	simm.s32 @!p0 $0x1BF5;
	p2 =	por !p2, p0  }
0x20: {  	[sflag:s8] =	ssyncset.s32 @!p0 $0xFFFFF086;
	s6 =	sadd.s32 @!p0 s3, s7;
	s7 =	simm.s32 @!p0 $0x108  }
0x21: {  	s3 =	sadd.s32 s3, s9;
	s6 =	sadd.s32 @!p0 $0x88, s6;
	s7 =	simm.s32 @p2 $0x1082  }
0x22: {  	[simem:s7], [sflag:s8] =	dma.local @!p0 [hbm:s6], $0xF7A  }
0x23: {  	s9 =	sor.u32 $0xD0000000, s2;
	s6 =	simm.s32 $0x108;
	_ =	swait.ge @!p0 [sflag:s8], $0x0  }
0x24: {  	s3 =	sadd.s32 $0x88, s3;
	s6 =	simm.s32 @!p1 $0x1082;
	[sflag:s4] =	ssyncset.s32 $0xFFFFF086  }
0x25: {  	[simem:s6], [sflag:s4] =	dma.local [hbm:s3], $0xF7A  }
0x26: {  	[smem:$0x3F9D] =	sst s1;
	(tag) =	ssettag s2;
	_ =	strace s9  }
0x27: {  	s1 =	sld [smem:$0x3FAD]  }
0x28: {  	s2 =	sld [smem:$0x3FAE]  }
0x29: {  	s4 =	sld [smem:$0x3FB0]  }
0x2a: {  	p0 =	seq.s32 s5, $0x0;
	s5 =	sld [smem:$0x3FB1]  }
0x2b: {  	s6 =	sld [smem:$0x3FB2]  }
0x2c: {  	s7 =	sld [smem:$0x3FB3]  }
0x2d: {  	s3 =	simm.s32 $0x108;
	s8 =	sld [smem:$0x3FB4]  }
0x2e: {  	s3 =	simm.s32 @!p0 $0x1082;
	s9 =	sld [smem:$0x3FB5]  }
0x2f: {  	lr =	sadd.s32 s0, s3;
	s0 =	sld [smem:$0x3FAC]  }
0x30: {  	s3 =	sld [smem:$0x3FAF]  }
0x31: {  	[smem:$0x3FB8] =	sst s10  }
0x32: {  	s10 =	sld [smem:$0x3FB6];
	_ =	sdelay $0x3  }
0x33: {  	p0 =	seq.s32 s10, $0x1;
	s10 =	sld [smem:$0x3FB8];
	_ =	sdelay $0x3  }
0x34: {  	[smem:$0x3FB8] =	sst s10  }
0x35: {  	s10 =	sld [smem:$0x3FB7];
	_ =	sdelay $0x3  }
0x36: {  	p1 =	seq.s32 s10, $0x1;
	s10 =	sld [smem:$0x3FB8];
	_ =	sdelay $0x3  }
0x37: {  	[smem:$0x3FB8] =	sst s10  }
0x38: {  	s10 =	sld [smem:$0x3FB9]  }
0x39: {  	_ = 	snop;
	(pc) =	sbr.ind lr, $3  }
0x3a: {  	_ = 	snop  }
0x3b: {  	_ = 	snop  }
0x3c: {  	p2 =	seq.s32 s10, $0x1;
	s10 =	sld [smem:$0x3FB8]  }
0x3d: {  	_ =	shalt  }
0x3e: {  	_ =	shalt  }
0x3f: {  	_ =	shalt  }
0x40: {  	_ =	shalt  }
0x41: {  	_ =	shalt  }
0x42: {  	_ =	shalt  }
0x43: {  	_ =	shalt  }
0x44: {  	_ =	shalt  }
0x45: {  	_ =	shalt  }
0x46: {  	_ =	shalt  }
0x47: {  	_ =	shalt  }
0x48: {  	_ =	shalt  }
0x49: {  	_ =	shalt  }
0x4a: {  	_ =	shalt  }
0x4b: {  	_ =	shalt  }
0x4c: {  	_ =	shalt  }
0x4d: {  	_ =	shalt  }
0x4e: {  	_ =	shalt  }
0x4f: {  	_ =	shalt  }
0x50: {  	_ =	shalt  }
0x51: {  	_ =	shalt  }
0x52: {  	_ =	shalt  }
0x53: {  	_ =	shalt  }
0x54: {  	_ =	shalt  }
0x55: {  	_ =	shalt  }
0x56: {  	_ =	shalt  }
0x57: {  	_ =	shalt  }
0x58: {  	_ =	shalt  }
0x59: {  	_ =	shalt  }
0x5a: {  	_ =	shalt  }
0x5b: {  	_ =	shalt  }
0x5c: {  	_ =	shalt  }
0x5d: {  	_ =	shalt  }
0x5e: {  	_ =	shalt  }
0x5f: {  	_ =	shalt  }
0x60: {  	_ =	shalt  }
0x61: {  	_ =	shalt  }
0x62: {  	_ =	shalt  }
0x63: {  	_ =	shalt  }
0x64: {  	_ =	shalt  }
0x65: {  	_ =	shalt  }
0x66: {  	_ =	shalt  }
0x67: {  	_ =	shalt  }
0x68: {  	_ =	shalt  }
0x69: {  	_ =	shalt  }
0x6a: {  	_ =	shalt  }
0x6b: {  	_ =	shalt  }
0x6c: {  	_ =	shalt  }
0x6d: {  	_ =	shalt  }
0x6e: {  	_ =	shalt  }
0x6f: {  	_ =	shalt  }
0x70: {  	_ =	shalt  }
0x71: {  	_ =	shalt  }
0x72: {  	_ =	shalt  }
0x73: {  	_ =	shalt  }
0x74: {  	_ =	shalt  }
0x75: {  	_ =	shalt  }
0x76: {  	_ =	shalt  }
0x77: {  	_ =	shalt  }
0x78: {  	_ =	shalt  }
0x79: {  	_ =	shalt  }
0x7a: {  	_ =	shalt  }
0x7b: {  	_ =	shalt  }
0x7c: {  	_ =	shalt  }
0x7d: {  	_ =	shalt  }
0x7e: {  	_ =	shalt  }
0x7f: {  	_ =	shalt  }
0x80: {  	_ =	shalt  }
0x81: {  	_ =	shalt  }
0x82: {  	_ =	shalt  }
0x83: {  	_ =	shalt  }
0x84: {  	_ =	shalt  }
0x85: {  	_ =	shalt  }
0x86: {  	_ =	shalt  }
0x87: {  	_ =	shalt  }
.Lfunc_end0:
.L_simem_size_0:
called_computation_lowered:
.L_overlay_start_0:
0x88: {  	s2 =	sld [smem:$0x3FD9]  }
0x89: {  	s3 =	sld [smem:$0x3FFE];
	_ =	sdelay $0x1  }
0x8a: {  	s1 =	srdreg.scid  }
0x8b: {  	s0 =	sand.u32 $0x1, s1  }
0x8c: {  	s14 =	sshll.u32 s0, $0xA;
	s2 =	sadd.s32 s3, s2  }
0x8d: {  	s2 =	sadd.s32 s2, s14  }
0x8e: {  	[smem:$0x3FC4] =	sst s2  }
0x8f: {  	_ = 	snop  }
0x90: {  	s2 =	sld [smem:$0x3FD0];
	_ =	sdelay $0x2  }
0x91: {  	s4 =	simm.s32 $0xA;
	s5 =	simm.s32 $0x10;
	s15 =	sld [smem:$0x3FC8]  }
0x92: {  	[smem:s5], [sflag:s4] =	dma.local [hbm:s2], $0x1  }
0x93: {  	_ =	swait.eq [sflag:s4], $0x1  }
0x94: {  	[sflag:s4] =	ssyncset.done $0x0  }
0x95: {  	[sflag:s4] =	ssyncadd.s32 $0xFFFFFFFF  }
0x96: {  	s16 =	sld [smem:$0x11];
	(tm) =	ssettm $0x1  }
0x97: {  	s17 =	sld [smem:$0x3FFB];
	_ =	sdelay $0x3  }
0x98: {  	_ =	strace s17  }
0x99: {  	s4 =	sld [smem:$0x3FFC];
	_ =	sdelay $0x3  }
0x9a: {  	_ =	strace s4  }
0x9b: {  	s4 =	sld [smem:$0x3FFD];
	_ =	sdelay $0x3  }
0x9c: {  	_ =	strace s4  }
0x9d: {  	_ =	strace $0x8FFFFFFF  }
0x9e: {  	s18 =	sld [smem:$0x3FDB];
	_ =	sdelay $0x1  }
0x9f: {  	s19 =	simm.s32 $_scs_section_size  }
0xa0: {  	s6 =	simm.s32 $_size__tile_overlayer_lowered;
	s7 =	simm.s32 $_tile_overlayer_lowered  }
0xa1: {  	s22 =	simm.s32 $0x1BFF;
	s21 =	sshll.u32 s7, $0x1;
	s4 =	sadd.s32 s19, s18  }
0xa2: {  	s8 =	simm.s32 $0x0;
	s20 =	sshll.u32 s6, $0x1;
	s6 =	sadd.s32 s21, s4  }
0xa3: {  	[timem:s8], [sflag:s22] =	dma.local [hbm:s6], s20  }
0xa4: {  	_ =	swait.ge [sflag:s22], s20  }
0xa5: {  	s5 =	ssub.s32 $0x0, s20;
	[sflag:s22] =	ssyncset.done $0x0  }
0xa6: {  	[sflag:s22] =	ssyncadd.s32 s5;
	_ =	sdelay $0x1  }
0xa7: {  	s23 =	simm.s32 $0x1B8B  }
0xa8: {  	_ =	swait.ge [sflag:s23], $0x1  }
0xa9: {  	[sflag:s23] =	ssyncset.done $0x0  }
0xaa: {  	s25 =	simm.s32 $0x1B8E;
	s24 =	sld [smem:$0x3FFE];
	[sflag:s23] =	ssyncadd.s32 $0xFFFFFFFF  }
0xab: {  	s26 =	simm.s32 $execute0_lowered;
	[smem:$0x3FD2] =	sst s25  }
0xac: {  	s6 =	sshll.u32 s26, $0x1;
	_ =	strace $0x80000046;
	[dreg:$0x1] =	wrdreg $0xFFFFFFFF  }
0xad: {  	s28 =	simm.s32 $_size_execute0_lowered;
	s4 =	sadd.s32 s4, s6;
	[dreg:$0x0] =	wrdreg $0x0  }
0xae: {  	s6 =	sshll.u32 s28, $0x1;
	[dreg:$0x2] =	wrdreg s4  }
0xaf: {  	[dreg:$0x3] =	wrdreg s6  }
0xb0: {  	[dreg:$0x4] =	wrdreg $0xC0  }
0xb1: {  	_ =	task [dreg:s8], $0x5FFFF  }
0xb2: {  	[dreg:$0x1] =	wrdreg $0xFFFFFFFF  }
0xb3: {  	[dreg:$0x0] =	wrdreg $0x60  }
0xb4: {  	[dreg:$0x2] =	wrdreg s24  }
0xb5: {  	[dreg:$0x3] =	wrdreg s15  }
0xb6: {  	[dreg:$0x4] =	wrdreg s16  }
0xb7: {  	[dreg:$0x5] =	wrdreg $0x132000  }
0xb8: {  	[dreg:$0x6] =	wrdreg $0x9  }
0xb9: {  	_ =	task.clear_ibuf [dreg:s8], $0x7FFFF;
	_ =	strace $0x90000046  }
0xba: {  	s29 =	simm.s32 $0x9;
	_ =	strace $0x80000048  }
0xbb: {  	_ =	swait.ge [sflag:s29], $0x1  }
0xbc: {  	[sflag:s29] =	ssyncadd.s32 $0xFFFFFFFF  }
0xbd: {  	_ =	strace $0x90000048  }
0xbe: {  	_ =	sfence  }
0xbf: {  	s30 =	sld [smem:$0x0];
	_ =	sdelay $0x2  }
0xc0: {  	s31 =	sshll.u32 s1, $0xD;
	s1 =	sshrl.u32 s1, $0x2  }
0xc1: {  	s3 =	sand.u32 $0x4000, s31;
	s1 =	sadd.s32 s1, s30  }
0xc2: {  	s0 =	sor.u32 s3, s0;
	s1 =	sshll.u32 s1, $0x11  }
0xc3: {  	s0 =	sor.u32 s1, s0  }
0xc4: {  	s0 =	sadd.s32 $0x8F2B, s0  }
0xc5: {  	[sflag:s0] =	ssyncadd.remote.s32 $0x1  }
0xc6: {  	_ =	sfence.sel $0xFFFF  }
0xc7: {  	[dreg:$0x0] =	wrdreg $0xFFFFFFFF;
	(pc) =	sbr.abs _section_cstart, $3  }
0xc8: {  	[dreg:$0x1] =	wrdreg $0xFFFFFFFF  }
0xc9: {  	_ =	task.clear_ibuf [dreg:s8], $0x2FFFF;
	_ =	strace $0x9FFFFFFF  }
0xca: {  	(tm) =	ssettm $0x7FFFFFFF  }
0xcb: {  	_ =	shalt  }
tec
execute0_lowered:
.L_overlay_start_1:
0x0: {  	(tag) =	ssettag $0x1  }
0x1: {  	s0 =	rddreg [dreg:$0x0]  }
0x2: {  	s1 =	rddreg [dreg:$0x1]  }
0x3: {  	s3 =	srdreg.scid;
	s2 =	rddreg [dreg:$0x2]  }
0x4: {  	s11 =	stileid.u32;
	s4 =	simm.s32 $0x0;
	s18 =	simm.s32 $0x10000  }
0x5: {  	s19 =	simm.s32 $0x12200;
	s20 =	simm.s32 $0x2;
	s21 =	simm.s32 $0x80  }
0x6: {  	s28 =	simm.s32 $0x10180;
	s29 =	simm.s32 $0xE000;
	s30 =	simm.s32 $0x5  }
0x7: {  	s31 =	simm.s32 $0x1;
	s5 =	sand.u32 $0x1, s3;
	s3 =	rddreg [dreg:$0x3]  }
0x8: {  	s22 =	simm.s32 $0x6;
	s23 =	simm.s32 $0x0;
	[smem:$0x7FF] =	sst s4  }
0x9: {  	s8 =	sshll.u32 s11, $0xC;
	s25 =	sshll.u32 s11, $0xF;
	s6 =	sshll.u32 s5, $0x4  }
0xa: {  	_ =	strace $0x80000047;
	s10 =	ssub.s32 $0x2, s5;
	s15 =	sadd.s32 s8, s0  }
0xb: {  	s26 =	sshll.u32 s5, $0x10;
	s6 =	sor.u32 s11, s6;
	s24 =	sshrl.u32 s10, $0x1  }
0xc: {  	s7 =	sshll.u32 s6, $0xC;
	s9 =	sshll.u32 s6, $0xA;
	s17 =	ssub.s32 s10, s24  }
0xd: {  	s6 =	sshll.u32 s6, $0x6;
	s7 =	sadd.s32 s7, s0;
	s0 =	sadd.s32 s9, s0  }
0xe: {  	s1 =	sadd.s32 s1, s6;
	s17 =	smax.u32 s17, $0x1;
	s7 =	sadd.s32 $0x1000, s7  }
0xf: {  	[dreg:$0x6] =	wrdreg s1;
	s1 =	sadd.s32 s26, s15;
	s15 =	sadd.s32 $0x41000, s0  }
0x10: {  	s0 =	simm.s32 $0x3;
	[dreg:$0x5] =	wrdreg s7;
	s7 =	sadd.s32 s25, s3  }
0x11: {  	s16 =	sadd.s32 $0x21000, s1;
	s1 =	simm.s32 $0x4;
	s8 =	sadd.s32 $0x1000, s7  }
0x12: {  	s9 =	sadd.s32 $0x2000, s7;
	s10 =	sadd.s32 $0x3000, s7;
	s11 =	sadd.s32 $0x4000, s7  }
0x13: {  	v0 =	vimm.f32 $0.0e+00;
	s12 =	sadd.s32 $0x5000, s7;
	s13 =	sadd.s32 $0x6000, s7;
	s14 =	sadd.s32 $0x7000, s7  }
.LBB2_1:
0x14: {  	s5 =	rddreg [dreg:$0x5]  }
0x15: {  	[tilespmem:s4], [sflag:$0x1] =	stream.linear.gather [hbm4b:s5+s4], $0x8000, $0x38;
	[tilespmem:$0x1B200] =	vst v63  }
0x16: {  	s26 =	rddreg [dreg:$0x6];
	s6 =	simm.s32 $0x100;
	s5 =	simm.s32 $0x0  }
0x17: {  	[tilespmem:s18], [sflag:$0x2] =	stream.linear.gather [hbm4b:s26+s4], $0x200, $0x38;
	[tilespmem:$0x1B200] =	vst v63  }
.LBB2_2:
0x18: {  	p0 =	sne.s32 s6, $0x3F00;
	[tilespmem:s5+$0x12230] =	vst v0;
	s24 =	smov.u32 s6;
	s6 =	sadd.s32 $0x100, s6  }
.Ltmp0:
0x19: {  	[tilespmem:s5+$0x12220] =	vst v0;
	(pc) =	sbr.rel @p0 .LBB2_2-.Ltmp0, $3  }
0x1a: {  	[tilespmem:s5+$0x12200] =	vst v0  }
0x1b: {  	[tilespmem:s5+$0x12210] =	vst v0;
	_ =	sdelay $0x1  }
0x1c: {  	s5 =	sshra.s32 s24, $0x2  }
0x1d: {  	[tilespmem:s5+$0x12230] =	vst v0  }
0x1e: {  	[tilespmem:s5+$0x12220] =	vst v0  }
0x1f: {  	[tilespmem:s5+$0x12200] =	vst v0  }
0x20: {  	[tilespmem:s5+$0x12210] =	vst v0  }
0x21: {  	[spmem:s7] =	stream.linear.scatter [tilespmem:s19], [sflag:$0x5], $0x1000, $0x38;
	[tilespmem:$0x1B200] =	vst v63  }
0x22: {  	_ = 	snop  }
0x23: {  	[spmem:s8] =	stream.linear.scatter [tilespmem:s19], [sflag:$0x5], $0x1000, $0x38;
	[tilespmem:$0x1B200] =	vst v63  }
0x24: {  	_ = 	snop  }
0x25: {  	[spmem:s9] =	stream.linear.scatter [tilespmem:s19], [sflag:$0x5], $0x1000, $0x38;
	[tilespmem:$0x1B200] =	vst v63  }
0x26: {  	_ = 	snop  }
0x27: {  	[spmem:s10] =	stream.linear.scatter [tilespmem:s19], [sflag:$0x5], $0x1000, $0x38;
	[tilespmem:$0x1B200] =	vst v63  }
0x28: {  	_ = 	snop  }
0x29: {  	[spmem:s11] =	stream.linear.scatter [tilespmem:s19], [sflag:$0x5], $0x1000, $0x38;
	[tilespmem:$0x1B200] =	vst v63  }
0x2a: {  	_ = 	snop  }
0x2b: {  	[spmem:s12] =	stream.linear.scatter [tilespmem:s19], [sflag:$0x5], $0x1000, $0x38;
	[tilespmem:$0x1B200] =	vst v63  }
0x2c: {  	_ = 	snop  }
0x2d: {  	[spmem:s13] =	stream.linear.scatter [tilespmem:s19], [sflag:$0x5], $0x1000, $0x38;
	[tilespmem:$0x1B200] =	vst v63  }
0x2e: {  	_ = 	snop  }
0x2f: {  	[spmem:s14] =	stream.linear.scatter [tilespmem:s19], [sflag:$0x5], $0x1000, $0x38;
	[tilespmem:$0x1B200] =	vst v63  }
0x30: {  	_ =	swait.ge [sflag:s20], $0x200  }
0x31: {  	[sflag:s20] =	ssyncset.done $0x0  }
0x32: {  	[sflag:s20] =	ssyncadd.s32 $0xFFFFFE00  }
0x33: {  	v1 =	vld [tilespmem:$0x10000]  }
0x34: {  	v2 =	vld [tilespmem:$0x10010]  }
0x35: {  	v3 =	vld [tilespmem:$0x10020]  }
0x36: {  	v4 =	vld [tilespmem:$0x10030]  }
0x37: {  	v5 =	vld [tilespmem:$0x10040]  }
0x38: {  	v6 =	vld [tilespmem:$0x10050];
	v1 =	vadd.s32 $0xFFFFFFFF, v1  }
0x39: {  	[tilespmem:$0x10000] =	vst v1;
	v1 =	vadd.s32 $0xFFFFFFFF, v2;
	v2 =	vld [tilespmem:$0x10060]  }
0x3a: {  	[tilespmem:$0x10010] =	vst v1;
	v1 =	vadd.s32 $0xFFFFFFFF, v3;
	v3 =	vld [tilespmem:$0x10070]  }
0x3b: {  	[tilespmem:$0x10020] =	vst v1;
	v1 =	vadd.s32 $0xFFFFFFFF, v4;
	v4 =	vld [tilespmem:$0x10080]  }
0x3c: {  	[tilespmem:$0x10030] =	vst v1;
	v1 =	vadd.s32 $0xFFFFFFFF, v5;
	v5 =	vld [tilespmem:$0x10090]  }
0x3d: {  	[tilespmem:$0x10040] =	vst v1;
	v1 =	vadd.s32 $0xFFFFFFFF, v6;
	v6 =	vld [tilespmem:$0x100A0]  }
0x3e: {  	[tilespmem:$0x10050] =	vst v1;
	v1 =	vadd.s32 $0xFFFFFFFF, v2;
	v2 =	vld [tilespmem:$0x100B0]  }
0x3f: {  	[tilespmem:$0x10060] =	vst v1;
	v1 =	vadd.s32 $0xFFFFFFFF, v3;
	v3 =	vld [tilespmem:$0x100C0]  }
0x40: {  	[tilespmem:$0x10070] =	vst v1;
	v1 =	vadd.s32 $0xFFFFFFFF, v4;
	v4 =	vld [tilespmem:$0x100D0]  }
0x41: {  	[tilespmem:$0x10080] =	vst v1;
	v1 =	vadd.s32 $0xFFFFFFFF, v5;
	v5 =	vld [tilespmem:$0x100E0]  }
0x42: {  	[tilespmem:$0x10090] =	vst v1;
	v1 =	vadd.s32 $0xFFFFFFFF, v6;
	v6 =	vld [tilespmem:$0x100F0]  }
0x43: {  	[tilespmem:$0x100A0] =	vst v1;
	v1 =	vadd.s32 $0xFFFFFFFF, v2;
	v2 =	vld [tilespmem:$0x10100]  }
0x44: {  	[tilespmem:$0x100B0] =	vst v1;
	v1 =	vadd.s32 $0xFFFFFFFF, v3;
	v3 =	vld [tilespmem:$0x10110]  }
0x45: {  	[tilespmem:$0x100C0] =	vst v1;
	v1 =	vadd.s32 $0xFFFFFFFF, v4;
	v4 =	vld [tilespmem:$0x10120]  }
0x46: {  	[tilespmem:$0x100D0] =	vst v1;
	v1 =	vadd.s32 $0xFFFFFFFF, v5;
	v5 =	vld [tilespmem:$0x10130]  }
0x47: {  	[tilespmem:$0x100E0] =	vst v1;
	v1 =	vadd.s32 $0xFFFFFFFF, v6;
	v6 =	vld [tilespmem:$0x10140]  }
0x48: {  	[tilespmem:$0x100F0] =	vst v1;
	v1 =	vadd.s32 $0xFFFFFFFF, v2;
	v2 =	vld [tilespmem:$0x10150]  }
0x49: {  	[tilespmem:$0x10100] =	vst v1;
	v1 =	vadd.s32 $0xFFFFFFFF, v3;
	v3 =	vld [tilespmem:$0x10160]  }
0x4a: {  	[tilespmem:$0x10110] =	vst v1;
	v1 =	vadd.s32 $0xFFFFFFFF, v4;
	v4 =	vld [tilespmem:$0x10170]  }
0x4b: {  	[tilespmem:$0x10120] =	vst v1;
	v1 =	vadd.s32 $0xFFFFFFFF, v5;
	v5 =	vld [tilespmem:$0x10180]  }
0x4c: {  	[tilespmem:$0x10130] =	vst v1;
	v1 =	vadd.s32 $0xFFFFFFFF, v6;
	v6 =	vld [tilespmem:$0x10190]  }
0x4d: {  	[tilespmem:$0x10140] =	vst v1;
	v1 =	vadd.s32 $0xFFFFFFFF, v2;
	v2 =	vld [tilespmem:$0x101A0]  }
0x4e: {  	[tilespmem:$0x10150] =	vst v1;
	v1 =	vadd.s32 $0xFFFFFFFF, v3;
	v3 =	vld [tilespmem:$0x101B0]  }
0x4f: {  	[tilespmem:$0x10160] =	vst v1;
	v1 =	vadd.s32 $0xFFFFFFFF, v4;
	v4 =	vld [tilespmem:$0x101C0]  }
0x50: {  	[tilespmem:$0x10170] =	vst v1;
	v1 =	vadd.s32 $0xFFFFFFFF, v5;
	v5 =	vld [tilespmem:$0x101D0]  }
0x51: {  	[tilespmem:$0x10180] =	vst v1;
	v1 =	vadd.s32 $0xFFFFFFFF, v6;
	v6 =	vld [tilespmem:$0x101E0]  }
0x52: {  	[tilespmem:$0x10190] =	vst v1;
	v1 =	vadd.s32 $0xFFFFFFFF, v2;
	v2 =	vld [tilespmem:$0x101F0]  }
0x53: {  	[tilespmem:$0x101A0] =	vst v1;
	v1 =	vadd.s32 $0xFFFFFFFF, v3  }
0x54: {  	[tilespmem:$0x101B0] =	vst v1;
	v1 =	vadd.s32 $0xFFFFFFFF, v4  }
0x55: {  	[tilespmem:$0x101C0] =	vst v1;
	v1 =	vadd.s32 $0xFFFFFFFF, v5  }
0x56: {  	[tilespmem:$0x101D0] =	vst v1;
	v1 =	vadd.s32 $0xFFFFFFFF, v6  }
0x57: {  	[tilespmem:$0x101E0] =	vst v1;
	v1 =	vadd.s32 $0xFFFFFFFF, v2  }
0x58: {  	s6 =	simm.s32 $0x8000;
	[tilespmem:$0x101F0] =	vst v1  }
0x59: {  	[tilespmem:s6], [sflag:$0x3] =	stream.indirect.gather [hbm4b:s2+s21], $0x40, s18, s21, $0xb8;
	[tilespmem:$0x1B200] =	vst v63  }
0x5a: {  	s24 =	simm.s32 $0x10080;
	s6 =	simm.s32 $0xA000  }
0x5b: {  	[tilespmem:s6], [sflag:$0x3] =	stream.indirect.gather [hbm4b:s2+s21], $0x40, s24, s21, $0xb8;
	[tilespmem:$0x1B200] =	vst v63  }
0x5c: {  	s25 =	simm.s32 $0x10100;
	s26 =	simm.s32 $0xC000  }
0x5d: {  	[tilespmem:s26], [sflag:$0x3] =	stream.indirect.gather [hbm4b:s2+s21], $0x40, s25, s21, $0xb8;
	[tilespmem:$0x1B200] =	vst v63  }
0x5e: {  	_ = 	snop  }
0x5f: {  	[tilespmem:s29], [sflag:$0x3] =	stream.indirect.gather [hbm4b:s2+s21], $0x40, s28, s21, $0xb8;
	[tilespmem:$0x1B200] =	vst v63  }
0x60: {  	_ =	swait.ge [sflag:s30], $0x1000  }
0x61: {  	[sflag:s30] =	ssyncset.done $0x0  }
0x62: {  	[sflag:s30] =	ssyncadd.s32 $0xFFFFF000  }
0x63: {  	_ =	swait.ge [sflag:s30], $0x1000  }
0x64: {  	[sflag:s30] =	ssyncset.done $0x0  }
0x65: {  	[sflag:s30] =	ssyncadd.s32 $0xFFFFF000  }
0x66: {  	_ =	swait.ge [sflag:s30], $0x1000  }
0x67: {  	[sflag:s30] =	ssyncset.done $0x0  }
0x68: {  	[sflag:s30] =	ssyncadd.s32 $0xFFFFF000  }
0x69: {  	_ =	swait.ge [sflag:s30], $0x1000  }
0x6a: {  	[sflag:s30] =	ssyncset.done $0x0  }
0x6b: {  	[sflag:s30] =	ssyncadd.s32 $0xFFFFF000  }
0x6c: {  	_ =	swait.ge [sflag:s30], $0x1000  }
0x6d: {  	[sflag:s30] =	ssyncset.done $0x0  }
0x6e: {  	[sflag:s30] =	ssyncadd.s32 $0xFFFFF000  }
0x6f: {  	_ =	swait.ge [sflag:s30], $0x1000  }
0x70: {  	[sflag:s30] =	ssyncset.done $0x0  }
0x71: {  	[sflag:s30] =	ssyncadd.s32 $0xFFFFF000  }
0x72: {  	_ =	swait.ge [sflag:s30], $0x1000  }
0x73: {  	[sflag:s30] =	ssyncset.done $0x0  }
0x74: {  	[sflag:s30] =	ssyncadd.s32 $0xFFFFF000  }
0x75: {  	_ =	swait.ge [sflag:s30], $0x1000  }
0x76: {  	[sflag:s30] =	ssyncset.done $0x0  }
0x77: {  	[sflag:s30] =	ssyncadd.s32 $0xFFFFF000  }
0x78: {  	[bflag:$0x0] =	sbarrier.arrive $0xFFFF  }
0x79: {  	_ =	swait.ge [sflag:s31], $0x8000  }
0x7a: {  	[sflag:s31] =	ssyncset.done $0x0  }
0x7b: {  	[sflag:s31] =	ssyncadd.s32 $0xFFFF8000  }
0x7c: {  	_ =	swait.ge [sflag:s0], $0x2000  }
0x7d: {  	[sflag:s0] =	ssyncset.done $0x0  }
0x7e: {  	s24 =	simm.s32 $0x0;
	[sflag:s0] =	ssyncadd.s32 $0xFFFFE000  }
0x7f: {  	v1 =	vld [tilespmem:s24+$0x8000]  }
0x80: {  	v2 =	vld [tilespmem:s24+$0x8010]  }
0x81: {  	v3 =	vld [tilespmem:s24+$0x0]  }
0x82: {  	v4 =	vld [tilespmem:s24+$0x10]  }
0x83: {  	v5 =	vld [tilespmem:s24+$0x8020]  }
0x84: {  	v6 =	vld [tilespmem:s24+$0x20]  }
0x85: {  	v7 =	vld [tilespmem:s24+$0x8030]  }
0x86: {  	v8 =	vld [tilespmem:s24+$0x30]  }
0x87: {  	v1 =	vsub.f32 v3, v1;
	v2 =	vsub.f32 v4, v2;
	_ =	sdelay $0x1  }
0x88: {  	v5 =	vsub.f32 v6, v5;
	v3 =	vmul.f32 v1, v1;
	v4 =	vmul.f32 v2, v2;
	_ =	sdelay $0x1  }
0x89: {  	v6 =	vsub.f32 v8, v7;
	v3 =	vadd.f32 v4, v3;
	v4 =	vmul.f32 v5, v5;
	_ =	sdelay $0x1  }
0x8a: {  	[tilespmem:s24+$0x8020] =	vst v5;
	v3 =	vadd.f32 v4, v3;
	v4 =	vmul.f32 v6, v6  }
0x8b: {  	[tilespmem:s24+$0x8030] =	vst v6  }
0x8c: {  	[tilespmem:s24+$0x8010] =	vst v2;
	v2 =	vadd.f32 v4, v3  }
0x8d: {  	s5 =	simm.s32 $0x10220;
	[tilespmem:s24+$0x8000] =	vst v1  }
0x8e: {  	[tilespmem:s5+$0xFFFFFFE0] =	vst v2  }
0x8f: {  	v1 =	vld [tilespmem:s24+$0x40]  }
0x90: {  	v2 =	vld [tilespmem:s24+$0x8040];
	_ =	sdelay $0x1  }
0x91: {  	v3 =	vld [tilespmem:s24+$0x8050]  }
0x92: {  	v4 =	vld [tilespmem:s24+$0x50]  }
0x93: {  	v5 =	vld [tilespmem:s24+$0x8060]  }
0x94: {  	v1 =	vsub.f32 v1, v2;
	v2 =	vld [tilespmem:s24+$0x60]  }
0x95: {  	v6 =	vld [tilespmem:s24+$0x8070]  }
0x96: {  	v7 =	vld [tilespmem:s24+$0x70]  }
0x97: {  	v3 =	vsub.f32 v4, v3;
	_ =	sdelay $0x1  }
0x98: {  	[tilespmem:s24+$0x8040] =	vst v1;
	v1 =	vmul.f32 v1, v1;
	v4 =	vmul.f32 v3, v3;
	v2 =	vsub.f32 v2, v5;
	_ =	sdelay $0x1  }
0x99: {  	v1 =	vadd.f32 v4, v1;
	v5 =	vsub.f32 v7, v6;
	v4 =	vmul.f32 v2, v2;
	_ =	sdelay $0x1  }
0x9a: {  	v1 =	vadd.f32 v4, v1;
	v4 =	vmul.f32 v5, v5  }
0x9b: {  	[tilespmem:s24+$0x8050] =	vst v3  }
0x9c: {  	[tilespmem:s24+$0x8070] =	vst v5;
	v1 =	vadd.f32 v4, v1  }
0x9d: {  	[tilespmem:s24+$0x8060] =	vst v2  }
0x9e: {  	[tilespmem:s5+$0xFFFFFFF0] =	vst v1  }
0x9f: {  	v1 =	vld [tilespmem:s24+$0x80]  }
0xa0: {  	v2 =	vld [tilespmem:s24+$0x8080]  }
0xa1: {  	v3 =	vld [tilespmem:s24+$0x8090]  }
0xa2: {  	v4 =	vld [tilespmem:s24+$0x90]  }
0xa3: {  	v5 =	vld [tilespmem:s24+$0xA0]  }
0xa4: {  	v6 =	vld [tilespmem:s24+$0x80A0]  }
0xa5: {  	v7 =	vld [tilespmem:s24+$0xB0]  }
0xa6: {  	v63 =	vld [tilespmem:s24+$0x80B0]  }
0xa7: {  	v1 =	vsub.f32 v1, v2;
	v2 =	vsub.f32 v4, v3;
	_ =	sdelay $0x1  }
0xa8: {  	v5 =	vsub.f32 v5, v6;
	v3 =	vmul.f32 v1, v1;
	v4 =	vmul.f32 v2, v2;
	_ =	sdelay $0x1  }
0xa9: {  	v6 =	vsub.f32 v7, v63;
	v3 =	vadd.f32 v4, v3;
	v4 =	vmul.f32 v5, v5;
	_ =	sdelay $0x1  }
0xaa: {  	[tilespmem:s24+$0x8080] =	vst v1;
	v1 =	vadd.f32 v4, v3;
	v3 =	vmul.f32 v6, v6  }
0xab: {  	[tilespmem:s24+$0x8090] =	vst v2  }
0xac: {  	[tilespmem:s24+$0x80A0] =	vst v5;
	v1 =	vadd.f32 v3, v1  }
0xad: {  	[tilespmem:s24+$0x80B0] =	vst v6  }
0xae: {  	[tilespmem:s5+$0x0] =	vst v1  }
0xaf: {  	v3 =	vld [tilespmem:s24+$0xC0]  }
0xb0: {  	v5 =	vld [tilespmem:s24+$0x80C0]  }
0xb1: {  	v2 =	vld [tilespmem:s24+$0xD0]  }
0xb2: {  	v4 =	vld [tilespmem:s24+$0x80D0]  }
0xb3: {  	s6 =	simm.s32 $0x400;
	s25 =	simm.s32 $0x10220;
	v1 =	vld [tilespmem:s24+$0xE0]  }
.LBB2_4:
0xb4: {  	p0 =	sne.s32 s6, $0x7C00  }
0xb5: {  	v6 =	vld [tilespmem:s24+$0x80E0];
	s5 =	sadd.s32 $0x40, s5;
	s26 =	smov.u32 s6;
	s6 =	sadd.s32 $0x400, s6  }
0xb6: {  	v3 =	vsub.f32 v3, v5;
	v5 =	vld [tilespmem:s24+$0xF0]  }
0xb7: {  	v7 =	vld [tilespmem:s24+$0x80F0]  }
0xb8: {  	[tilespmem:s24+$0x80C0] =	vst v3;
	v2 =	vsub.f32 v2, v4;
	_ =	sdelay $0x1  }
0xb9: {  	v3 =	vmul.f32 v3, v3;
	[tilespmem:s24+$0x80D0] =	vst v2;
	v2 =	vmul.f32 v2, v2;
	v1 =	vsub.f32 v1, v6;
	_ =	sdelay $0x1  }
0xba: {  	v2 =	vadd.f32 v2, v3;
	[tilespmem:s24+$0x80E0] =	vst v1;
	v1 =	vmul.f32 v1, v1;
	v3 =	vsub.f32 v5, v7;
	_ =	sdelay $0x1  }
0xbb: {  	v1 =	vadd.f32 v1, v2;
	[tilespmem:s24+$0x80F0] =	vst v3;
	v2 =	vmul.f32 v3, v3;
	_ =	sdelay $0x1  }
0xbc: {  	v1 =	vadd.f32 v2, v1;
	_ =	sdelay $0x1  }
0xbd: {  	s24 =	sshra.s32 s26, $0x2;
	[tilespmem:s25+$0x10] =	vst v1;
	s25 =	smov.u32 s5  }
0xbe: {  	v1 =	vld [tilespmem:s24+$0x8000]  }
0xbf: {  	v2 =	vld [tilespmem:s24+$0x8010]  }
0xc0: {  	v3 =	vld [tilespmem:s24+$0x0]  }
0xc1: {  	v4 =	vld [tilespmem:s24+$0x10]  }
0xc2: {  	v5 =	vld [tilespmem:s24+$0x8020]  }
0xc3: {  	v6 =	vld [tilespmem:s24+$0x20]  }
0xc4: {  	v7 =	vld [tilespmem:s24+$0x8030]  }
0xc5: {  	v8 =	vld [tilespmem:s24+$0x30]  }
0xc6: {  	v1 =	vsub.f32 v3, v1;
	v2 =	vsub.f32 v4, v2;
	_ =	sdelay $0x1  }
0xc7: {  	v3 =	vmul.f32 v1, v1;
	v4 =	vmul.f32 v2, v2;
	v5 =	vsub.f32 v6, v5;
	_ =	sdelay $0x1  }
0xc8: {  	v3 =	vadd.f32 v4, v3;
	[tilespmem:s24+$0x8020] =	vst v5;
	v4 =	vmul.f32 v5, v5;
	v5 =	vsub.f32 v8, v7;
	_ =	sdelay $0x1  }
0xc9: {  	v3 =	vadd.f32 v4, v3;
	[tilespmem:s24+$0x8030] =	vst v5;
	v4 =	vmul.f32 v5, v5;
	_ =	sdelay $0x1  }
0xca: {  	[tilespmem:s24+$0x8010] =	vst v2;
	v2 =	vadd.f32 v4, v3  }
0xcb: {  	[tilespmem:s24+$0x8000] =	vst v1  }
0xcc: {  	[tilespmem:s5+$0xFFFFFFE0] =	vst v2  }
0xcd: {  	v1 =	vld [tilespmem:s24+$0x40]  }
0xce: {  	v2 =	vld [tilespmem:s24+$0x8040];
	_ =	sdelay $0x1  }
0xcf: {  	v3 =	vld [tilespmem:s24+$0x8050]  }
0xd0: {  	v4 =	vld [tilespmem:s24+$0x50]  }
0xd1: {  	v5 =	vld [tilespmem:s24+$0x8060]  }
0xd2: {  	v1 =	vsub.f32 v1, v2;
	v2 =	vld [tilespmem:s24+$0x60]  }
0xd3: {  	v6 =	vld [tilespmem:s24+$0x8070]  }
0xd4: {  	[tilespmem:s24+$0x8040] =	vst v1;
	v7 =	vld [tilespmem:s24+$0x70]  }
0xd5: {  	v3 =	vsub.f32 v4, v3;
	_ =	sdelay $0x1  }
0xd6: {  	v1 =	vmul.f32 v1, v1;
	[tilespmem:s24+$0x8050] =	vst v3;
	v3 =	vmul.f32 v3, v3;
	v2 =	vsub.f32 v2, v5;
	_ =	sdelay $0x1  }
0xd7: {  	v1 =	vadd.f32 v3, v1;
	v3 =	vmul.f32 v2, v2;
	v4 =	vsub.f32 v7, v6;
	_ =	sdelay $0x1  }
0xd8: {  	v1 =	vadd.f32 v3, v1;
	[tilespmem:s24+$0x8070] =	vst v4;
	v3 =	vmul.f32 v4, v4;
	_ =	sdelay $0x1  }
0xd9: {  	v1 =	vadd.f32 v3, v1  }
0xda: {  	[tilespmem:s24+$0x8060] =	vst v2  }
0xdb: {  	[tilespmem:s5+$0xFFFFFFF0] =	vst v1  }
0xdc: {  	v1 =	vld [tilespmem:s24+$0x80]  }
0xdd: {  	v2 =	vld [tilespmem:s24+$0x8080]  }
0xde: {  	v3 =	vld [tilespmem:s24+$0x8090]  }
0xdf: {  	v4 =	vld [tilespmem:s24+$0x90]  }
0xe0: {  	v5 =	vld [tilespmem:s24+$0xA0]  }
0xe1: {  	v6 =	vld [tilespmem:s24+$0x80A0]  }
0xe2: {  	v1 =	vsub.f32 v1, v2;
	v2 =	vld [tilespmem:s24+$0xB0]  }
0xe3: {  	v7 =	vld [tilespmem:s24+$0x80B0]  }
0xe4: {  	[tilespmem:s24+$0x8080] =	vst v1;
	v3 =	vsub.f32 v4, v3;
	_ =	sdelay $0x1  }
0xe5: {  	v1 =	vmul.f32 v1, v1;
	[tilespmem:s24+$0x8090] =	vst v3;
	v3 =	vmul.f32 v3, v3;
	v4 =	vsub.f32 v5, v6;
	_ =	sdelay $0x1  }
0xe6: {  	v1 =	vadd.f32 v3, v1;
	[tilespmem:s24+$0x80A0] =	vst v4;
	v3 =	vmul.f32 v4, v4;
	v2 =	vsub.f32 v2, v7;
	_ =	sdelay $0x1  }
0xe7: {  	v1 =	vadd.f32 v3, v1;
	[tilespmem:s24+$0x80B0] =	vst v2;
	v2 =	vmul.f32 v2, v2;
	_ =	sdelay $0x1  }
0xe8: {  	v1 =	vadd.f32 v2, v1;
	_ =	sdelay $0x1  }
0xe9: {  	[tilespmem:s5+$0x0] =	vst v1  }
.Ltmp1:
0xea: {  	v3 =	vld [tilespmem:s24+$0xC0];
	(pc) =	sbr.rel @p0 .LBB2_4-.Ltmp1, $4  }
0xeb: {  	v5 =	vld [tilespmem:s24+$0x80C0]  }
0xec: {  	v2 =	vld [tilespmem:s24+$0xD0]  }
0xed: {  	v4 =	vld [tilespmem:s24+$0x80D0]  }
0xee: {  	v1 =	vld [tilespmem:s24+$0xE0]  }
0xef: {  	v6 =	vld [tilespmem:s24+$0x80E0]  }
0xf0: {  	v7 =	vld [tilespmem:s24+$0xF0]  }
0xf1: {  	v8 =	vld [tilespmem:s24+$0x80F0]  }
0xf2: {  	v3 =	vsub.f32 v3, v5;
	v2 =	vsub.f32 v2, v4;
	_ =	sdelay $0x1  }
0xf3: {  	v4 =	vmul.f32 v3, v3;
	v5 =	vmul.f32 v2, v2;
	v1 =	vsub.f32 v1, v6;
	_ =	sdelay $0x1  }
0xf4: {  	v6 =	vsub.f32 v7, v8;
	v4 =	vadd.f32 v5, v4;
	v5 =	vmul.f32 v1, v1;
	_ =	sdelay $0x1  }
0xf5: {  	[tilespmem:s24+$0x80C0] =	vst v3;
	v3 =	vadd.f32 v5, v4;
	v4 =	vmul.f32 v6, v6  }
0xf6: {  	[tilespmem:s24+$0x80D0] =	vst v2  }
0xf7: {  	[tilespmem:s24+$0x80E0] =	vst v1;
	v1 =	vadd.f32 v4, v3  }
0xf8: {  	[tilespmem:s24+$0x80F0] =	vst v6  }
0xf9: {  	s5 =	simm.s32 $0x8000;
	[tilespmem:s25+$0x10] =	vst v1  }
0xfa: {  	[spmem:s3] =	stream.indirect.scatter.add.f32 [tilespmem:s5], [sflag:$0x4], $0x40, s18, s21, $0xb8;
	[tilespmem:$0x1B200] =	vst v63  }
0xfb: {  	_ =	swait.ge [sflag:s0], $0x2000  }
0xfc: {  	[sflag:s0] =	ssyncset.done $0x0  }
0xfd: {  	s24 =	simm.s32 $0x0;
	[sflag:s0] =	ssyncadd.s32 $0xFFFFE000  }
0xfe: {  	v1 =	vld [tilespmem:s24+$0xA000]  }
0xff: {  	v2 =	vld [tilespmem:s24+$0xA010]  }
0x100: {  	v3 =	vld [tilespmem:s24+$0x2000]  }
0x101: {  	v4 =	vld [tilespmem:s24+$0x2010]  }
0x102: {  	v5 =	vld [tilespmem:s24+$0xA020]  }
0x103: {  	v6 =	vld [tilespmem:s24+$0x2020]  }
0x104: {  	v7 =	vld [tilespmem:s24+$0xA030]  }
0x105: {  	v62 =	vld [tilespmem:s24+$0x2030]  }
0x106: {  	v1 =	vsub.f32 v3, v1;
	v2 =	vsub.f32 v4, v2;
	_ =	sdelay $0x1  }
0x107: {  	v5 =	vsub.f32 v6, v5;
	v3 =	vmul.f32 v1, v1;
	v4 =	vmul.f32 v2, v2;
	_ =	sdelay $0x1  }
0x108: {  	v6 =	vsub.f32 v62, v7;
	v3 =	vadd.f32 v4, v3;
	v4 =	vmul.f32 v5, v5;
	_ =	sdelay $0x1  }
0x109: {  	[tilespmem:s24+$0xA020] =	vst v5;
	v3 =	vadd.f32 v4, v3;
	v4 =	vmul.f32 v6, v6  }
0x10a: {  	[tilespmem:s24+$0xA030] =	vst v6  }
0x10b: {  	[tilespmem:s24+$0xA010] =	vst v2;
	v2 =	vadd.f32 v4, v3  }
0x10c: {  	s5 =	simm.s32 $0x10A30;
	[tilespmem:s24+$0xA000] =	vst v1  }
0x10d: {  	[tilespmem:s5+$0xFFFFFFD0] =	vst v2  }
0x10e: {  	v1 =	vld [tilespmem:s24+$0x2040]  }
0x10f: {  	v2 =	vld [tilespmem:s24+$0xA040];
	_ =	sdelay $0x1  }
0x110: {  	v3 =	vld [tilespmem:s24+$0xA050]  }
0x111: {  	v4 =	vld [tilespmem:s24+$0x2050]  }
0x112: {  	v5 =	vld [tilespmem:s24+$0xA060]  }
0x113: {  	v1 =	vsub.f32 v1, v2;
	v2 =	vld [tilespmem:s24+$0x2060]  }
0x114: {  	v6 =	vld [tilespmem:s24+$0xA070]  }
0x115: {  	v7 =	vld [tilespmem:s24+$0x2070]  }
0x116: {  	v3 =	vsub.f32 v4, v3;
	_ =	sdelay $0x1  }
0x117: {  	[tilespmem:s24+$0xA040] =	vst v1;
	v1 =	vmul.f32 v1, v1;
	v4 =	vmul.f32 v3, v3;
	v2 =	vsub.f32 v2, v5;
	_ =	sdelay $0x1  }
0x118: {  	v1 =	vadd.f32 v4, v1;
	v5 =	vsub.f32 v7, v6;
	v4 =	vmul.f32 v2, v2;
	_ =	sdelay $0x1  }
0x119: {  	v1 =	vadd.f32 v4, v1;
	v4 =	vmul.f32 v5, v5  }
0x11a: {  	[tilespmem:s24+$0xA050] =	vst v3  }
0x11b: {  	[tilespmem:s24+$0xA070] =	vst v5;
	v1 =	vadd.f32 v4, v1  }
0x11c: {  	[tilespmem:s24+$0xA060] =	vst v2  }
0x11d: {  	[tilespmem:s5+$0xFFFFFFE0] =	vst v1  }
0x11e: {  	v1 =	vld [tilespmem:s24+$0x2080]  }
0x11f: {  	v2 =	vld [tilespmem:s24+$0xA080]  }
0x120: {  	v3 =	vld [tilespmem:s24+$0xA090]  }
0x121: {  	v4 =	vld [tilespmem:s24+$0x2090]  }
0x122: {  	v5 =	vld [tilespmem:s24+$0x20A0]  }
0x123: {  	v6 =	vld [tilespmem:s24+$0xA0A0]  }
0x124: {  	v7 =	vld [tilespmem:s24+$0x20B0]  }
0x125: {  	v63 =	vld [tilespmem:s24+$0xA0B0]  }
0x126: {  	v1 =	vsub.f32 v1, v2;
	v2 =	vsub.f32 v4, v3;
	_ =	sdelay $0x1  }
0x127: {  	v5 =	vsub.f32 v5, v6;
	v3 =	vmul.f32 v1, v1;
	v4 =	vmul.f32 v2, v2;
	_ =	sdelay $0x1  }
0x128: {  	v6 =	vsub.f32 v7, v63;
	v3 =	vadd.f32 v4, v3;
	v4 =	vmul.f32 v5, v5;
	_ =	sdelay $0x1  }
0x129: {  	[tilespmem:s24+$0xA080] =	vst v1;
	v1 =	vadd.f32 v4, v3;
	v3 =	vmul.f32 v6, v6  }
0x12a: {  	[tilespmem:s24+$0xA090] =	vst v2  }
0x12b: {  	[tilespmem:s24+$0xA0A0] =	vst v5;
	v1 =	vadd.f32 v3, v1  }
0x12c: {  	[tilespmem:s24+$0xA0B0] =	vst v6  }
0x12d: {  	[tilespmem:s5+$0xFFFFFFF0] =	vst v1  }
0x12e: {  	v3 =	vld [tilespmem:s24+$0x20C0]  }
0x12f: {  	v5 =	vld [tilespmem:s24+$0xA0C0]  }
0x130: {  	v2 =	vld [tilespmem:s24+$0x20D0]  }
0x131: {  	v4 =	vld [tilespmem:s24+$0xA0D0]  }
0x132: {  	s6 =	simm.s32 $0x400;
	s25 =	simm.s32 $0x10A30;
	v1 =	vld [tilespmem:s24+$0x20E0]  }
.LBB2_6:
0x133: {  	p0 =	sne.s32 s6, $0x7C00  }
0x134: {  	v6 =	vld [tilespmem:s24+$0xA0E0];
	s5 =	sadd.s32 $0x40, s5;
	s26 =	smov.u32 s6;
	s6 =	sadd.s32 $0x400, s6  }
0x135: {  	v3 =	vsub.f32 v3, v5;
	v5 =	vld [tilespmem:s24+$0x20F0]  }
0x136: {  	v7 =	vld [tilespmem:s24+$0xA0F0]  }
0x137: {  	[tilespmem:s24+$0xA0C0] =	vst v3;
	v2 =	vsub.f32 v2, v4;
	_ =	sdelay $0x1  }
0x138: {  	v3 =	vmul.f32 v3, v3;
	[tilespmem:s24+$0xA0D0] =	vst v2;
	v2 =	vmul.f32 v2, v2;
	v1 =	vsub.f32 v1, v6;
	_ =	sdelay $0x1  }
0x139: {  	v2 =	vadd.f32 v2, v3;
	[tilespmem:s24+$0xA0E0] =	vst v1;
	v1 =	vmul.f32 v1, v1;
	v3 =	vsub.f32 v5, v7;
	_ =	sdelay $0x1  }
0x13a: {  	v1 =	vadd.f32 v1, v2;
	[tilespmem:s24+$0xA0F0] =	vst v3;
	v2 =	vmul.f32 v3, v3;
	_ =	sdelay $0x1  }
0x13b: {  	v1 =	vadd.f32 v2, v1;
	_ =	sdelay $0x1  }
0x13c: {  	s24 =	sshra.s32 s26, $0x2;
	[tilespmem:s25+$0x0] =	vst v1;
	s25 =	smov.u32 s5  }
0x13d: {  	v1 =	vld [tilespmem:s24+$0xA000]  }
0x13e: {  	v2 =	vld [tilespmem:s24+$0xA010]  }
0x13f: {  	v3 =	vld [tilespmem:s24+$0x2000]  }
0x140: {  	v4 =	vld [tilespmem:s24+$0x2010]  }
0x141: {  	v5 =	vld [tilespmem:s24+$0xA020]  }
0x142: {  	v6 =	vld [tilespmem:s24+$0x2020]  }
0x143: {  	v7 =	vld [tilespmem:s24+$0xA030]  }
0x144: {  	v8 =	vld [tilespmem:s24+$0x2030]  }
0x145: {  	v1 =	vsub.f32 v3, v1;
	v2 =	vsub.f32 v4, v2;
	_ =	sdelay $0x1  }
0x146: {  	v3 =	vmul.f32 v1, v1;
	v4 =	vmul.f32 v2, v2;
	v5 =	vsub.f32 v6, v5;
	_ =	sdelay $0x1  }
0x147: {  	v3 =	vadd.f32 v4, v3;
	[tilespmem:s24+$0xA020] =	vst v5;
	v4 =	vmul.f32 v5, v5;
	v5 =	vsub.f32 v8, v7;
	_ =	sdelay $0x1  }
0x148: {  	v3 =	vadd.f32 v4, v3;
	[tilespmem:s24+$0xA030] =	vst v5;
	v4 =	vmul.f32 v5, v5;
	_ =	sdelay $0x1  }
0x149: {  	[tilespmem:s24+$0xA010] =	vst v2;
	v2 =	vadd.f32 v4, v3  }
0x14a: {  	[tilespmem:s24+$0xA000] =	vst v1  }
0x14b: {  	[tilespmem:s5+$0xFFFFFFD0] =	vst v2  }
0x14c: {  	v1 =	vld [tilespmem:s24+$0x2040]  }
0x14d: {  	v2 =	vld [tilespmem:s24+$0xA040];
	_ =	sdelay $0x1  }
0x14e: {  	v3 =	vld [tilespmem:s24+$0xA050]  }
0x14f: {  	v4 =	vld [tilespmem:s24+$0x2050]  }
0x150: {  	v5 =	vld [tilespmem:s24+$0xA060]  }
0x151: {  	v1 =	vsub.f32 v1, v2;
	v2 =	vld [tilespmem:s24+$0x2060]  }
0x152: {  	v6 =	vld [tilespmem:s24+$0xA070]  }
0x153: {  	[tilespmem:s24+$0xA040] =	vst v1;
	v7 =	vld [tilespmem:s24+$0x2070]  }
0x154: {  	v3 =	vsub.f32 v4, v3;
	_ =	sdelay $0x1  }
0x155: {  	v1 =	vmul.f32 v1, v1;
	[tilespmem:s24+$0xA050] =	vst v3;
	v3 =	vmul.f32 v3, v3;
	v2 =	vsub.f32 v2, v5;
	_ =	sdelay $0x1  }
0x156: {  	v1 =	vadd.f32 v3, v1;
	v3 =	vmul.f32 v2, v2;
	v4 =	vsub.f32 v7, v6;
	_ =	sdelay $0x1  }
0x157: {  	v1 =	vadd.f32 v3, v1;
	[tilespmem:s24+$0xA070] =	vst v4;
	v3 =	vmul.f32 v4, v4;
	_ =	sdelay $0x1  }
0x158: {  	v1 =	vadd.f32 v3, v1  }
0x159: {  	[tilespmem:s24+$0xA060] =	vst v2  }
0x15a: {  	[tilespmem:s5+$0xFFFFFFE0] =	vst v1  }
0x15b: {  	v1 =	vld [tilespmem:s24+$0x2080]  }
0x15c: {  	v2 =	vld [tilespmem:s24+$0xA080]  }
0x15d: {  	v3 =	vld [tilespmem:s24+$0xA090]  }
0x15e: {  	v4 =	vld [tilespmem:s24+$0x2090]  }
0x15f: {  	v5 =	vld [tilespmem:s24+$0x20A0]  }
0x160: {  	v6 =	vld [tilespmem:s24+$0xA0A0]  }
0x161: {  	v1 =	vsub.f32 v1, v2;
	v2 =	vld [tilespmem:s24+$0x20B0]  }
0x162: {  	v7 =	vld [tilespmem:s24+$0xA0B0]  }
0x163: {  	[tilespmem:s24+$0xA080] =	vst v1;
	v3 =	vsub.f32 v4, v3;
	_ =	sdelay $0x1  }
0x164: {  	v1 =	vmul.f32 v1, v1;
	[tilespmem:s24+$0xA090] =	vst v3;
	v3 =	vmul.f32 v3, v3;
	v4 =	vsub.f32 v5, v6;
	_ =	sdelay $0x1  }
0x165: {  	v1 =	vadd.f32 v3, v1;
	[tilespmem:s24+$0xA0A0] =	vst v4;
	v3 =	vmul.f32 v4, v4;
	v2 =	vsub.f32 v2, v7;
	_ =	sdelay $0x1  }
0x166: {  	v1 =	vadd.f32 v3, v1;
	[tilespmem:s24+$0xA0B0] =	vst v2;
	v2 =	vmul.f32 v2, v2;
	_ =	sdelay $0x1  }
0x167: {  	v1 =	vadd.f32 v2, v1;
	_ =	sdelay $0x1  }
0x168: {  	[tilespmem:s5+$0xFFFFFFF0] =	vst v1  }
.Ltmp2:
0x169: {  	v3 =	vld [tilespmem:s24+$0x20C0];
	(pc) =	sbr.rel @p0 .LBB2_6-.Ltmp2, $4  }
0x16a: {  	v5 =	vld [tilespmem:s24+$0xA0C0]  }
0x16b: {  	v2 =	vld [tilespmem:s24+$0x20D0]  }
0x16c: {  	v4 =	vld [tilespmem:s24+$0xA0D0]  }
0x16d: {  	v1 =	vld [tilespmem:s24+$0x20E0]  }
0x16e: {  	v6 =	vld [tilespmem:s24+$0xA0E0]  }
0x16f: {  	v7 =	vld [tilespmem:s24+$0x20F0]  }
0x170: {  	v8 =	vld [tilespmem:s24+$0xA0F0]  }
0x171: {  	v3 =	vsub.f32 v3, v5;
	v2 =	vsub.f32 v2, v4;
	_ =	sdelay $0x1  }
0x172: {  	v4 =	vmul.f32 v3, v3;
	v5 =	vmul.f32 v2, v2;
	v1 =	vsub.f32 v1, v6;
	_ =	sdelay $0x1  }
0x173: {  	v6 =	vsub.f32 v7, v8;
	v4 =	vadd.f32 v5, v4;
	v5 =	vmul.f32 v1, v1;
	_ =	sdelay $0x1  }
0x174: {  	[tilespmem:s24+$0xA0C0] =	vst v3;
	v3 =	vadd.f32 v5, v4;
	v4 =	vmul.f32 v6, v6  }
0x175: {  	[tilespmem:s24+$0xA0D0] =	vst v2  }
0x176: {  	[tilespmem:s24+$0xA0E0] =	vst v1;
	v1 =	vadd.f32 v4, v3  }
0x177: {  	[tilespmem:s24+$0xA0F0] =	vst v6  }
0x178: {  	s5 =	simm.s32 $0x10080;
	s6 =	simm.s32 $0xA000;
	[tilespmem:s25+$0x0] =	vst v1  }
0x179: {  	[spmem:s3] =	stream.indirect.scatter.add.f32 [tilespmem:s6], [sflag:$0x4], $0x40, s5, s21, $0xb8;
	[tilespmem:$0x1B200] =	vst v63  }
0x17a: {  	_ =	swait.ge [sflag:s0], $0x2000  }
0x17b: {  	[sflag:s0] =	ssyncset.done $0x0  }
0x17c: {  	s24 =	simm.s32 $0x0;
	[sflag:s0] =	ssyncadd.s32 $0xFFFFE000  }
0x17d: {  	v1 =	vld [tilespmem:s24+$0xC000]  }
0x17e: {  	v2 =	vld [tilespmem:s24+$0xC010]  }
0x17f: {  	v3 =	vld [tilespmem:s24+$0x4000]  }
0x180: {  	v4 =	vld [tilespmem:s24+$0x4010]  }
0x181: {  	v5 =	vld [tilespmem:s24+$0xC020]  }
0x182: {  	v6 =	vld [tilespmem:s24+$0x4020]  }
0x183: {  	v7 =	vld [tilespmem:s24+$0xC030]  }
0x184: {  	v62 =	vld [tilespmem:s24+$0x4030]  }
0x185: {  	v1 =	vsub.f32 v3, v1;
	v2 =	vsub.f32 v4, v2;
	_ =	sdelay $0x1  }
0x186: {  	v5 =	vsub.f32 v6, v5;
	v3 =	vmul.f32 v1, v1;
	v4 =	vmul.f32 v2, v2;
	_ =	sdelay $0x1  }
0x187: {  	v6 =	vsub.f32 v62, v7;
	v3 =	vadd.f32 v4, v3;
	v4 =	vmul.f32 v5, v5;
	_ =	sdelay $0x1  }
0x188: {  	[tilespmem:s24+$0xC020] =	vst v5;
	v3 =	vadd.f32 v4, v3;
	v4 =	vmul.f32 v6, v6  }
0x189: {  	[tilespmem:s24+$0xC030] =	vst v6  }
0x18a: {  	[tilespmem:s24+$0xC010] =	vst v2;
	v2 =	vadd.f32 v4, v3  }
0x18b: {  	s5 =	simm.s32 $0x11230;
	[tilespmem:s24+$0xC000] =	vst v1  }
0x18c: {  	[tilespmem:s5+$0xFFFFFFD0] =	vst v2  }
0x18d: {  	v1 =	vld [tilespmem:s24+$0x4040]  }
0x18e: {  	v2 =	vld [tilespmem:s24+$0xC040];
	_ =	sdelay $0x1  }
0x18f: {  	v3 =	vld [tilespmem:s24+$0xC050]  }
0x190: {  	v4 =	vld [tilespmem:s24+$0x4050]  }
0x191: {  	v5 =	vld [tilespmem:s24+$0xC060]  }
0x192: {  	v1 =	vsub.f32 v1, v2;
	v2 =	vld [tilespmem:s24+$0x4060]  }
0x193: {  	v6 =	vld [tilespmem:s24+$0xC070]  }
0x194: {  	v7 =	vld [tilespmem:s24+$0x4070]  }
0x195: {  	v3 =	vsub.f32 v4, v3;
	_ =	sdelay $0x1  }
0x196: {  	[tilespmem:s24+$0xC040] =	vst v1;
	v1 =	vmul.f32 v1, v1;
	v4 =	vmul.f32 v3, v3;
	v2 =	vsub.f32 v2, v5;
	_ =	sdelay $0x1  }
0x197: {  	v1 =	vadd.f32 v4, v1;
	v5 =	vsub.f32 v7, v6;
	v4 =	vmul.f32 v2, v2;
	_ =	sdelay $0x1  }
0x198: {  	v1 =	vadd.f32 v4, v1;
	v4 =	vmul.f32 v5, v5  }
0x199: {  	[tilespmem:s24+$0xC050] =	vst v3  }
0x19a: {  	[tilespmem:s24+$0xC070] =	vst v5;
	v1 =	vadd.f32 v4, v1  }
0x19b: {  	[tilespmem:s24+$0xC060] =	vst v2  }
0x19c: {  	[tilespmem:s5+$0xFFFFFFE0] =	vst v1  }
0x19d: {  	v1 =	vld [tilespmem:s24+$0x4080]  }
0x19e: {  	v2 =	vld [tilespmem:s24+$0xC080]  }
0x19f: {  	v3 =	vld [tilespmem:s24+$0xC090]  }
0x1a0: {  	v4 =	vld [tilespmem:s24+$0x4090]  }
0x1a1: {  	v5 =	vld [tilespmem:s24+$0x40A0]  }
0x1a2: {  	v6 =	vld [tilespmem:s24+$0xC0A0]  }
0x1a3: {  	v7 =	vld [tilespmem:s24+$0x40B0]  }
0x1a4: {  	v63 =	vld [tilespmem:s24+$0xC0B0]  }
0x1a5: {  	v1 =	vsub.f32 v1, v2;
	v2 =	vsub.f32 v4, v3;
	_ =	sdelay $0x1  }
0x1a6: {  	v5 =	vsub.f32 v5, v6;
	v3 =	vmul.f32 v1, v1;
	v4 =	vmul.f32 v2, v2;
	_ =	sdelay $0x1  }
0x1a7: {  	v6 =	vsub.f32 v7, v63;
	v3 =	vadd.f32 v4, v3;
	v4 =	vmul.f32 v5, v5;
	_ =	sdelay $0x1  }
0x1a8: {  	[tilespmem:s24+$0xC080] =	vst v1;
	v1 =	vadd.f32 v4, v3;
	v3 =	vmul.f32 v6, v6  }
0x1a9: {  	[tilespmem:s24+$0xC090] =	vst v2  }
0x1aa: {  	[tilespmem:s24+$0xC0A0] =	vst v5;
	v1 =	vadd.f32 v3, v1  }
0x1ab: {  	[tilespmem:s24+$0xC0B0] =	vst v6  }
0x1ac: {  	[tilespmem:s5+$0xFFFFFFF0] =	vst v1  }
0x1ad: {  	v3 =	vld [tilespmem:s24+$0x40C0]  }
0x1ae: {  	v5 =	vld [tilespmem:s24+$0xC0C0]  }
0x1af: {  	v2 =	vld [tilespmem:s24+$0x40D0]  }
0x1b0: {  	v4 =	vld [tilespmem:s24+$0xC0D0]  }
0x1b1: {  	s25 =	simm.s32 $0x11230;
	s6 =	simm.s32 $0x400;
	v1 =	vld [tilespmem:s24+$0x40E0]  }
.LBB2_8:
0x1b2: {  	p0 =	sne.s32 s6, $0x7C00  }
0x1b3: {  	v6 =	vld [tilespmem:s24+$0xC0E0];
	s5 =	sadd.s32 $0x40, s5;
	s26 =	smov.u32 s6;
	s6 =	sadd.s32 $0x400, s6  }
0x1b4: {  	v3 =	vsub.f32 v3, v5;
	v5 =	vld [tilespmem:s24+$0x40F0]  }
0x1b5: {  	v7 =	vld [tilespmem:s24+$0xC0F0]  }
0x1b6: {  	[tilespmem:s24+$0xC0C0] =	vst v3;
	v2 =	vsub.f32 v2, v4;
	_ =	sdelay $0x1  }
0x1b7: {  	v3 =	vmul.f32 v3, v3;
	[tilespmem:s24+$0xC0D0] =	vst v2;
	v2 =	vmul.f32 v2, v2;
	v1 =	vsub.f32 v1, v6;
	_ =	sdelay $0x1  }
0x1b8: {  	v2 =	vadd.f32 v2, v3;
	[tilespmem:s24+$0xC0E0] =	vst v1;
	v1 =	vmul.f32 v1, v1;
	v3 =	vsub.f32 v5, v7;
	_ =	sdelay $0x1  }
0x1b9: {  	v1 =	vadd.f32 v1, v2;
	[tilespmem:s24+$0xC0F0] =	vst v3;
	v2 =	vmul.f32 v3, v3;
	_ =	sdelay $0x1  }
0x1ba: {  	v1 =	vadd.f32 v2, v1;
	_ =	sdelay $0x1  }
0x1bb: {  	s24 =	sshra.s32 s26, $0x2;
	[tilespmem:s25+$0x0] =	vst v1;
	s25 =	smov.u32 s5  }
0x1bc: {  	v1 =	vld [tilespmem:s24+$0xC000]  }
0x1bd: {  	v2 =	vld [tilespmem:s24+$0xC010]  }
0x1be: {  	v3 =	vld [tilespmem:s24+$0x4000]  }
0x1bf: {  	v4 =	vld [tilespmem:s24+$0x4010]  }
0x1c0: {  	v5 =	vld [tilespmem:s24+$0xC020]  }
0x1c1: {  	v6 =	vld [tilespmem:s24+$0x4020]  }
0x1c2: {  	v7 =	vld [tilespmem:s24+$0xC030]  }
0x1c3: {  	v8 =	vld [tilespmem:s24+$0x4030]  }
0x1c4: {  	v1 =	vsub.f32 v3, v1;
	v2 =	vsub.f32 v4, v2;
	_ =	sdelay $0x1  }
0x1c5: {  	v3 =	vmul.f32 v1, v1;
	v4 =	vmul.f32 v2, v2;
	v5 =	vsub.f32 v6, v5;
	_ =	sdelay $0x1  }
0x1c6: {  	v3 =	vadd.f32 v4, v3;
	[tilespmem:s24+$0xC020] =	vst v5;
	v4 =	vmul.f32 v5, v5;
	v5 =	vsub.f32 v8, v7;
	_ =	sdelay $0x1  }
0x1c7: {  	v3 =	vadd.f32 v4, v3;
	[tilespmem:s24+$0xC030] =	vst v5;
	v4 =	vmul.f32 v5, v5;
	_ =	sdelay $0x1  }
0x1c8: {  	[tilespmem:s24+$0xC010] =	vst v2;
	v2 =	vadd.f32 v4, v3  }
0x1c9: {  	[tilespmem:s24+$0xC000] =	vst v1  }
0x1ca: {  	[tilespmem:s5+$0xFFFFFFD0] =	vst v2  }
0x1cb: {  	v1 =	vld [tilespmem:s24+$0x4040]  }
0x1cc: {  	v2 =	vld [tilespmem:s24+$0xC040];
	_ =	sdelay $0x1  }
0x1cd: {  	v3 =	vld [tilespmem:s24+$0xC050]  }
0x1ce: {  	v4 =	vld [tilespmem:s24+$0x4050]  }
0x1cf: {  	v5 =	vld [tilespmem:s24+$0xC060]  }
0x1d0: {  	v1 =	vsub.f32 v1, v2;
	v2 =	vld [tilespmem:s24+$0x4060]  }
0x1d1: {  	v6 =	vld [tilespmem:s24+$0xC070]  }
0x1d2: {  	[tilespmem:s24+$0xC040] =	vst v1;
	v7 =	vld [tilespmem:s24+$0x4070]  }
0x1d3: {  	v3 =	vsub.f32 v4, v3;
	_ =	sdelay $0x1  }
0x1d4: {  	v1 =	vmul.f32 v1, v1;
	[tilespmem:s24+$0xC050] =	vst v3;
	v3 =	vmul.f32 v3, v3;
	v2 =	vsub.f32 v2, v5;
	_ =	sdelay $0x1  }
0x1d5: {  	v1 =	vadd.f32 v3, v1;
	v3 =	vmul.f32 v2, v2;
	v4 =	vsub.f32 v7, v6;
	_ =	sdelay $0x1  }
0x1d6: {  	v1 =	vadd.f32 v3, v1;
	[tilespmem:s24+$0xC070] =	vst v4;
	v3 =	vmul.f32 v4, v4;
	_ =	sdelay $0x1  }
0x1d7: {  	v1 =	vadd.f32 v3, v1  }
0x1d8: {  	[tilespmem:s24+$0xC060] =	vst v2  }
0x1d9: {  	[tilespmem:s5+$0xFFFFFFE0] =	vst v1  }
0x1da: {  	v1 =	vld [tilespmem:s24+$0x4080]  }
0x1db: {  	v2 =	vld [tilespmem:s24+$0xC080]  }
0x1dc: {  	v3 =	vld [tilespmem:s24+$0xC090]  }
0x1dd: {  	v4 =	vld [tilespmem:s24+$0x4090]  }
0x1de: {  	v5 =	vld [tilespmem:s24+$0x40A0]  }
0x1df: {  	v6 =	vld [tilespmem:s24+$0xC0A0]  }
0x1e0: {  	v1 =	vsub.f32 v1, v2;
	v2 =	vld [tilespmem:s24+$0x40B0]  }
0x1e1: {  	v7 =	vld [tilespmem:s24+$0xC0B0]  }
0x1e2: {  	[tilespmem:s24+$0xC080] =	vst v1;
	v3 =	vsub.f32 v4, v3;
	_ =	sdelay $0x1  }
0x1e3: {  	v1 =	vmul.f32 v1, v1;
	[tilespmem:s24+$0xC090] =	vst v3;
	v3 =	vmul.f32 v3, v3;
	v4 =	vsub.f32 v5, v6;
	_ =	sdelay $0x1  }
0x1e4: {  	v1 =	vadd.f32 v3, v1;
	[tilespmem:s24+$0xC0A0] =	vst v4;
	v3 =	vmul.f32 v4, v4;
	v2 =	vsub.f32 v2, v7;
	_ =	sdelay $0x1  }
0x1e5: {  	v1 =	vadd.f32 v3, v1;
	[tilespmem:s24+$0xC0B0] =	vst v2;
	v2 =	vmul.f32 v2, v2;
	_ =	sdelay $0x1  }
0x1e6: {  	v1 =	vadd.f32 v2, v1;
	_ =	sdelay $0x1  }
0x1e7: {  	[tilespmem:s5+$0xFFFFFFF0] =	vst v1  }
.Ltmp3:
0x1e8: {  	v3 =	vld [tilespmem:s24+$0x40C0];
	(pc) =	sbr.rel @p0 .LBB2_8-.Ltmp3, $4  }
0x1e9: {  	v5 =	vld [tilespmem:s24+$0xC0C0]  }
0x1ea: {  	v2 =	vld [tilespmem:s24+$0x40D0]  }
0x1eb: {  	v4 =	vld [tilespmem:s24+$0xC0D0]  }
0x1ec: {  	v1 =	vld [tilespmem:s24+$0x40E0]  }
0x1ed: {  	v6 =	vld [tilespmem:s24+$0xC0E0]  }
0x1ee: {  	v7 =	vld [tilespmem:s24+$0x40F0]  }
0x1ef: {  	v8 =	vld [tilespmem:s24+$0xC0F0]  }
0x1f0: {  	v3 =	vsub.f32 v3, v5;
	v2 =	vsub.f32 v2, v4;
	_ =	sdelay $0x1  }
0x1f1: {  	v4 =	vmul.f32 v3, v3;
	v5 =	vmul.f32 v2, v2;
	v1 =	vsub.f32 v1, v6;
	_ =	sdelay $0x1  }
0x1f2: {  	v6 =	vsub.f32 v7, v8;
	v4 =	vadd.f32 v5, v4;
	v5 =	vmul.f32 v1, v1;
	_ =	sdelay $0x1  }
0x1f3: {  	[tilespmem:s24+$0xC0C0] =	vst v3;
	v3 =	vadd.f32 v5, v4;
	v4 =	vmul.f32 v6, v6  }
0x1f4: {  	[tilespmem:s24+$0xC0D0] =	vst v2  }
0x1f5: {  	[tilespmem:s24+$0xC0E0] =	vst v1;
	v1 =	vadd.f32 v4, v3  }
0x1f6: {  	[tilespmem:s24+$0xC0F0] =	vst v6  }
0x1f7: {  	s5 =	simm.s32 $0x10100;
	s6 =	simm.s32 $0xC000;
	[tilespmem:s25+$0x0] =	vst v1  }
0x1f8: {  	[spmem:s3] =	stream.indirect.scatter.add.f32 [tilespmem:s6], [sflag:$0x4], $0x40, s5, s21, $0xb8;
	[tilespmem:$0x1B200] =	vst v63  }
0x1f9: {  	_ =	swait.ge [sflag:s0], $0x2000  }
0x1fa: {  	[sflag:s0] =	ssyncset.done $0x0  }
0x1fb: {  	s24 =	simm.s32 $0x0;
	[sflag:s0] =	ssyncadd.s32 $0xFFFFE000  }
0x1fc: {  	v1 =	vld [tilespmem:s24+$0xE000]  }
0x1fd: {  	v2 =	vld [tilespmem:s24+$0xE010]  }
0x1fe: {  	v3 =	vld [tilespmem:s24+$0x6000]  }
0x1ff: {  	v4 =	vld [tilespmem:s24+$0x6010]  }
0x200: {  	v5 =	vld [tilespmem:s24+$0xE020]  }
0x201: {  	v6 =	vld [tilespmem:s24+$0x6020]  }
0x202: {  	v7 =	vld [tilespmem:s24+$0xE030]  }
0x203: {  	v62 =	vld [tilespmem:s24+$0x6030]  }
0x204: {  	v1 =	vsub.f32 v3, v1;
	v2 =	vsub.f32 v4, v2;
	_ =	sdelay $0x1  }
0x205: {  	v5 =	vsub.f32 v6, v5;
	v3 =	vmul.f32 v1, v1;
	v4 =	vmul.f32 v2, v2;
	_ =	sdelay $0x1  }
0x206: {  	v6 =	vsub.f32 v62, v7;
	v3 =	vadd.f32 v4, v3;
	v4 =	vmul.f32 v5, v5;
	_ =	sdelay $0x1  }
0x207: {  	[tilespmem:s24+$0xE020] =	vst v5;
	v3 =	vadd.f32 v4, v3;
	v4 =	vmul.f32 v6, v6  }
0x208: {  	[tilespmem:s24+$0xE030] =	vst v6  }
0x209: {  	[tilespmem:s24+$0xE010] =	vst v2;
	v2 =	vadd.f32 v4, v3  }
0x20a: {  	s5 =	simm.s32 $0x11A30;
	[tilespmem:s24+$0xE000] =	vst v1  }
0x20b: {  	[tilespmem:s5+$0xFFFFFFD0] =	vst v2  }
0x20c: {  	v1 =	vld [tilespmem:s24+$0x6040]  }
0x20d: {  	v2 =	vld [tilespmem:s24+$0xE040];
	_ =	sdelay $0x1  }
0x20e: {  	v3 =	vld [tilespmem:s24+$0xE050]  }
0x20f: {  	v4 =	vld [tilespmem:s24+$0x6050]  }
0x210: {  	v5 =	vld [tilespmem:s24+$0xE060]  }
0x211: {  	v1 =	vsub.f32 v1, v2;
	v2 =	vld [tilespmem:s24+$0x6060]  }
0x212: {  	v6 =	vld [tilespmem:s24+$0xE070]  }
0x213: {  	v7 =	vld [tilespmem:s24+$0x6070]  }
0x214: {  	v3 =	vsub.f32 v4, v3;
	_ =	sdelay $0x1  }
0x215: {  	[tilespmem:s24+$0xE040] =	vst v1;
	v1 =	vmul.f32 v1, v1;
	v4 =	vmul.f32 v3, v3;
	v2 =	vsub.f32 v2, v5;
	_ =	sdelay $0x1  }
0x216: {  	v1 =	vadd.f32 v4, v1;
	v5 =	vsub.f32 v7, v6;
	v4 =	vmul.f32 v2, v2;
	_ =	sdelay $0x1  }
0x217: {  	v1 =	vadd.f32 v4, v1;
	v4 =	vmul.f32 v5, v5  }
0x218: {  	[tilespmem:s24+$0xE050] =	vst v3  }
0x219: {  	[tilespmem:s24+$0xE070] =	vst v5;
	v1 =	vadd.f32 v4, v1  }
0x21a: {  	[tilespmem:s24+$0xE060] =	vst v2  }
0x21b: {  	[tilespmem:s5+$0xFFFFFFE0] =	vst v1  }
0x21c: {  	v1 =	vld [tilespmem:s24+$0x6080]  }
0x21d: {  	v2 =	vld [tilespmem:s24+$0xE080]  }
0x21e: {  	v3 =	vld [tilespmem:s24+$0xE090]  }
0x21f: {  	v4 =	vld [tilespmem:s24+$0x6090]  }
0x220: {  	v5 =	vld [tilespmem:s24+$0x60A0]  }
0x221: {  	v6 =	vld [tilespmem:s24+$0xE0A0]  }
0x222: {  	v7 =	vld [tilespmem:s24+$0x60B0]  }
0x223: {  	v63 =	vld [tilespmem:s24+$0xE0B0]  }
0x224: {  	v1 =	vsub.f32 v1, v2;
	v2 =	vsub.f32 v4, v3;
	_ =	sdelay $0x1  }
0x225: {  	v5 =	vsub.f32 v5, v6;
	v3 =	vmul.f32 v1, v1;
	v4 =	vmul.f32 v2, v2;
	_ =	sdelay $0x1  }
0x226: {  	v6 =	vsub.f32 v7, v63;
	v3 =	vadd.f32 v4, v3;
	v4 =	vmul.f32 v5, v5;
	_ =	sdelay $0x1  }
0x227: {  	[tilespmem:s24+$0xE080] =	vst v1;
	v1 =	vadd.f32 v4, v3;
	v3 =	vmul.f32 v6, v6  }
0x228: {  	[tilespmem:s24+$0xE090] =	vst v2  }
0x229: {  	[tilespmem:s24+$0xE0A0] =	vst v5;
	v1 =	vadd.f32 v3, v1  }
0x22a: {  	[tilespmem:s24+$0xE0B0] =	vst v6  }
0x22b: {  	[tilespmem:s5+$0xFFFFFFF0] =	vst v1  }
0x22c: {  	v3 =	vld [tilespmem:s24+$0x60C0]  }
0x22d: {  	v5 =	vld [tilespmem:s24+$0xE0C0]  }
0x22e: {  	v2 =	vld [tilespmem:s24+$0x60D0]  }
0x22f: {  	v4 =	vld [tilespmem:s24+$0xE0D0]  }
0x230: {  	s25 =	simm.s32 $0x11A30;
	s6 =	simm.s32 $0x400;
	v1 =	vld [tilespmem:s24+$0x60E0]  }
.LBB2_10:
0x231: {  	p0 =	sne.s32 s6, $0x7C00  }
0x232: {  	v6 =	vld [tilespmem:s24+$0xE0E0];
	s5 =	sadd.s32 $0x40, s5;
	s26 =	smov.u32 s6;
	s6 =	sadd.s32 $0x400, s6  }
0x233: {  	v3 =	vsub.f32 v3, v5;
	v5 =	vld [tilespmem:s24+$0x60F0]  }
0x234: {  	v7 =	vld [tilespmem:s24+$0xE0F0]  }
0x235: {  	[tilespmem:s24+$0xE0C0] =	vst v3;
	v2 =	vsub.f32 v2, v4;
	_ =	sdelay $0x1  }
0x236: {  	v3 =	vmul.f32 v3, v3;
	[tilespmem:s24+$0xE0D0] =	vst v2;
	v2 =	vmul.f32 v2, v2;
	v1 =	vsub.f32 v1, v6;
	_ =	sdelay $0x1  }
0x237: {  	v2 =	vadd.f32 v2, v3;
	[tilespmem:s24+$0xE0E0] =	vst v1;
	v1 =	vmul.f32 v1, v1;
	v3 =	vsub.f32 v5, v7;
	_ =	sdelay $0x1  }
0x238: {  	v1 =	vadd.f32 v1, v2;
	[tilespmem:s24+$0xE0F0] =	vst v3;
	v2 =	vmul.f32 v3, v3;
	_ =	sdelay $0x1  }
0x239: {  	v1 =	vadd.f32 v2, v1;
	_ =	sdelay $0x1  }
0x23a: {  	s24 =	sshra.s32 s26, $0x2;
	[tilespmem:s25+$0x0] =	vst v1;
	s25 =	smov.u32 s5  }
0x23b: {  	v1 =	vld [tilespmem:s24+$0xE000]  }
0x23c: {  	v2 =	vld [tilespmem:s24+$0xE010]  }
0x23d: {  	v3 =	vld [tilespmem:s24+$0x6000]  }
0x23e: {  	v4 =	vld [tilespmem:s24+$0x6010]  }
0x23f: {  	v5 =	vld [tilespmem:s24+$0xE020]  }
0x240: {  	v6 =	vld [tilespmem:s24+$0x6020]  }
0x241: {  	v7 =	vld [tilespmem:s24+$0xE030]  }
0x242: {  	v8 =	vld [tilespmem:s24+$0x6030]  }
0x243: {  	v1 =	vsub.f32 v3, v1;
	v2 =	vsub.f32 v4, v2;
	_ =	sdelay $0x1  }
0x244: {  	v3 =	vmul.f32 v1, v1;
	v4 =	vmul.f32 v2, v2;
	v5 =	vsub.f32 v6, v5;
	_ =	sdelay $0x1  }
0x245: {  	v3 =	vadd.f32 v4, v3;
	[tilespmem:s24+$0xE020] =	vst v5;
	v4 =	vmul.f32 v5, v5;
	v5 =	vsub.f32 v8, v7;
	_ =	sdelay $0x1  }
0x246: {  	v3 =	vadd.f32 v4, v3;
	[tilespmem:s24+$0xE030] =	vst v5;
	v4 =	vmul.f32 v5, v5;
	_ =	sdelay $0x1  }
0x247: {  	[tilespmem:s24+$0xE010] =	vst v2;
	v2 =	vadd.f32 v4, v3  }
0x248: {  	[tilespmem:s24+$0xE000] =	vst v1  }
0x249: {  	[tilespmem:s5+$0xFFFFFFD0] =	vst v2  }
0x24a: {  	v1 =	vld [tilespmem:s24+$0x6040]  }
0x24b: {  	v2 =	vld [tilespmem:s24+$0xE040];
	_ =	sdelay $0x1  }
0x24c: {  	v3 =	vld [tilespmem:s24+$0xE050]  }
0x24d: {  	v4 =	vld [tilespmem:s24+$0x6050]  }
0x24e: {  	v5 =	vld [tilespmem:s24+$0xE060]  }
0x24f: {  	v1 =	vsub.f32 v1, v2;
	v2 =	vld [tilespmem:s24+$0x6060]  }
0x250: {  	v6 =	vld [tilespmem:s24+$0xE070]  }
0x251: {  	[tilespmem:s24+$0xE040] =	vst v1;
	v7 =	vld [tilespmem:s24+$0x6070]  }
0x252: {  	v3 =	vsub.f32 v4, v3;
	_ =	sdelay $0x1  }
0x253: {  	v1 =	vmul.f32 v1, v1;
	[tilespmem:s24+$0xE050] =	vst v3;
	v3 =	vmul.f32 v3, v3;
	v2 =	vsub.f32 v2, v5;
	_ =	sdelay $0x1  }
0x254: {  	v1 =	vadd.f32 v3, v1;
	v3 =	vmul.f32 v2, v2;
	v4 =	vsub.f32 v7, v6;
	_ =	sdelay $0x1  }
0x255: {  	v1 =	vadd.f32 v3, v1;
	[tilespmem:s24+$0xE070] =	vst v4;
	v3 =	vmul.f32 v4, v4;
	_ =	sdelay $0x1  }
0x256: {  	v1 =	vadd.f32 v3, v1  }
0x257: {  	[tilespmem:s24+$0xE060] =	vst v2  }
0x258: {  	[tilespmem:s5+$0xFFFFFFE0] =	vst v1  }
0x259: {  	v1 =	vld [tilespmem:s24+$0x6080]  }
0x25a: {  	v2 =	vld [tilespmem:s24+$0xE080]  }
0x25b: {  	v3 =	vld [tilespmem:s24+$0xE090]  }
0x25c: {  	v4 =	vld [tilespmem:s24+$0x6090]  }
0x25d: {  	v5 =	vld [tilespmem:s24+$0x60A0]  }
0x25e: {  	v6 =	vld [tilespmem:s24+$0xE0A0]  }
0x25f: {  	v1 =	vsub.f32 v1, v2;
	v2 =	vld [tilespmem:s24+$0x60B0]  }
0x260: {  	v7 =	vld [tilespmem:s24+$0xE0B0]  }
0x261: {  	[tilespmem:s24+$0xE080] =	vst v1;
	v3 =	vsub.f32 v4, v3;
	_ =	sdelay $0x1  }
0x262: {  	v1 =	vmul.f32 v1, v1;
	[tilespmem:s24+$0xE090] =	vst v3;
	v3 =	vmul.f32 v3, v3;
	v4 =	vsub.f32 v5, v6;
	_ =	sdelay $0x1  }
0x263: {  	v1 =	vadd.f32 v3, v1;
	[tilespmem:s24+$0xE0A0] =	vst v4;
	v3 =	vmul.f32 v4, v4;
	v2 =	vsub.f32 v2, v7;
	_ =	sdelay $0x1  }
0x264: {  	v1 =	vadd.f32 v3, v1;
	[tilespmem:s24+$0xE0B0] =	vst v2;
	v2 =	vmul.f32 v2, v2;
	_ =	sdelay $0x1  }
0x265: {  	v1 =	vadd.f32 v2, v1;
	_ =	sdelay $0x1  }
0x266: {  	[tilespmem:s5+$0xFFFFFFF0] =	vst v1  }
.Ltmp4:
0x267: {  	v3 =	vld [tilespmem:s24+$0x60C0];
	(pc) =	sbr.rel @p0 .LBB2_10-.Ltmp4, $4  }
0x268: {  	v5 =	vld [tilespmem:s24+$0xE0C0]  }
0x269: {  	v2 =	vld [tilespmem:s24+$0x60D0]  }
0x26a: {  	v4 =	vld [tilespmem:s24+$0xE0D0]  }
0x26b: {  	v1 =	vld [tilespmem:s24+$0x60E0]  }
0x26c: {  	v6 =	vld [tilespmem:s24+$0xE0E0]  }
0x26d: {  	v7 =	vld [tilespmem:s24+$0x60F0]  }
0x26e: {  	v8 =	vld [tilespmem:s24+$0xE0F0]  }
0x26f: {  	v3 =	vsub.f32 v3, v5;
	v2 =	vsub.f32 v2, v4;
	_ =	sdelay $0x1  }
0x270: {  	v59 =	vmul.f32 v3, v3;
	v1 =	vsub.f32 v1, v6;
	v60 =	vmul.f32 v2, v2;
	_ =	sdelay $0x1  }
0x271: {  	v62 =	vsub.f32 v7, v8;
	v4 =	vadd.f32 v60, v59;
	v61 =	vmul.f32 v1, v1;
	_ =	sdelay $0x1  }
0x272: {  	[tilespmem:s24+$0xE0C0] =	vst v3;
	v63 =	vmul.f32 v62, v62;
	v3 =	vadd.f32 v61, v4  }
0x273: {  	[tilespmem:s24+$0xE0D0] =	vst v2  }
0x274: {  	[tilespmem:s24+$0xE0E0] =	vst v1;
	v1 =	vadd.f32 v63, v3  }
0x275: {  	[tilespmem:s24+$0xE0F0] =	vst v62  }
0x276: {  	[tilespmem:s25+$0x0] =	vst v1  }
0x277: {  	[spmem:s3] =	stream.indirect.scatter.add.f32 [tilespmem:s29], [sflag:$0x4], $0x40, s28, s21, $0xb8;
	[tilespmem:$0x1B200] =	vst v63  }
0x278: {  	s5 =	simm.s32 $0x10200  }
0x279: {  	[hbm4b:s15+s4] =	stream.linear.scatter [tilespmem:s5], [sflag:$0x1], $0x2000, $0x38;
	[tilespmem:$0x1B200] =	vst v63  }
0x27a: {  	_ =	swait.ge [sflag:s1], $0x2000  }
0x27b: {  	[sflag:s1] =	ssyncset.done $0x0  }
0x27c: {  	[sflag:s1] =	ssyncadd.s32 $0xFFFFE000  }
0x27d: {  	_ =	swait.ge [sflag:s1], $0x2000  }
0x27e: {  	[sflag:s1] =	ssyncset.done $0x0  }
0x27f: {  	[sflag:s1] =	ssyncadd.s32 $0xFFFFE000  }
0x280: {  	_ =	swait.ge [sflag:s1], $0x2000  }
0x281: {  	[sflag:s1] =	ssyncset.done $0x0  }
0x282: {  	[sflag:s1] =	ssyncadd.s32 $0xFFFFE000  }
0x283: {  	_ =	swait.ge [sflag:s1], $0x2000  }
0x284: {  	s26 =	stileid.u32;
	[sflag:s1] =	ssyncset.done $0x0  }
0x285: {  	s6 =	sshrl.u32 s7, $0x3;
	s5 =	sshll.u32 s26, $0x6;
	[sflag:s1] =	ssyncadd.s32 $0xFFFFE000  }
0x286: {  	s23 =	sadd.s32 $0x1, s23;
	s5 =	sor.u32 $0x1C06, s5;
	[bflag:$0x0] =	sbarrier.arrive $0xFFFF  }
0x287: {  	[hbm:s16], [sflag:s5] =	dma.local [spmem:s6], $0x1000  }
0x288: {  	p0 =	sne.s32 s23, s17;
	_ =	swait.ge [sflag:s22], $0x1000  }
.Ltmp5:
0x289: {  	[sflag:s22] =	ssyncset.done $0x0;
	(pc) =	sbr.rel @p0 .LBB2_1-.Ltmp5, $4  }
0x28a: {  	[sflag:s22] =	ssyncadd.s32 $0xFFFFF000  }
0x28b: {  	_ =	swait.ge [sflag:s31], $0x2000  }
0x28c: {  	[sflag:s31] =	ssyncset.done $0x0  }
0x28d: {  	[sflag:s31] =	ssyncadd.s32 $0xFFFFE000  }
0x28e: {  	_ =	sfence.sel $0x180000  }
0x28f: {  	[bflag:$0x0] =	sbarrier.arrive $0xFFFF  }
0x290: {  	_ =	strace $0x90000047  }
0x291: {  	s0 =	stileid.u32;
	[bflag:$0x2] =	sbarrier.arrive $0xFFFF  }
0x292: {  	p0 =	sne.s32 s0, $0x0;
	s0 =	rddreg [dreg:$0x4]  }
0x293: {  	s0 =	sadd.s32 @!p0 $0x100000, s0  }
0x294: {  	[sflag:s0] =	ssyncadd.tile.s32 @!p0 $0x1;
	_ =	shalt  }
.Lfunc_end2:
_tile_overlayer_lowered:
.L_overlay_start_2:
0x295: {  	(tag) =	ssettag $0x2  }
0x296: {  	s0 =	rddreg [dreg:$0x0];
	s2 =	stileid.u32  }
0x297: {  	s1 =	rddreg [dreg:$0x1];
	p0 =	sne.s32 s2, $0x0  }
0x298: {  	s3 =	rddreg [dreg:$0x2];
	[bflag:$0x3] =	sbarrier.arrive $0xFFFF;
	s2 =	simm.s32 @!p0 $0x1C06  }
0x299: {  	[timem:s3], [sflag:s2] =	dma.local @!p0 [hbm:s0], s1  }
0x29a: {  	s0 =	simm.s32 @!p0 $0x6  }
0x29b: {  	_ =	swait.ge @!p0 [sflag:s0], s1  }
0x29c: {  	s1 =	ssub.s32 @!p0 $0x0, s1;
	[sflag:s0] =	ssyncset.done @!p0 $0x0  }
0x29d: {  	[sflag:s0] =	ssyncadd.s32 @!p0 s1  }
0x29e: {  	[bflag:$0x3] =	sbarrier.arrive $0xFFFF  }
0x29f: {  	_ =	shalt  }

</sc_bundles>
